<compile_context>
chip_gen: v7x
topology: tpu7x:2x2x1
jax: 0.10.2.dev20260603
libtpu: 0.0.44.dev20260713+nightly
codegen_flags: <defaults>
</compile_context>

<pallas_src>
import functools

import jax
import jax.numpy as jnp
from jax import lax
from jax.experimental import pallas as pl
from jax.experimental.pallas import tpu as pltpu
from jax.experimental.pallas import tpu_sc as plsc

_NBUF = 3
_CHUNK = 336
_NCHUNKS = 2976


def _rsqrt_vec(s):
    i = lax.bitcast_convert_type(s, jnp.int32)
    i = jnp.int32(0x5F3759DF) - lax.shift_right_logical(i, 1)
    y = lax.bitcast_convert_type(i, jnp.float32)
    for _ in range(2):
        y = y * (jnp.float32(1.5) - jnp.float32(0.5) * s * y * y)
    return y


def _allsum(p):
    lanes = jnp.arange(16, dtype=jnp.int32)
    for k in (1, 2, 4, 8):
        p = p + p.at[lanes ^ k].get(mode="promise_in_bounds")
    return p


def _normalize_rows(buf, nrows, exempt=None):
    @plsc.parallel_loop(0, nrows, unroll=4)
    def do_row(r):
        v0 = buf[r, pl.ds(0, 16)]
        v1 = buf[r, pl.ds(16, 16)]
        v2 = buf[r, pl.ds(32, 16)]
        v3 = buf[r, pl.ds(48, 16)]
        ssq = _allsum(v0 * v0 + v1 * v1 + v2 * v2 + v3 * v3)
        iv = _rsqrt_vec(ssq)
        if exempt is not None:
            gbase, last = exempt
            iv = jnp.where(gbase + r == last, jnp.float32(1.0), iv)
        buf[r, pl.ds(0, 16)] = v0 * iv
        buf[r, pl.ds(16, 16)] = v1 * iv
        buf[r, pl.ds(32, 16)] = v2 * iv
        buf[r, pl.ds(48, 16)] = v3 * iv


def kernel(entity_embds, rel_embds):
    n, d = entity_embds.shape
    mesh = plsc.VectorSubcoreMesh(core_axis_name="c", subcore_axis_name="s")
    nw = mesh.num_cores * mesh.num_subcores
    chunk = _CHUNK
    nchunks = _NCHUNKS
    tail = n - nchunks * chunk
    per_worker = nchunks // nw
    main_iters = per_worker // _NBUF
    peel = per_worker % _NBUF

    @functools.partial(
        pl.kernel,
        out_type=jax.ShapeDtypeStruct((n, d), jnp.float32),
        mesh=mesh,
        scratch_types=(
            [pltpu.VMEM((chunk, d), jnp.float32)] * _NBUF
            + [pltpu.SemaphoreType.DMA] * (2 * _NBUF)
        ),
    )
    def body(ent_hbm, out_hbm, *scratch):
        bufs = scratch[:_NBUF]
        sin = scratch[_NBUF:2 * _NBUF]
        sout = scratch[2 * _NBUF:]
        wid = lax.axis_index("s") * mesh.num_cores + lax.axis_index("c")

        def base(k):
            return pl.multiple_of((wid + k * nw) * chunk, 8)

        def fire_in(k, b):
            pltpu.async_copy(ent_hbm.at[pl.ds(base(k), chunk)], bufs[b], sin[b])

        def wait_in(k, b):
            pltpu.make_async_copy(
                ent_hbm.at[pl.ds(base(k), chunk)], bufs[b], sin[b]).wait()

        def fire_out(k, b):
            pltpu.async_copy(bufs[b], out_hbm.at[pl.ds(base(k), chunk)], sout[b])

        def wait_out(k, b):
            pltpu.make_async_copy(
                bufs[b], out_hbm.at[pl.ds(base(k), chunk)], sout[b]).wait()

        for j in range(_NBUF - 1):
            fire_in(j, j)

        def outer(kk, carry):
            for b in range(_NBUF):
                k = kk * _NBUF + b
                wait_in(k, b)
                _normalize_rows(bufs[b], chunk)
                fire_out(k, b)
                nxt = (b + _NBUF - 1) % _NBUF

                @pl.when(k == 0)
                def _():
                    fire_in(_NBUF - 1, _NBUF - 1)

                @pl.when(jnp.logical_and(k >= 1, k + _NBUF - 1 < per_worker))
                def _():
                    wait_out(k - 1, nxt)
                    fire_in(k + _NBUF - 1, nxt)
            return carry

        lax.fori_loop(0, main_iters, outer, 0)
        for i in range(peel):
            k = main_iters * _NBUF + i
            wait_in(k, k % _NBUF)
            _normalize_rows(bufs[k % _NBUF], chunk)
            fire_out(k, k % _NBUF)
        for k in range(per_worker - _NBUF, per_worker):
            wait_out(k, k % _NBUF)

        @pl.when(wid < tail // 8)
        def _():
            tb = pl.multiple_of(nchunks * chunk + wid * 8, 8)
            tbuf = bufs[0].at[pl.ds(0, 8)]
            pltpu.sync_copy(ent_hbm.at[pl.ds(tb, 8)], tbuf)
            _normalize_rows(tbuf, 8, exempt=(tb, n - 1))
            pltpu.sync_copy(tbuf, out_hbm.at[pl.ds(tb, 8)])

    out = body(entity_embds)
    return (out, rel_embds)

# --- scband reference (transcript-rebuilt; emitter-appended) ---
"""Pipeline reference for scband-base-model-17497696764372 (READ-ONLY COPY).

The authoritative reference and input builder live on the scoring server;
editing this copy changes nothing except your own understanding.
"""

import jax, jax.numpy as jnp
import numpy as np

NUM_ENTITIES = 1000000
NUM_RELATIONS = 1000
EMB_DIM = 64

def setup_inputs(seed: int = 0) -> dict:
    key = jax.random.key(seed)
    k1, k2 = jax.random.split(key)
    entity_embds = jax.random.normal(k1, (NUM_ENTITIES, EMB_DIM), dtype=jnp.float32)
    rel_embds = jax.random.normal(k2, (NUM_RELATIONS, EMB_DIM), dtype=jnp.float32)
    return {"entity_embds": entity_embds, "rel_embds": rel_embds}

def reference(entity_embds, rel_embds):
    # Faithful translation of BaseModel.forward:
    #   self.entity_embds.data[:-1, :].div_(norm(p=2, dim=1, keepdim=True))
    #   return (self.entity_embds, self.rel_embds)
    norms = jnp.linalg.norm(entity_embds[:-1, :], ord=2, axis=1, keepdims=True)
    ent_normalized = entity_embds.at[:-1, :].set(entity_embds[:-1, :] / norms)
    return (ent_normalized, rel_embds)

if __name__ == "__main__":
    import jax
    _d = setup_inputs()
    print(jax.jit(kernel)(*tuple(_d.values())))

</pallas_src>

<mosaic_0001>
#map = affine_map<(d0, d1) -> (0, 0)>
module attributes {stable_mosaic.version = 14 : i64} {
  func.func @body(%arg0: i32, %arg1: i32, %arg2: memref<1000000x64xf32, #tpu.memory_space<hbm>>, %arg3: memref<1000000x64xf32, #tpu.memory_space<hbm>>, %arg4: memref<336x64xf32, #tpu.memory_space<vmem>>, %arg5: memref<336x64xf32, #tpu.memory_space<vmem>>, %arg6: memref<336x64xf32, #tpu.memory_space<vmem>>, %arg7: memref<!tpu.dma_semaphore, #tpu.memory_space<semaphore_mem>>, %arg8: memref<!tpu.dma_semaphore, #tpu.memory_space<semaphore_mem>>, %arg9: memref<!tpu.dma_semaphore, #tpu.memory_space<semaphore_mem>>, %arg10: memref<!tpu.dma_semaphore, #tpu.memory_space<semaphore_mem>>, %arg11: memref<!tpu.dma_semaphore, #tpu.memory_space<semaphore_mem>>, %arg12: memref<!tpu.dma_semaphore, #tpu.memory_space<semaphore_mem>>) attributes {dimension_semantics = [#tpu.dimension_semantics<core_parallel>, #tpu.dimension_semantics<subcore_parallel>], iteration_bounds = array<i64: 2, 16>, scalar_prefetch = 0 : i64, scratch_operands = 9 : i64, tpu.core_type = #tpu.core_type<sc_vector_subcore>, window_params = [{transform_indices = #map}, {transform_indices = #map}]} {
    %mul3A = arith.constant 2 : i32
    %mul3A_0 = arith.muli %arg1, %mul3A : i32
    %add3A = arith.addi %mul3A_0, %arg0 : i32
    %add3A_1 = arith.constant 0 : i32
    %add3A_2 = arith.addi %add3A, %add3A_1 : i32
    %mul3A_3 = arith.constant 336 : i32
    %mul3A_4 = arith.muli %add3A_2, %mul3A_3 : i32
    %multiple_of3A = tpu.assume_multiple %mul3A_4, 8 : i32
    %dma_start3A = arith.constant 0 : i32
    %dma_start3A_5 = tpu.memref_slice %arg2[%multiple_of3A, %dma_start3A] : memref<1000000x64xf32, #tpu.memory_space<hbm>> -> memref<336x64xf32, #tpu.memory_space<hbm>>
    %dma_start3A_6 = arith.constant 0 : i32
    %dma_start3A_7 = tpu.memref_slice %arg2[%multiple_of3A, %dma_start3A_6] : memref<1000000x64xf32, #tpu.memory_space<hbm>> -> memref<336x64xf32, #tpu.memory_space<hbm>>
    tpu.enqueue_dma source(%dma_start3A_7 : memref<336x64xf32, #tpu.memory_space<hbm>>) target(%arg4 : memref<336x64xf32, #tpu.memory_space<vmem>>) target_semaphore(%arg7 : memref<!tpu.dma_semaphore, #tpu.memory_space<semaphore_mem>>)
    %add3A_8 = arith.constant 32 : i32
    %add3A_9 = arith.addi %add3A, %add3A_8 : i32
    %mul3A_10 = arith.constant 336 : i32
    %mul3A_11 = arith.muli %add3A_9, %mul3A_10 : i32
    %multiple_of3A_12 = tpu.assume_multiple %mul3A_11, 8 : i32
    %dma_start3A_13 = arith.constant 0 : i32
    %dma_start3A_14 = tpu.memref_slice %arg2[%multiple_of3A_12, %dma_start3A_13] : memref<1000000x64xf32, #tpu.memory_space<hbm>> -> memref<336x64xf32, #tpu.memory_space<hbm>>
    %dma_start3A_15 = arith.constant 0 : i32
    %dma_start3A_16 = tpu.memref_slice %arg2[%multiple_of3A_12, %dma_start3A_15] : memref<1000000x64xf32, #tpu.memory_space<hbm>> -> memref<336x64xf32, #tpu.memory_space<hbm>>
    tpu.enqueue_dma source(%dma_start3A_16 : memref<336x64xf32, #tpu.memory_space<hbm>>) target(%arg5 : memref<336x64xf32, #tpu.memory_space<vmem>>) target_semaphore(%arg8 : memref<!tpu.dma_semaphore, #tpu.memory_space<semaphore_mem>>)
    %scan3A = arith.constant 0 : i32
    %scan3A_17 = arith.constant 0 : i32
    %scan3A_18 = arith.constant 31 : i32
    %scan3A_19 = arith.addi %scan3A_17, %scan3A_18 : i32
    %scan3A_20 = arith.constant 1 : i32
    scf.for %scan3A_50 = %scan3A_17 to %scan3A_19 step %scan3A_20  : i32 {
      %mul3A_51 = arith.constant 3 : i32
      %mul3A_52 = arith.muli %scan3A_50, %mul3A_51 : i32
      %add3A_53 = arith.constant 0 : i32
      %add3A_54 = arith.addi %mul3A_52, %add3A_53 : i32
      %mul3A_55 = arith.constant 32 : i32
      %mul3A_56 = arith.muli %add3A_54, %mul3A_55 : i32
      %add3A_57 = arith.addi %add3A, %mul3A_56 : i32
      %mul3A_58 = arith.constant 336 : i32
      %mul3A_59 = arith.muli %add3A_57, %mul3A_58 : i32
      %multiple_of3A_60 = tpu.assume_multiple %mul3A_59, 8 : i32
      %dma_wait3A_61 = arith.constant 0 : i32
      %dma_wait3A_62 = tpu.memref_slice %arg2[%multiple_of3A_60, %dma_wait3A_61] : memref<1000000x64xf32, #tpu.memory_space<hbm>> -> memref<336x64xf32, #tpu.memory_space<hbm>>
      %dma_wait3A_63 = arith.constant 0 : i32
      %dma_wait3A_64 = tpu.memref_slice %arg2[%multiple_of3A_60, %dma_wait3A_63] : memref<1000000x64xf32, #tpu.memory_space<hbm>> -> memref<336x64xf32, #tpu.memory_space<hbm>>
      tpu.wait_dma2 semaphore(%arg7 : memref<!tpu.dma_semaphore, #tpu.memory_space<semaphore_mem>>) src(%dma_wait3A_64 : memref<336x64xf32, #tpu.memory_space<hbm>>) dst(%arg4 : memref<336x64xf32, #tpu.memory_space<vmem>>)
      %parallel_loop3A = arith.constant 0 : i32
      %parallel_loop3A_65 = arith.constant 336 : i32
      %parallel_loop3A_66 = arith.constant 1 : i32
      scf.for %parallel_loop3A_178 = %parallel_loop3A to %parallel_loop3A_65 step %parallel_loop3A_66  : i32 {
        %parallel_loop3A_179 = arith.index_cast %parallel_loop3A_178 : i32 to index
        %parallel_loop3A_180 = arith.constant 0 : index
        %parallel_loop3A_181 = tpu.vector_load %arg4[%parallel_loop3A_179, %parallel_loop3A_180] {strides = array<i32>} : memref<336x64xf32, #tpu.memory_space<vmem>>, vector<1x16xf32>,
        %parallel_loop3A_182 = vector.shape_cast %parallel_loop3A_181 : vector<1x16xf32> to vector<16xf32>
        %parallel_loop3A_183 = arith.index_cast %parallel_loop3A_178 : i32 to index
        %parallel_loop3A_184 = arith.constant 16 : index
        %parallel_loop3A_185 = tpu.vector_load %arg4[%parallel_loop3A_183, %parallel_loop3A_184] {strides = array<i32>} : memref<336x64xf32, #tpu.memory_space<vmem>>, vector<1x16xf32>,
        %parallel_loop3A_186 = vector.shape_cast %parallel_loop3A_185 : vector<1x16xf32> to vector<16xf32>
        %parallel_loop3A_187 = arith.index_cast %parallel_loop3A_178 : i32 to index
        %parallel_loop3A_188 = arith.constant 32 : index
        %parallel_loop3A_189 = tpu.vector_load %arg4[%parallel_loop3A_187, %parallel_loop3A_188] {strides = array<i32>} : memref<336x64xf32, #tpu.memory_space<vmem>>, vector<1x16xf32>,
        %parallel_loop3A_190 = vector.shape_cast %parallel_loop3A_189 : vector<1x16xf32> to vector<16xf32>
        %parallel_loop3A_191 = arith.index_cast %parallel_loop3A_178 : i32 to index
        %parallel_loop3A_192 = arith.constant 48 : index
        %parallel_loop3A_193 = tpu.vector_load %arg4[%parallel_loop3A_191, %parallel_loop3A_192] {strides = array<i32>} : memref<336x64xf32, #tpu.memory_space<vmem>>, vector<1x16xf32>,
        %parallel_loop3A_194 = vector.shape_cast %parallel_loop3A_193 : vector<1x16xf32> to vector<16xf32>
        %parallel_loop3A_195 = arith.mulf %parallel_loop3A_182, %parallel_loop3A_182 : vector<16xf32>
        %parallel_loop3A_196 = arith.mulf %parallel_loop3A_186, %parallel_loop3A_186 : vector<16xf32>
        %parallel_loop3A_197 = arith.addf %parallel_loop3A_195, %parallel_loop3A_196 : vector<16xf32>
        %parallel_loop3A_198 = arith.mulf %parallel_loop3A_190, %parallel_loop3A_190 : vector<16xf32>
        %parallel_loop3A_199 = arith.addf %parallel_loop3A_197, %parallel_loop3A_198 : vector<16xf32>
        %parallel_loop3A_200 = arith.mulf %parallel_loop3A_194, %parallel_loop3A_194 : vector<16xf32>
        %parallel_loop3A_201 = arith.addf %parallel_loop3A_199, %parallel_loop3A_200 : vector<16xf32>
        %parallel_loop3A_202 = tpu.iota {dimensions = array<i32: 0>} : vector<16xi32>
        %parallel_loop3A_203 = arith.constant 1 : i32
        %parallel_loop3A_204 = vector.broadcast %parallel_loop3A_203 : i32 to vector<16xi32>
        %parallel_loop3A_205 = arith.xori %parallel_loop3A_202, %parallel_loop3A_204 : vector<16xi32>
        %parallel_loop3A_206 = arith.constant 0 : i32
        %parallel_loop3A_207 = vector.broadcast %parallel_loop3A_206 : i32 to vector<16xi32>
        %parallel_loop3A_208 = arith.cmpi slt, %parallel_loop3A_205, %parallel_loop3A_207 : vector<16xi32>
        %parallel_loop3A_209 = arith.constant 16 : i32
        %parallel_loop3A_210 = vector.broadcast %parallel_loop3A_209 : i32 to vector<16xi32>
        %parallel_loop3A_211 = arith.addi %parallel_loop3A_205, %parallel_loop3A_210 : vector<16xi32>
        %parallel_loop3A_212 = arith.select %parallel_loop3A_208, %parallel_loop3A_211, %parallel_loop3A_205 : vector<16xi1>, vector<16xi32>
        %parallel_loop3A_213 = vector.shape_cast %parallel_loop3A_212 : vector<16xi32> to vector<16x1xi32>
        %parallel_loop3A_214 = vector.shape_cast %parallel_loop3A_213 : vector<16x1xi32> to vector<16xi32>
        %parallel_loop3A_215 = tpu.dynamic_gather %parallel_loop3A_201[%parallel_loop3A_214] in [0] : vector<16xf32>, vector<16xi32> -> vector<16xf32>
        %parallel_loop3A_216 = arith.addf %parallel_loop3A_201, %parallel_loop3A_215 : vector<16xf32>
        %parallel_loop3A_217 = arith.constant 2 : i32
        %parallel_loop3A_218 = vector.broadcast %parallel_loop3A_217 : i32 to vector<16xi32>
        %parallel_loop3A_219 = arith.xori %parallel_loop3A_202, %parallel_loop3A_218 : vector<16xi32>
        %parallel_loop3A_220 = arith.constant 0 : i32
        %parallel_loop3A_221 = vector.broadcast %parallel_loop3A_220 : i32 to vector<16xi32>
        %parallel_loop3A_222 = arith.cmpi slt, %parallel_loop3A_219, %parallel_loop3A_221 : vector<16xi32>
        %parallel_loop3A_223 = arith.constant 16 : i32
        %parallel_loop3A_224 = vector.broadcast %parallel_loop3A_223 : i32 to vector<16xi32>
        %parallel_loop3A_225 = arith.addi %parallel_loop3A_219, %parallel_loop3A_224 : vector<16xi32>
        %parallel_loop3A_226 = arith.select %parallel_loop3A_222, %parallel_loop3A_225, %parallel_loop3A_219 : vector<16xi1>, vector<16xi32>
        %parallel_loop3A_227 = vector.shape_cast %parallel_loop3A_226 : vector<16xi32> to vector<16x1xi32>
        %parallel_loop3A_228 = vector.shape_cast %parallel_loop3A_227 : vector<16x1xi32> to vector<16xi32>
        %parallel_loop3A_229 = tpu.dynamic_gather %parallel_loop3A_216[%parallel_loop3A_228] in [0] : vector<16xf32>, vector<16xi32> -> vector<16xf32>
        %parallel_loop3A_230 = arith.addf %parallel_loop3A_216, %parallel_loop3A_229 : vector<16xf32>
        %parallel_loop3A_231 = arith.constant 4 : i32
        %parallel_loop3A_232 = vector.broadcast %parallel_loop3A_231 : i32 to vector<16xi32>
        %parallel_loop3A_233 = arith.xori %parallel_loop3A_202, %parallel_loop3A_232 : vector<16xi32>
        %parallel_loop3A_234 = arith.constant 0 : i32
        %parallel_loop3A_235 = vector.broadcast %parallel_loop3A_234 : i32 to vector<16xi32>
        %parallel_loop3A_236 = arith.cmpi slt, %parallel_loop3A_233, %parallel_loop3A_235 : vector<16xi32>
        %parallel_loop3A_237 = arith.constant 16 : i32
        %parallel_loop3A_238 = vector.broadcast %parallel_loop3A_237 : i32 to vector<16xi32>
        %parallel_loop3A_239 = arith.addi %parallel_loop3A_233, %parallel_loop3A_238 : vector<16xi32>
        %parallel_loop3A_240 = arith.select %parallel_loop3A_236, %parallel_loop3A_239, %parallel_loop3A_233 : vector<16xi1>, vector<16xi32>
        %parallel_loop3A_241 = vector.shape_cast %parallel_loop3A_240 : vector<16xi32> to vector<16x1xi32>
        %parallel_loop3A_242 = vector.shape_cast %parallel_loop3A_241 : vector<16x1xi32> to vector<16xi32>
        %parallel_loop3A_243 = tpu.dynamic_gather %parallel_loop3A_230[%parallel_loop3A_242] in [0] : vector<16xf32>, vector<16xi32> -> vector<16xf32>
        %parallel_loop3A_244 = arith.addf %parallel_loop3A_230, %parallel_loop3A_243 : vector<16xf32>
        %parallel_loop3A_245 = arith.constant 8 : i32
        %parallel_loop3A_246 = vector.broadcast %parallel_loop3A_245 : i32 to vector<16xi32>
        %parallel_loop3A_247 = arith.xori %parallel_loop3A_202, %parallel_loop3A_246 : vector<16xi32>
        %parallel_loop3A_248 = arith.constant 0 : i32
        %parallel_loop3A_249 = vector.broadcast %parallel_loop3A_248 : i32 to vector<16xi32>
        %parallel_loop3A_250 = arith.cmpi slt, %parallel_loop3A_247, %parallel_loop3A_249 : vector<16xi32>
        %parallel_loop3A_251 = arith.constant 16 : i32
        %parallel_loop3A_252 = vector.broadcast %parallel_loop3A_251 : i32 to vector<16xi32>
        %parallel_loop3A_253 = arith.addi %parallel_loop3A_247, %parallel_loop3A_252 : vector<16xi32>
        %parallel_loop3A_254 = arith.select %parallel_loop3A_250, %parallel_loop3A_253, %parallel_loop3A_247 : vector<16xi1>, vector<16xi32>
        %parallel_loop3A_255 = vector.shape_cast %parallel_loop3A_254 : vector<16xi32> to vector<16x1xi32>
        %parallel_loop3A_256 = vector.shape_cast %parallel_loop3A_255 : vector<16x1xi32> to vector<16xi32>
        %parallel_loop3A_257 = tpu.dynamic_gather %parallel_loop3A_244[%parallel_loop3A_256] in [0] : vector<16xf32>, vector<16xi32> -> vector<16xf32>
        %parallel_loop3A_258 = arith.addf %parallel_loop3A_244, %parallel_loop3A_257 : vector<16xf32>
        %parallel_loop3A_259 = tpu.bitcast %parallel_loop3A_258 : vector<16xf32> -> vector<16xi32>
        %parallel_loop3A_260 = arith.constant 1 : i32
        %parallel_loop3A_261 = vector.broadcast %parallel_loop3A_260 : i32 to vector<16xi32>
        %parallel_loop3A_262 = arith.shrui %parallel_loop3A_259, %parallel_loop3A_261 : vector<16xi32>
        %parallel_loop3A_263 = arith.constant 1597463007 : i32
        %parallel_loop3A_264 = vector.broadcast %parallel_loop3A_263 : i32 to vector<16xi32>
        %parallel_loop3A_265 = arith.subi %parallel_loop3A_264, %parallel_loop3A_262 : vector<16xi32>
        %parallel_loop3A_266 = tpu.bitcast %parallel_loop3A_265 : vector<16xi32> -> vector<16xf32>
        %parallel_loop3A_267 = arith.constant 5.000000e-01 : f32
        %parallel_loop3A_268 = vector.broadcast %parallel_loop3A_267 : f32 to vector<16xf32>
        %parallel_loop3A_269 = arith.mulf %parallel_loop3A_268, %parallel_loop3A_258 : vector<16xf32>
        %parallel_loop3A_270 = arith.mulf %parallel_loop3A_269, %parallel_loop3A_266 : vector<16xf32>
        %parallel_loop3A_271 = arith.mulf %parallel_loop3A_270, %parallel_loop3A_266 : vector<16xf32>
        %parallel_loop3A_272 = arith.constant 1.500000e+00 : f32
        %parallel_loop3A_273 = vector.broadcast %parallel_loop3A_272 : f32 to vector<16xf32>
        %parallel_loop3A_274 = arith.subf %parallel_loop3A_273, %parallel_loop3A_271 : vector<16xf32>
        %parallel_loop3A_275 = arith.mulf %parallel_loop3A_266, %parallel_loop3A_274 : vector<16xf32>
        %parallel_loop3A_276 = arith.constant 5.000000e-01 : f32
        %parallel_loop3A_277 = vector.broadcast %parallel_loop3A_276 : f32 to vector<16xf32>
        %parallel_loop3A_278 = arith.mulf %parallel_loop3A_277, %parallel_loop3A_258 : vector<16xf32>
        %parallel_loop3A_279 = arith.mulf %parallel_loop3A_278, %parallel_loop3A_275 : vector<16xf32>
        %parallel_loop3A_280 = arith.mulf %parallel_loop3A_279, %parallel_loop3A_275 : vector<16xf32>
        %parallel_loop3A_281 = arith.constant 1.500000e+00 : f32
        %parallel_loop3A_282 = vector.broadcast %parallel_loop3A_281 : f32 to vector<16xf32>
        %parallel_loop3A_283 = arith.subf %parallel_loop3A_282, %parallel_loop3A_280 : vector<16xf32>
        %parallel_loop3A_284 = arith.mulf %parallel_loop3A_275, %parallel_loop3A_283 : vector<16xf32>
        %parallel_loop3A_285 = arith.mulf %parallel_loop3A_182, %parallel_loop3A_284 : vector<16xf32>
        %parallel_loop3A_286 = arith.index_cast %parallel_loop3A_178 : i32 to index
        %parallel_loop3A_287 = arith.constant 0 : index
        %parallel_loop3A_288 = tpu.vector_load %arg4[%parallel_loop3A_286, %parallel_loop3A_287] {strides = array<i32>} : memref<336x64xf32, #tpu.memory_space<vmem>>, vector<1x16xf32>,
        %parallel_loop3A_289 = vector.shape_cast %parallel_loop3A_288 : vector<1x16xf32> to vector<16xf32>
        %parallel_loop3A_290 = vector.shape_cast %parallel_loop3A_285 : vector<16xf32> to vector<1x16xf32>
        tpu.vector_store %arg4[%parallel_loop3A_286, %parallel_loop3A_287], %parallel_loop3A_290 {strides = array<i32>} : memref<336x64xf32, #tpu.memory_space<vmem>>, vector<1x16xf32>,
        %parallel_loop3A_291 = arith.mulf %parallel_loop3A_186, %parallel_loop3A_284 : vector<16xf32>
        %parallel_loop3A_292 = arith.index_cast %parallel_loop3A_178 : i32 to index
        %parallel_loop3A_293 = arith.constant 16 : index
        %parallel_loop3A_294 = tpu.vector_load %arg4[%parallel_loop3A_292, %parallel_loop3A_293] {strides = array<i32>} : memref<336x64xf32, #tpu.memory_space<vmem>>, vector<1x16xf32>,
        %parallel_loop3A_295 = vector.shape_cast %parallel_loop3A_294 : vector<1x16xf32> to vector<16xf32>
        %parallel_loop3A_296 = vector.shape_cast %parallel_loop3A_291 : vector<16xf32> to vector<1x16xf32>
        tpu.vector_store %arg4[%parallel_loop3A_292, %parallel_loop3A_293], %parallel_loop3A_296 {strides = array<i32>} : memref<336x64xf32, #tpu.memory_space<vmem>>, vector<1x16xf32>,
        %parallel_loop3A_297 = arith.mulf %parallel_loop3A_190, %parallel_loop3A_284 : vector<16xf32>
        %parallel_loop3A_298 = arith.index_cast %parallel_loop3A_178 : i32 to index
        %parallel_loop3A_299 = arith.constant 32 : index
        %parallel_loop3A_300 = tpu.vector_load %arg4[%parallel_loop3A_298, %parallel_loop3A_299] {strides = array<i32>} : memref<336x64xf32, #tpu.memory_space<vmem>>, vector<1x16xf32>,
        %parallel_loop3A_301 = vector.shape_cast %parallel_loop3A_300 : vector<1x16xf32> to vector<16xf32>
        %parallel_loop3A_302 = vector.shape_cast %parallel_loop3A_297 : vector<16xf32> to vector<1x16xf32>
        tpu.vector_store %arg4[%parallel_loop3A_298, %parallel_loop3A_299], %parallel_loop3A_302 {strides = array<i32>} : memref<336x64xf32, #tpu.memory_space<vmem>>, vector<1x16xf32>,
        %parallel_loop3A_303 = arith.mulf %parallel_loop3A_194, %parallel_loop3A_284 : vector<16xf32>
        %parallel_loop3A_304 = arith.index_cast %parallel_loop3A_178 : i32 to index
        %parallel_loop3A_305 = arith.constant 48 : index
        %parallel_loop3A_306 = tpu.vector_load %arg4[%parallel_loop3A_304, %parallel_loop3A_305] {strides = array<i32>} : memref<336x64xf32, #tpu.memory_space<vmem>>, vector<1x16xf32>,
        %parallel_loop3A_307 = vector.shape_cast %parallel_loop3A_306 : vector<1x16xf32> to vector<16xf32>
        %parallel_loop3A_308 = vector.shape_cast %parallel_loop3A_303 : vector<16xf32> to vector<1x16xf32>
        tpu.vector_store %arg4[%parallel_loop3A_304, %parallel_loop3A_305], %parallel_loop3A_308 {strides = array<i32>} : memref<336x64xf32, #tpu.memory_space<vmem>>, vector<1x16xf32>,
      } {sc.loop_unroll_factor = 4 : i64, sc.parallel_access}
      %mul3A_67 = arith.constant 32 : i32
      %mul3A_68 = arith.muli %add3A_54, %mul3A_67 : i32
      %add3A_69 = arith.addi %add3A, %mul3A_68 : i32
      %mul3A_70 = arith.constant 336 : i32
      %mul3A_71 = arith.muli %add3A_69, %mul3A_70 : i32
      %multiple_of3A_72 = tpu.assume_multiple %mul3A_71, 8 : i32
      %dma_start3A_73 = arith.constant 0 : i32
      %dma_start3A_74 = tpu.memref_slice %arg3[%multiple_of3A_72, %dma_start3A_73] : memref<1000000x64xf32, #tpu.memory_space<hbm>> -> memref<336x64xf32, #tpu.memory_space<hbm>>
      %dma_start3A_75 = arith.constant 0 : i32
      %dma_start3A_76 = tpu.memref_slice %arg3[%multiple_of3A_72, %dma_start3A_75] : memref<1000000x64xf32, #tpu.memory_space<hbm>> -> memref<336x64xf32, #tpu.memory_space<hbm>>
      tpu.enqueue_dma source(%arg4 : memref<336x64xf32, #tpu.memory_space<vmem>>) target(%dma_start3A_76 : memref<336x64xf32, #tpu.memory_space<hbm>>) target_semaphore(%arg10 : memref<!tpu.dma_semaphore, #tpu.memory_space<semaphore_mem>>)
      %eq3A = arith.constant 0 : i32
      %eq3A_77 = arith.cmpi eq, %add3A_54, %eq3A : i32
      %convert_element_type3A_78 = arith.extui %eq3A_77 : i1 to i32
      %cond3A_79 = arith.constant 0 : i32
      %cond3A_80 = arith.cmpi ne, %convert_element_type3A_78, %cond3A_79 : i32
      scf.if %cond3A_80 {
        %add3A_178 = arith.constant 64 : i32
        %add3A_179 = arith.addi %add3A, %add3A_178 : i32
        %mul3A_180 = arith.constant 336 : i32
        %mul3A_181 = arith.muli %add3A_179, %mul3A_180 : i32
        %multiple_of3A_182 = tpu.assume_multiple %mul3A_181, 8 : i32
        %dma_start3A_183 = arith.constant 0 : i32
        %dma_start3A_184 = tpu.memref_slice %arg2[%multiple_of3A_182, %dma_start3A_183] : memref<1000000x64xf32, #tpu.memory_space<hbm>> -> memref<336x64xf32, #tpu.memory_space<hbm>>
        %dma_start3A_185 = arith.constant 0 : i32
        %dma_start3A_186 = tpu.memref_slice %arg2[%multiple_of3A_182, %dma_start3A_185] : memref<1000000x64xf32, #tpu.memory_space<hbm>> -> memref<336x64xf32, #tpu.memory_space<hbm>>
        tpu.enqueue_dma source(%dma_start3A_186 : memref<336x64xf32, #tpu.memory_space<hbm>>) target(%arg6 : memref<336x64xf32, #tpu.memory_space<vmem>>) target_semaphore(%arg9 : memref<!tpu.dma_semaphore, #tpu.memory_space<semaphore_mem>>)
      } else {
      }
      %ge3A = arith.constant 1 : i32
      %ge3A_81 = arith.cmpi sge, %add3A_54, %ge3A : i32
      %add3A_82 = arith.constant 3 : i32
      %add3A_83 = arith.addi %add3A_54, %add3A_82 : i32
      %sub3A = arith.constant 1 : i32
      %sub3A_84 = arith.subi %add3A_83, %sub3A : i32
      %lt3A_85 = arith.constant 93 : i32
      %lt3A_86 = arith.cmpi slt, %sub3A_84, %lt3A_85 : i32
      %and3A = arith.andi %ge3A_81, %lt3A_86 : i1
      %convert_element_type3A_87 = arith.extui %and3A : i1 to i32
      %cond3A_88 = arith.constant 0 : i32
      %cond3A_89 = arith.cmpi ne, %convert_element_type3A_87, %cond3A_88 : i32
      scf.if %cond3A_89 {
        %sub3A_178 = arith.constant 1 : i32
        %sub3A_179 = arith.subi %add3A_54, %sub3A_178 : i32
        %mul3A_180 = arith.constant 32 : i32
        %mul3A_181 = arith.muli %sub3A_179, %mul3A_180 : i32
        %add3A_182 = arith.addi %add3A, %mul3A_181 : i32
        %mul3A_183 = arith.constant 336 : i32
        %mul3A_184 = arith.muli %add3A_182, %mul3A_183 : i32
        %multiple_of3A_185 = tpu.assume_multiple %mul3A_184, 8 : i32
        %dma_wait3A_186 = arith.constant 0 : i32
        %dma_wait3A_187 = tpu.memref_slice %arg3[%multiple_of3A_185, %dma_wait3A_186] : memref<1000000x64xf32, #tpu.memory_space<hbm>> -> memref<336x64xf32, #tpu.memory_space<hbm>>
        %dma_wait3A_188 = arith.constant 0 : i32
        %dma_wait3A_189 = tpu.memref_slice %arg3[%multiple_of3A_185, %dma_wait3A_188] : memref<1000000x64xf32, #tpu.memory_space<hbm>> -> memref<336x64xf32, #tpu.memory_space<hbm>>
        tpu.wait_dma2 semaphore(%arg12 : memref<!tpu.dma_semaphore, #tpu.memory_space<semaphore_mem>>) src(%arg6 : memref<336x64xf32, #tpu.memory_space<vmem>>) dst(%dma_wait3A_189 : memref<336x64xf32, #tpu.memory_space<hbm>>)
        %add3A_190 = arith.constant 3 : i32
        %add3A_191 = arith.addi %add3A_54, %add3A_190 : i32
        %sub3A_192 = arith.constant 1 : i32
        %sub3A_193 = arith.subi %add3A_191, %sub3A_192 : i32
        %mul3A_194 = arith.constant 32 : i32
        %mul3A_195 = arith.muli %sub3A_193, %mul3A_194 : i32
        %add3A_196 = arith.addi %add3A, %mul3A_195 : i32
        %mul3A_197 = arith.constant 336 : i32
        %mul3A_198 = arith.muli %add3A_196, %mul3A_197 : i32
        %multiple_of3A_199 = tpu.assume_multiple %mul3A_198, 8 : i32
        %dma_start3A_200 = arith.constant 0 : i32
        %dma_start3A_201 = tpu.memref_slice %arg2[%multiple_of3A_199, %dma_start3A_200] : memref<1000000x64xf32, #tpu.memory_space<hbm>> -> memref<336x64xf32, #tpu.memory_space<hbm>>
        %dma_start3A_202 = arith.constant 0 : i32
        %dma_start3A_203 = tpu.memref_slice %arg2[%multiple_of3A_199, %dma_start3A_202] : memref<1000000x64xf32, #tpu.memory_space<hbm>> -> memref<336x64xf32, #tpu.memory_space<hbm>>
        tpu.enqueue_dma source(%dma_start3A_203 : memref<336x64xf32, #tpu.memory_space<hbm>>) target(%arg6 : memref<336x64xf32, #tpu.memory_space<vmem>>) target_semaphore(%arg9 : memref<!tpu.dma_semaphore, #tpu.memory_space<semaphore_mem>>)
      } else {
      }
      %mul3A_90 = arith.constant 3 : i32
      %mul3A_91 = arith.muli %scan3A_50, %mul3A_90 : i32
      %add3A_92 = arith.constant 1 : i32
      %add3A_93 = arith.addi %mul3A_91, %add3A_92 : i32
      %mul3A_94 = arith.constant 32 : i32
      %mul3A_95 = arith.muli %add3A_93, %mul3A_94 : i32
      %add3A_96 = arith.addi %add3A, %mul3A_95 : i32
      %mul3A_97 = arith.constant 336 : i32
      %mul3A_98 = arith.muli %add3A_96, %mul3A_97 : i32
      %multiple_of3A_99 = tpu.assume_multiple %mul3A_98, 8 : i32
      %dma_wait3A_100 = arith.constant 0 : i32
      %dma_wait3A_101 = tpu.memref_slice %arg2[%multiple_of3A_99, %dma_wait3A_100] : memref<1000000x64xf32, #tpu.memory_space<hbm>> -> memref<336x64xf32, #tpu.memory_space<hbm>>
      %dma_wait3A_102 = arith.constant 0 : i32
      %dma_wait3A_103 = tpu.memref_slice %arg2[%multiple_of3A_99, %dma_wait3A_102] : memref<1000000x64xf32, #tpu.memory_space<hbm>> -> memref<336x64xf32, #tpu.memory_space<hbm>>
      tpu.wait_dma2 semaphore(%arg8 : memref<!tpu.dma_semaphore, #tpu.memory_space<semaphore_mem>>) src(%dma_wait3A_103 : memref<336x64xf32, #tpu.memory_space<hbm>>) dst(%arg5 : memref<336x64xf32, #tpu.memory_space<vmem>>)
      %parallel_loop3A_104 = arith.constant 0 : i32
      %parallel_loop3A_105 = arith.constant 336 : i32
      %parallel_loop3A_106 = arith.constant 1 : i32
      scf.for %parallel_loop3A_178 = %parallel_loop3A_104 to %parallel_loop3A_105 step %parallel_loop3A_106  : i32 {
        %parallel_loop3A_179 = arith.index_cast %parallel_loop3A_178 : i32 to index
        %parallel_loop3A_180 = arith.constant 0 : index
        %parallel_loop3A_181 = tpu.vector_load %arg5[%parallel_loop3A_179, %parallel_loop3A_180] {strides = array<i32>} : memref<336x64xf32, #tpu.memory_space<vmem>>, vector<1x16xf32>,
        %parallel_loop3A_182 = vector.shape_cast %parallel_loop3A_181 : vector<1x16xf32> to vector<16xf32>
        %parallel_loop3A_183 = arith.index_cast %parallel_loop3A_178 : i32 to index
        %parallel_loop3A_184 = arith.constant 16 : index
        %parallel_loop3A_185 = tpu.vector_load %arg5[%parallel_loop3A_183, %parallel_loop3A_184] {strides = array<i32>} : memref<336x64xf32, #tpu.memory_space<vmem>>, vector<1x16xf32>,
        %parallel_loop3A_186 = vector.shape_cast %parallel_loop3A_185 : vector<1x16xf32> to vector<16xf32>
        %parallel_loop3A_187 = arith.index_cast %parallel_loop3A_178 : i32 to index
        %parallel_loop3A_188 = arith.constant 32 : index
        %parallel_loop3A_189 = tpu.vector_load %arg5[%parallel_loop3A_187, %parallel_loop3A_188] {strides = array<i32>} : memref<336x64xf32, #tpu.memory_space<vmem>>, vector<1x16xf32>,
        %parallel_loop3A_190 = vector.shape_cast %parallel_loop3A_189 : vector<1x16xf32> to vector<16xf32>
        %parallel_loop3A_191 = arith.index_cast %parallel_loop3A_178 : i32 to index
        %parallel_loop3A_192 = arith.constant 48 : index
        %parallel_loop3A_193 = tpu.vector_load %arg5[%parallel_loop3A_191, %parallel_loop3A_192] {strides = array<i32>} : memref<336x64xf32, #tpu.memory_space<vmem>>, vector<1x16xf32>,
        %parallel_loop3A_194 = vector.shape_cast %parallel_loop3A_193 : vector<1x16xf32> to vector<16xf32>
        %parallel_loop3A_195 = arith.mulf %parallel_loop3A_182, %parallel_loop3A_182 : vector<16xf32>
        %parallel_loop3A_196 = arith.mulf %parallel_loop3A_186, %parallel_loop3A_186 : vector<16xf32>
        %parallel_loop3A_197 = arith.addf %parallel_loop3A_195, %parallel_loop3A_196 : vector<16xf32>
        %parallel_loop3A_198 = arith.mulf %parallel_loop3A_190, %parallel_loop3A_190 : vector<16xf32>
        %parallel_loop3A_199 = arith.addf %parallel_loop3A_197, %parallel_loop3A_198 : vector<16xf32>
        %parallel_loop3A_200 = arith.mulf %parallel_loop3A_194, %parallel_loop3A_194 : vector<16xf32>
        %parallel_loop3A_201 = arith.addf %parallel_loop3A_199, %parallel_loop3A_200 : vector<16xf32>
        %parallel_loop3A_202 = tpu.iota {dimensions = array<i32: 0>} : vector<16xi32>
        %parallel_loop3A_203 = arith.constant 1 : i32
        %parallel_loop3A_204 = vector.broadcast %parallel_loop3A_203 : i32 to vector<16xi32>
        %parallel_loop3A_205 = arith.xori %parallel_loop3A_202, %parallel_loop3A_204 : vector<16xi32>
        %parallel_loop3A_206 = arith.constant 0 : i32
        %parallel_loop3A_207 = vector.broadcast %parallel_loop3A_206 : i32 to vector<16xi32>
        %parallel_loop3A_208 = arith.cmpi slt, %parallel_loop3A_205, %parallel_loop3A_207 : vector<16xi32>
        %parallel_loop3A_209 = arith.constant 16 : i32
        %parallel_loop3A_210 = vector.broadcast %parallel_loop3A_209 : i32 to vector<16xi32>
        %parallel_loop3A_211 = arith.addi %parallel_loop3A_205, %parallel_loop3A_210 : vector<16xi32>
        %parallel_loop3A_212 = arith.select %parallel_loop3A_208, %parallel_loop3A_211, %parallel_loop3A_205 : vector<16xi1>, vector<16xi32>
        %parallel_loop3A_213 = vector.shape_cast %parallel_loop3A_212 : vector<16xi32> to vector<16x1xi32>
        %parallel_loop3A_214 = vector.shape_cast %parallel_loop3A_213 : vector<16x1xi32> to vector<16xi32>
        %parallel_loop3A_215 = tpu.dynamic_gather %parallel_loop3A_201[%parallel_loop3A_214] in [0] : vector<16xf32>, vector<16xi32> -> vector<16xf32>
        %parallel_loop3A_216 = arith.addf %parallel_loop3A_201, %parallel_loop3A_215 : vector<16xf32>
        %parallel_loop3A_217 = arith.constant 2 : i32
        %parallel_loop3A_218 = vector.broadcast %parallel_loop3A_217 : i32 to vector<16xi32>
        %parallel_loop3A_219 = arith.xori %parallel_loop3A_202, %parallel_loop3A_218 : vector<16xi32>
        %parallel_loop3A_220 = arith.constant 0 : i32
        %parallel_loop3A_221 = vector.broadcast %parallel_loop3A_220 : i32 to vector<16xi32>
        %parallel_loop3A_222 = arith.cmpi slt, %parallel_loop3A_219, %parallel_loop3A_221 : vector<16xi32>
        %parallel_loop3A_223 = arith.constant 16 : i32
        %parallel_loop3A_224 = vector.broadcast %parallel_loop3A_223 : i32 to vector<16xi32>
        %parallel_loop3A_225 = arith.addi %parallel_loop3A_219, %parallel_loop3A_224 : vector<16xi32>
        %parallel_loop3A_226 = arith.select %parallel_loop3A_222, %parallel_loop3A_225, %parallel_loop3A_219 : vector<16xi1>, vector<16xi32>
        %parallel_loop3A_227 = vector.shape_cast %parallel_loop3A_226 : vector<16xi32> to vector<16x1xi32>
        %parallel_loop3A_228 = vector.shape_cast %parallel_loop3A_227 : vector<16x1xi32> to vector<16xi32>
        %parallel_loop3A_229 = tpu.dynamic_gather %parallel_loop3A_216[%parallel_loop3A_228] in [0] : vector<16xf32>, vector<16xi32> -> vector<16xf32>
        %parallel_loop3A_230 = arith.addf %parallel_loop3A_216, %parallel_loop3A_229 : vector<16xf32>
        %parallel_loop3A_231 = arith.constant 4 : i32
        %parallel_loop3A_232 = vector.broadcast %parallel_loop3A_231 : i32 to vector<16xi32>
        %parallel_loop3A_233 = arith.xori %parallel_loop3A_202, %parallel_loop3A_232 : vector<16xi32>
        %parallel_loop3A_234 = arith.constant 0 : i32
        %parallel_loop3A_235 = vector.broadcast %parallel_loop3A_234 : i32 to vector<16xi32>
        %parallel_loop3A_236 = arith.cmpi slt, %parallel_loop3A_233, %parallel_loop3A_235 : vector<16xi32>
        %parallel_loop3A_237 = arith.constant 16 : i32
        %parallel_loop3A_238 = vector.broadcast %parallel_loop3A_237 : i32 to vector<16xi32>
        %parallel_loop3A_239 = arith.addi %parallel_loop3A_233, %parallel_loop3A_238 : vector<16xi32>
        %parallel_loop3A_240 = arith.select %parallel_loop3A_236, %parallel_loop3A_239, %parallel_loop3A_233 : vector<16xi1>, vector<16xi32>
        %parallel_loop3A_241 = vector.shape_cast %parallel_loop3A_240 : vector<16xi32> to vector<16x1xi32>
        %parallel_loop3A_242 = vector.shape_cast %parallel_loop3A_241 : vector<16x1xi32> to vector<16xi32>
        %parallel_loop3A_243 = tpu.dynamic_gather %parallel_loop3A_230[%parallel_loop3A_242] in [0] : vector<16xf32>, vector<16xi32> -> vector<16xf32>
        %parallel_loop3A_244 = arith.addf %parallel_loop3A_230, %parallel_loop3A_243 : vector<16xf32>
        %parallel_loop3A_245 = arith.constant 8 : i32
        %parallel_loop3A_246 = vector.broadcast %parallel_loop3A_245 : i32 to vector<16xi32>
        %parallel_loop3A_247 = arith.xori %parallel_loop3A_202, %parallel_loop3A_246 : vector<16xi32>
        %parallel_loop3A_248 = arith.constant 0 : i32
        %parallel_loop3A_249 = vector.broadcast %parallel_loop3A_248 : i32 to vector<16xi32>
        %parallel_loop3A_250 = arith.cmpi slt, %parallel_loop3A_247, %parallel_loop3A_249 : vector<16xi32>
        %parallel_loop3A_251 = arith.constant 16 : i32
        %parallel_loop3A_252 = vector.broadcast %parallel_loop3A_251 : i32 to vector<16xi32>
        %parallel_loop3A_253 = arith.addi %parallel_loop3A_247, %parallel_loop3A_252 : vector<16xi32>
        %parallel_loop3A_254 = arith.select %parallel_loop3A_250, %parallel_loop3A_253, %parallel_loop3A_247 : vector<16xi1>, vector<16xi32>
        %parallel_loop3A_255 = vector.shape_cast %parallel_loop3A_254 : vector<16xi32> to vector<16x1xi32>
        %parallel_loop3A_256 = vector.shape_cast %parallel_loop3A_255 : vector<16x1xi32> to vector<16xi32>
        %parallel_loop3A_257 = tpu.dynamic_gather %parallel_loop3A_244[%parallel_loop3A_256] in [0] : vector<16xf32>, vector<16xi32> -> vector<16xf32>
        %parallel_loop3A_258 = arith.addf %parallel_loop3A_244, %parallel_loop3A_257 : vector<16xf32>
        %parallel_loop3A_259 = tpu.bitcast %parallel_loop3A_258 : vector<16xf32> -> vector<16xi32>
        %parallel_loop3A_260 = arith.constant 1 : i32
        %parallel_loop3A_261 = vector.broadcast %parallel_loop3A_260 : i32 to vector<16xi32>
        %parallel_loop3A_262 = arith.shrui %parallel_loop3A_259, %parallel_loop3A_261 : vector<16xi32>
        %parallel_loop3A_263 = arith.constant 1597463007 : i32
        %parallel_loop3A_264 = vector.broadcast %parallel_loop3A_263 : i32 to vector<16xi32>
        %parallel_loop3A_265 = arith.subi %parallel_loop3A_264, %parallel_loop3A_262 : vector<16xi32>
        %parallel_loop3A_266 = tpu.bitcast %parallel_loop3A_265 : vector<16xi32> -> vector<16xf32>
        %parallel_loop3A_267 = arith.constant 5.000000e-01 : f32
        %parallel_loop3A_268 = vector.broadcast %parallel_loop3A_267 : f32 to vector<16xf32>
        %parallel_loop3A_269 = arith.mulf %parallel_loop3A_268, %parallel_loop3A_258 : vector<16xf32>
        %parallel_loop3A_270 = arith.mulf %parallel_loop3A_269, %parallel_loop3A_266 : vector<16xf32>
        %parallel_loop3A_271 = arith.mulf %parallel_loop3A_270, %parallel_loop3A_266 : vector<16xf32>
        %parallel_loop3A_272 = arith.constant 1.500000e+00 : f32
        %parallel_loop3A_273 = vector.broadcast %parallel_loop3A_272 : f32 to vector<16xf32>
        %parallel_loop3A_274 = arith.subf %parallel_loop3A_273, %parallel_loop3A_271 : vector<16xf32>
        %parallel_loop3A_275 = arith.mulf %parallel_loop3A_266, %parallel_loop3A_274 : vector<16xf32>
        %parallel_loop3A_276 = arith.constant 5.000000e-01 : f32
        %parallel_loop3A_277 = vector.broadcast %parallel_loop3A_276 : f32 to vector<16xf32>
        %parallel_loop3A_278 = arith.mulf %parallel_loop3A_277, %parallel_loop3A_258 : vector<16xf32>
        %parallel_loop3A_279 = arith.mulf %parallel_loop3A_278, %parallel_loop3A_275 : vector<16xf32>
        %parallel_loop3A_280 = arith.mulf %parallel_loop3A_279, %parallel_loop3A_275 : vector<16xf32>
        %parallel_loop3A_281 = arith.constant 1.500000e+00 : f32
        %parallel_loop3A_282 = vector.broadcast %parallel_loop3A_281 : f32 to vector<16xf32>
        %parallel_loop3A_283 = arith.subf %parallel_loop3A_282, %parallel_loop3A_280 : vector<16xf32>
        %parallel_loop3A_284 = arith.mulf %parallel_loop3A_275, %parallel_loop3A_283 : vector<16xf32>
        %parallel_loop3A_285 = arith.mulf %parallel_loop3A_182, %parallel_loop3A_284 : vector<16xf32>
        %parallel_loop3A_286 = arith.index_cast %parallel_loop3A_178 : i32 to index
        %parallel_loop3A_287 = arith.constant 0 : index
        %parallel_loop3A_288 = tpu.vector_load %arg5[%parallel_loop3A_286, %parallel_loop3A_287] {strides = array<i32>} : memref<336x64xf32, #tpu.memory_space<vmem>>, vector<1x16xf32>,
        %parallel_loop3A_289 = vector.shape_cast %parallel_loop3A_288 : vector<1x16xf32> to vector<16xf32>
        %parallel_loop3A_290 = vector.shape_cast %parallel_loop3A_285 : vector<16xf32> to vector<1x16xf32>
        tpu.vector_store %arg5[%parallel_loop3A_286, %parallel_loop3A_287], %parallel_loop3A_290 {strides = array<i32>} : memref<336x64xf32, #tpu.memory_space<vmem>>, vector<1x16xf32>,
        %parallel_loop3A_291 = arith.mulf %parallel_loop3A_186, %parallel_loop3A_284 : vector<16xf32>
        %parallel_loop3A_292 = arith.index_cast %parallel_loop3A_178 : i32 to index
        %parallel_loop3A_293 = arith.constant 16 : index
        %parallel_loop3A_294 = tpu.vector_load %arg5[%parallel_loop3A_292, %parallel_loop3A_293] {strides = array<i32>} : memref<336x64xf32, #tpu.memory_space<vmem>>, vector<1x16xf32>,
        %parallel_loop3A_295 = vector.shape_cast %parallel_loop3A_294 : vector<1x16xf32> to vector<16xf32>
        %parallel_loop3A_296 = vector.shape_cast %parallel_loop3A_291 : vector<16xf32> to vector<1x16xf32>
        tpu.vector_store %arg5[%parallel_loop3A_292, %parallel_loop3A_293], %parallel_loop3A_296 {strides = array<i32>} : memref<336x64xf32, #tpu.memory_space<vmem>>, vector<1x16xf32>,
        %parallel_loop3A_297 = arith.mulf %parallel_loop3A_190, %parallel_loop3A_284 : vector<16xf32>
        %parallel_loop3A_298 = arith.index_cast %parallel_loop3A_178 : i32 to index
        %parallel_loop3A_299 = arith.constant 32 : index
        %parallel_loop3A_300 = tpu.vector_load %arg5[%parallel_loop3A_298, %parallel_loop3A_299] {strides = array<i32>} : memref<336x64xf32, #tpu.memory_space<vmem>>, vector<1x16xf32>,
        %parallel_loop3A_301 = vector.shape_cast %parallel_loop3A_300 : vector<1x16xf32> to vector<16xf32>
        %parallel_loop3A_302 = vector.shape_cast %parallel_loop3A_297 : vector<16xf32> to vector<1x16xf32>
        tpu.vector_store %arg5[%parallel_loop3A_298, %parallel_loop3A_299], %parallel_loop3A_302 {strides = array<i32>} : memref<336x64xf32, #tpu.memory_space<vmem>>, vector<1x16xf32>,
        %parallel_loop3A_303 = arith.mulf %parallel_loop3A_194, %parallel_loop3A_284 : vector<16xf32>
        %parallel_loop3A_304 = arith.index_cast %parallel_loop3A_178 : i32 to index
        %parallel_loop3A_305 = arith.constant 48 : index
        %parallel_loop3A_306 = tpu.vector_load %arg5[%parallel_loop3A_304, %parallel_loop3A_305] {strides = array<i32>} : memref<336x64xf32, #tpu.memory_space<vmem>>, vector<1x16xf32>,
        %parallel_loop3A_307 = vector.shape_cast %parallel_loop3A_306 : vector<1x16xf32> to vector<16xf32>
        %parallel_loop3A_308 = vector.shape_cast %parallel_loop3A_303 : vector<16xf32> to vector<1x16xf32>
        tpu.vector_store %arg5[%parallel_loop3A_304, %parallel_loop3A_305], %parallel_loop3A_308 {strides = array<i32>} : memref<336x64xf32, #tpu.memory_space<vmem>>, vector<1x16xf32>,
      } {sc.loop_unroll_factor = 4 : i64, sc.parallel_access}
      %mul3A_107 = arith.constant 32 : i32
      %mul3A_108 = arith.muli %add3A_93, %mul3A_107 : i32
      %add3A_109 = arith.addi %add3A, %mul3A_108 : i32
      %mul3A_110 = arith.constant 336 : i32
      %mul3A_111 = arith.muli %add3A_109, %mul3A_110 : i32
      %multiple_of3A_112 = tpu.assume_multiple %mul3A_111, 8 : i32
      %dma_start3A_113 = arith.constant 0 : i32
      %dma_start3A_114 = tpu.memref_slice %arg3[%multiple_of3A_112, %dma_start3A_113] : memref<1000000x64xf32, #tpu.memory_space<hbm>> -> memref<336x64xf32, #tpu.memory_space<hbm>>
      %dma_start3A_115 = arith.constant 0 : i32
      %dma_start3A_116 = tpu.memref_slice %arg3[%multiple_of3A_112, %dma_start3A_115] : memref<1000000x64xf32, #tpu.memory_space<hbm>> -> memref<336x64xf32, #tpu.memory_space<hbm>>
      tpu.enqueue_dma source(%arg5 : memref<336x64xf32, #tpu.memory_space<vmem>>) target(%dma_start3A_116 : memref<336x64xf32, #tpu.memory_space<hbm>>) target_semaphore(%arg11 : memref<!tpu.dma_semaphore, #tpu.memory_space<semaphore_mem>>)
      %eq3A_117 = arith.constant 0 : i32
      %eq3A_118 = arith.cmpi eq, %add3A_93, %eq3A_117 : i32
      %convert_element_type3A_119 = arith.extui %eq3A_118 : i1 to i32
      %cond3A_120 = arith.constant 0 : i32
      %cond3A_121 = arith.cmpi ne, %convert_element_type3A_119, %cond3A_120 : i32
      scf.if %cond3A_121 {
        %add3A_178 = arith.constant 64 : i32
        %add3A_179 = arith.addi %add3A, %add3A_178 : i32
        %mul3A_180 = arith.constant 336 : i32
        %mul3A_181 = arith.muli %add3A_179, %mul3A_180 : i32
        %multiple_of3A_182 = tpu.assume_multiple %mul3A_181, 8 : i32
        %dma_start3A_183 = arith.constant 0 : i32
        %dma_start3A_184 = tpu.memref_slice %arg2[%multiple_of3A_182, %dma_start3A_183] : memref<1000000x64xf32, #tpu.memory_space<hbm>> -> memref<336x64xf32, #tpu.memory_space<hbm>>
        %dma_start3A_185 = arith.constant 0 : i32
        %dma_start3A_186 = tpu.memref_slice %arg2[%multiple_of3A_182, %dma_start3A_185] : memref<1000000x64xf32, #tpu.memory_space<hbm>> -> memref<336x64xf32, #tpu.memory_space<hbm>>
        tpu.enqueue_dma source(%dma_start3A_186 : memref<336x64xf32, #tpu.memory_space<hbm>>) target(%arg6 : memref<336x64xf32, #tpu.memory_space<vmem>>) target_semaphore(%arg9 : memref<!tpu.dma_semaphore, #tpu.memory_space<semaphore_mem>>)
      } else {
      }
      %ge3A_122 = arith.constant 1 : i32
      %ge3A_123 = arith.cmpi sge, %add3A_93, %ge3A_122 : i32
      %add3A_124 = arith.constant 3 : i32
      %add3A_125 = arith.addi %add3A_93, %add3A_124 : i32
      %sub3A_126 = arith.constant 1 : i32
      %sub3A_127 = arith.subi %add3A_125, %sub3A_126 : i32
      %lt3A_128 = arith.constant 93 : i32
      %lt3A_129 = arith.cmpi slt, %sub3A_127, %lt3A_128 : i32
      %and3A_130 = arith.andi %ge3A_123, %lt3A_129 : i1
      %convert_element_type3A_131 = arith.extui %and3A_130 : i1 to i32
      %cond3A_132 = arith.constant 0 : i32
      %cond3A_133 = arith.cmpi ne, %convert_element_type3A_131, %cond3A_132 : i32
      scf.if %cond3A_133 {
        %sub3A_178 = arith.constant 1 : i32
        %sub3A_179 = arith.subi %add3A_93, %sub3A_178 : i32
        %mul3A_180 = arith.constant 32 : i32
        %mul3A_181 = arith.muli %sub3A_179, %mul3A_180 : i32
        %add3A_182 = arith.addi %add3A, %mul3A_181 : i32
        %mul3A_183 = arith.constant 336 : i32
        %mul3A_184 = arith.muli %add3A_182, %mul3A_183 : i32
        %multiple_of3A_185 = tpu.assume_multiple %mul3A_184, 8 : i32
        %dma_wait3A_186 = arith.constant 0 : i32
        %dma_wait3A_187 = tpu.memref_slice %arg3[%multiple_of3A_185, %dma_wait3A_186] : memref<1000000x64xf32, #tpu.memory_space<hbm>> -> memref<336x64xf32, #tpu.memory_space<hbm>>
        %dma_wait3A_188 = arith.constant 0 : i32
        %dma_wait3A_189 = tpu.memref_slice %arg3[%multiple_of3A_185, %dma_wait3A_188] : memref<1000000x64xf32, #tpu.memory_space<hbm>> -> memref<336x64xf32, #tpu.memory_space<hbm>>
        tpu.wait_dma2 semaphore(%arg10 : memref<!tpu.dma_semaphore, #tpu.memory_space<semaphore_mem>>) src(%arg4 : memref<336x64xf32, #tpu.memory_space<vmem>>) dst(%dma_wait3A_189 : memref<336x64xf32, #tpu.memory_space<hbm>>)
        %add3A_190 = arith.constant 3 : i32
        %add3A_191 = arith.addi %add3A_93, %add3A_190 : i32
        %sub3A_192 = arith.constant 1 : i32
        %sub3A_193 = arith.subi %add3A_191, %sub3A_192 : i32
        %mul3A_194 = arith.constant 32 : i32
        %mul3A_195 = arith.muli %sub3A_193, %mul3A_194 : i32
        %add3A_196 = arith.addi %add3A, %mul3A_195 : i32
        %mul3A_197 = arith.constant 336 : i32
        %mul3A_198 = arith.muli %add3A_196, %mul3A_197 : i32
        %multiple_of3A_199 = tpu.assume_multiple %mul3A_198, 8 : i32
        %dma_start3A_200 = arith.constant 0 : i32
        %dma_start3A_201 = tpu.memref_slice %arg2[%multiple_of3A_199, %dma_start3A_200] : memref<1000000x64xf32, #tpu.memory_space<hbm>> -> memref<336x64xf32, #tpu.memory_space<hbm>>
        %dma_start3A_202 = arith.constant 0 : i32
        %dma_start3A_203 = tpu.memref_slice %arg2[%multiple_of3A_199, %dma_start3A_202] : memref<1000000x64xf32, #tpu.memory_space<hbm>> -> memref<336x64xf32, #tpu.memory_space<hbm>>
        tpu.enqueue_dma source(%dma_start3A_203 : memref<336x64xf32, #tpu.memory_space<hbm>>) target(%arg4 : memref<336x64xf32, #tpu.memory_space<vmem>>) target_semaphore(%arg7 : memref<!tpu.dma_semaphore, #tpu.memory_space<semaphore_mem>>)
      } else {
      }
      %mul3A_134 = arith.constant 3 : i32
      %mul3A_135 = arith.muli %scan3A_50, %mul3A_134 : i32
      %add3A_136 = arith.constant 2 : i32
      %add3A_137 = arith.addi %mul3A_135, %add3A_136 : i32
      %mul3A_138 = arith.constant 32 : i32
      %mul3A_139 = arith.muli %add3A_137, %mul3A_138 : i32
      %add3A_140 = arith.addi %add3A, %mul3A_139 : i32
      %mul3A_141 = arith.constant 336 : i32
      %mul3A_142 = arith.muli %add3A_140, %mul3A_141 : i32
      %multiple_of3A_143 = tpu.assume_multiple %mul3A_142, 8 : i32
      %dma_wait3A_144 = arith.constant 0 : i32
      %dma_wait3A_145 = tpu.memref_slice %arg2[%multiple_of3A_143, %dma_wait3A_144] : memref<1000000x64xf32, #tpu.memory_space<hbm>> -> memref<336x64xf32, #tpu.memory_space<hbm>>
      %dma_wait3A_146 = arith.constant 0 : i32
      %dma_wait3A_147 = tpu.memref_slice %arg2[%multiple_of3A_143, %dma_wait3A_146] : memref<1000000x64xf32, #tpu.memory_space<hbm>> -> memref<336x64xf32, #tpu.memory_space<hbm>>
      tpu.wait_dma2 semaphore(%arg9 : memref<!tpu.dma_semaphore, #tpu.memory_space<semaphore_mem>>) src(%dma_wait3A_147 : memref<336x64xf32, #tpu.memory_space<hbm>>) dst(%arg6 : memref<336x64xf32, #tpu.memory_space<vmem>>)
      %parallel_loop3A_148 = arith.constant 0 : i32
      %parallel_loop3A_149 = arith.constant 336 : i32
      %parallel_loop3A_150 = arith.constant 1 : i32
      scf.for %parallel_loop3A_178 = %parallel_loop3A_148 to %parallel_loop3A_149 step %parallel_loop3A_150  : i32 {
        %parallel_loop3A_179 = arith.index_cast %parallel_loop3A_178 : i32 to index
        %parallel_loop3A_180 = arith.constant 0 : index
        %parallel_loop3A_181 = tpu.vector_load %arg6[%parallel_loop3A_179, %parallel_loop3A_180] {strides = array<i32>} : memref<336x64xf32, #tpu.memory_space<vmem>>, vector<1x16xf32>,
        %parallel_loop3A_182 = vector.shape_cast %parallel_loop3A_181 : vector<1x16xf32> to vector<16xf32>
        %parallel_loop3A_183 = arith.index_cast %parallel_loop3A_178 : i32 to index
        %parallel_loop3A_184 = arith.constant 16 : index
        %parallel_loop3A_185 = tpu.vector_load %arg6[%parallel_loop3A_183, %parallel_loop3A_184] {strides = array<i32>} : memref<336x64xf32, #tpu.memory_space<vmem>>, vector<1x16xf32>,
        %parallel_loop3A_186 = vector.shape_cast %parallel_loop3A_185 : vector<1x16xf32> to vector<16xf32>
        %parallel_loop3A_187 = arith.index_cast %parallel_loop3A_178 : i32 to index
        %parallel_loop3A_188 = arith.constant 32 : index
        %parallel_loop3A_189 = tpu.vector_load %arg6[%parallel_loop3A_187, %parallel_loop3A_188] {strides = array<i32>} : memref<336x64xf32, #tpu.memory_space<vmem>>, vector<1x16xf32>,
        %parallel_loop3A_190 = vector.shape_cast %parallel_loop3A_189 : vector<1x16xf32> to vector<16xf32>
        %parallel_loop3A_191 = arith.index_cast %parallel_loop3A_178 : i32 to index
        %parallel_loop3A_192 = arith.constant 48 : index
        %parallel_loop3A_193 = tpu.vector_load %arg6[%parallel_loop3A_191, %parallel_loop3A_192] {strides = array<i32>} : memref<336x64xf32, #tpu.memory_space<vmem>>, vector<1x16xf32>,
        %parallel_loop3A_194 = vector.shape_cast %parallel_loop3A_193 : vector<1x16xf32> to vector<16xf32>
        %parallel_loop3A_195 = arith.mulf %parallel_loop3A_182, %parallel_loop3A_182 : vector<16xf32>
        %parallel_loop3A_196 = arith.mulf %parallel_loop3A_186, %parallel_loop3A_186 : vector<16xf32>
        %parallel_loop3A_197 = arith.addf %parallel_loop3A_195, %parallel_loop3A_196 : vector<16xf32>
        %parallel_loop3A_198 = arith.mulf %parallel_loop3A_190, %parallel_loop3A_190 : vector<16xf32>
        %parallel_loop3A_199 = arith.addf %parallel_loop3A_197, %parallel_loop3A_198 : vector<16xf32>
        %parallel_loop3A_200 = arith.mulf %parallel_loop3A_194, %parallel_loop3A_194 : vector<16xf32>
        %parallel_loop3A_201 = arith.addf %parallel_loop3A_199, %parallel_loop3A_200 : vector<16xf32>
        %parallel_loop3A_202 = tpu.iota {dimensions = array<i32: 0>} : vector<16xi32>
        %parallel_loop3A_203 = arith.constant 1 : i32
        %parallel_loop3A_204 = vector.broadcast %parallel_loop3A_203 : i32 to vector<16xi32>
        %parallel_loop3A_205 = arith.xori %parallel_loop3A_202, %parallel_loop3A_204 : vector<16xi32>
        %parallel_loop3A_206 = arith.constant 0 : i32
        %parallel_loop3A_207 = vector.broadcast %parallel_loop3A_206 : i32 to vector<16xi32>
        %parallel_loop3A_208 = arith.cmpi slt, %parallel_loop3A_205, %parallel_loop3A_207 : vector<16xi32>
        %parallel_loop3A_209 = arith.constant 16 : i32
        %parallel_loop3A_210 = vector.broadcast %parallel_loop3A_209 : i32 to vector<16xi32>
        %parallel_loop3A_211 = arith.addi %parallel_loop3A_205, %parallel_loop3A_210 : vector<16xi32>
        %parallel_loop3A_212 = arith.select %parallel_loop3A_208, %parallel_loop3A_211, %parallel_loop3A_205 : vector<16xi1>, vector<16xi32>
        %parallel_loop3A_213 = vector.shape_cast %parallel_loop3A_212 : vector<16xi32> to vector<16x1xi32>
        %parallel_loop3A_214 = vector.shape_cast %parallel_loop3A_213 : vector<16x1xi32> to vector<16xi32>
        %parallel_loop3A_215 = tpu.dynamic_gather %parallel_loop3A_201[%parallel_loop3A_214] in [0] : vector<16xf32>, vector<16xi32> -> vector<16xf32>
        %parallel_loop3A_216 = arith.addf %parallel_loop3A_201, %parallel_loop3A_215 : vector<16xf32>
        %parallel_loop3A_217 = arith.constant 2 : i32
        %parallel_loop3A_218 = vector.broadcast %parallel_loop3A_217 : i32 to vector<16xi32>
        %parallel_loop3A_219 = arith.xori %parallel_loop3A_202, %parallel_loop3A_218 : vector<16xi32>
        %parallel_loop3A_220 = arith.constant 0 : i32
        %parallel_loop3A_221 = vector.broadcast %parallel_loop3A_220 : i32 to vector<16xi32>
        %parallel_loop3A_222 = arith.cmpi slt, %parallel_loop3A_219, %parallel_loop3A_221 : vector<16xi32>
        %parallel_loop3A_223 = arith.constant 16 : i32
        %parallel_loop3A_224 = vector.broadcast %parallel_loop3A_223 : i32 to vector<16xi32>
        %parallel_loop3A_225 = arith.addi %parallel_loop3A_219, %parallel_loop3A_224 : vector<16xi32>
        %parallel_loop3A_226 = arith.select %parallel_loop3A_222, %parallel_loop3A_225, %parallel_loop3A_219 : vector<16xi1>, vector<16xi32>
        %parallel_loop3A_227 = vector.shape_cast %parallel_loop3A_226 : vector<16xi32> to vector<16x1xi32>
        %parallel_loop3A_228 = vector.shape_cast %parallel_loop3A_227 : vector<16x1xi32> to vector<16xi32>
        %parallel_loop3A_229 = tpu.dynamic_gather %parallel_loop3A_216[%parallel_loop3A_228] in [0] : vector<16xf32>, vector<16xi32> -> vector<16xf32>
        %parallel_loop3A_230 = arith.addf %parallel_loop3A_216, %parallel_loop3A_229 : vector<16xf32>
        %parallel_loop3A_231 = arith.constant 4 : i32
        %parallel_loop3A_232 = vector.broadcast %parallel_loop3A_231 : i32 to vector<16xi32>
        %parallel_loop3A_233 = arith.xori %parallel_loop3A_202, %parallel_loop3A_232 : vector<16xi32>
        %parallel_loop3A_234 = arith.constant 0 : i32
        %parallel_loop3A_235 = vector.broadcast %parallel_loop3A_234 : i32 to vector<16xi32>
        %parallel_loop3A_236 = arith.cmpi slt, %parallel_loop3A_233, %parallel_loop3A_235 : vector<16xi32>
        %parallel_loop3A_237 = arith.constant 16 : i32
        %parallel_loop3A_238 = vector.broadcast %parallel_loop3A_237 : i32 to vector<16xi32>
        %parallel_loop3A_239 = arith.addi %parallel_loop3A_233, %parallel_loop3A_238 : vector<16xi32>
        %parallel_loop3A_240 = arith.select %parallel_loop3A_236, %parallel_loop3A_239, %parallel_loop3A_233 : vector<16xi1>, vector<16xi32>
        %parallel_loop3A_241 = vector.shape_cast %parallel_loop3A_240 : vector<16xi32> to vector<16x1xi32>
        %parallel_loop3A_242 = vector.shape_cast %parallel_loop3A_241 : vector<16x1xi32> to vector<16xi32>
        %parallel_loop3A_243 = tpu.dynamic_gather %parallel_loop3A_230[%parallel_loop3A_242] in [0] : vector<16xf32>, vector<16xi32> -> vector<16xf32>
        %parallel_loop3A_244 = arith.addf %parallel_loop3A_230, %parallel_loop3A_243 : vector<16xf32>
        %parallel_loop3A_245 = arith.constant 8 : i32
        %parallel_loop3A_246 = vector.broadcast %parallel_loop3A_245 : i32 to vector<16xi32>
        %parallel_loop3A_247 = arith.xori %parallel_loop3A_202, %parallel_loop3A_246 : vector<16xi32>
        %parallel_loop3A_248 = arith.constant 0 : i32
        %parallel_loop3A_249 = vector.broadcast %parallel_loop3A_248 : i32 to vector<16xi32>
        %parallel_loop3A_250 = arith.cmpi slt, %parallel_loop3A_247, %parallel_loop3A_249 : vector<16xi32>
        %parallel_loop3A_251 = arith.constant 16 : i32
        %parallel_loop3A_252 = vector.broadcast %parallel_loop3A_251 : i32 to vector<16xi32>
        %parallel_loop3A_253 = arith.addi %parallel_loop3A_247, %parallel_loop3A_252 : vector<16xi32>
        %parallel_loop3A_254 = arith.select %parallel_loop3A_250, %parallel_loop3A_253, %parallel_loop3A_247 : vector<16xi1>, vector<16xi32>
        %parallel_loop3A_255 = vector.shape_cast %parallel_loop3A_254 : vector<16xi32> to vector<16x1xi32>
        %parallel_loop3A_256 = vector.shape_cast %parallel_loop3A_255 : vector<16x1xi32> to vector<16xi32>
        %parallel_loop3A_257 = tpu.dynamic_gather %parallel_loop3A_244[%parallel_loop3A_256] in [0] : vector<16xf32>, vector<16xi32> -> vector<16xf32>
        %parallel_loop3A_258 = arith.addf %parallel_loop3A_244, %parallel_loop3A_257 : vector<16xf32>
        %parallel_loop3A_259 = tpu.bitcast %parallel_loop3A_258 : vector<16xf32> -> vector<16xi32>
        %parallel_loop3A_260 = arith.constant 1 : i32
        %parallel_loop3A_261 = vector.broadcast %parallel_loop3A_260 : i32 to vector<16xi32>
        %parallel_loop3A_262 = arith.shrui %parallel_loop3A_259, %parallel_loop3A_261 : vector<16xi32>
        %parallel_loop3A_263 = arith.constant 1597463007 : i32
        %parallel_loop3A_264 = vector.broadcast %parallel_loop3A_263 : i32 to vector<16xi32>
        %parallel_loop3A_265 = arith.subi %parallel_loop3A_264, %parallel_loop3A_262 : vector<16xi32>
        %parallel_loop3A_266 = tpu.bitcast %parallel_loop3A_265 : vector<16xi32> -> vector<16xf32>
        %parallel_loop3A_267 = arith.constant 5.000000e-01 : f32
        %parallel_loop3A_268 = vector.broadcast %parallel_loop3A_267 : f32 to vector<16xf32>
        %parallel_loop3A_269 = arith.mulf %parallel_loop3A_268, %parallel_loop3A_258 : vector<16xf32>
        %parallel_loop3A_270 = arith.mulf %parallel_loop3A_269, %parallel_loop3A_266 : vector<16xf32>
        %parallel_loop3A_271 = arith.mulf %parallel_loop3A_270, %parallel_loop3A_266 : vector<16xf32>
        %parallel_loop3A_272 = arith.constant 1.500000e+00 : f32
        %parallel_loop3A_273 = vector.broadcast %parallel_loop3A_272 : f32 to vector<16xf32>
        %parallel_loop3A_274 = arith.subf %parallel_loop3A_273, %parallel_loop3A_271 : vector<16xf32>
        %parallel_loop3A_275 = arith.mulf %parallel_loop3A_266, %parallel_loop3A_274 : vector<16xf32>
        %parallel_loop3A_276 = arith.constant 5.000000e-01 : f32
        %parallel_loop3A_277 = vector.broadcast %parallel_loop3A_276 : f32 to vector<16xf32>
        %parallel_loop3A_278 = arith.mulf %parallel_loop3A_277, %parallel_loop3A_258 : vector<16xf32>
        %parallel_loop3A_279 = arith.mulf %parallel_loop3A_278, %parallel_loop3A_275 : vector<16xf32>
        %parallel_loop3A_280 = arith.mulf %parallel_loop3A_279, %parallel_loop3A_275 : vector<16xf32>
        %parallel_loop3A_281 = arith.constant 1.500000e+00 : f32
        %parallel_loop3A_282 = vector.broadcast %parallel_loop3A_281 : f32 to vector<16xf32>
        %parallel_loop3A_283 = arith.subf %parallel_loop3A_282, %parallel_loop3A_280 : vector<16xf32>
        %parallel_loop3A_284 = arith.mulf %parallel_loop3A_275, %parallel_loop3A_283 : vector<16xf32>
        %parallel_loop3A_285 = arith.mulf %parallel_loop3A_182, %parallel_loop3A_284 : vector<16xf32>
        %parallel_loop3A_286 = arith.index_cast %parallel_loop3A_178 : i32 to index
        %parallel_loop3A_287 = arith.constant 0 : index
        %parallel_loop3A_288 = tpu.vector_load %arg6[%parallel_loop3A_286, %parallel_loop3A_287] {strides = array<i32>} : memref<336x64xf32, #tpu.memory_space<vmem>>, vector<1x16xf32>,
        %parallel_loop3A_289 = vector.shape_cast %parallel_loop3A_288 : vector<1x16xf32> to vector<16xf32>
        %parallel_loop3A_290 = vector.shape_cast %parallel_loop3A_285 : vector<16xf32> to vector<1x16xf32>
        tpu.vector_store %arg6[%parallel_loop3A_286, %parallel_loop3A_287], %parallel_loop3A_290 {strides = array<i32>} : memref<336x64xf32, #tpu.memory_space<vmem>>, vector<1x16xf32>,
        %parallel_loop3A_291 = arith.mulf %parallel_loop3A_186, %parallel_loop3A_284 : vector<16xf32>
        %parallel_loop3A_292 = arith.index_cast %parallel_loop3A_178 : i32 to index
        %parallel_loop3A_293 = arith.constant 16 : index
        %parallel_loop3A_294 = tpu.vector_load %arg6[%parallel_loop3A_292, %parallel_loop3A_293] {strides = array<i32>} : memref<336x64xf32, #tpu.memory_space<vmem>>, vector<1x16xf32>,
        %parallel_loop3A_295 = vector.shape_cast %parallel_loop3A_294 : vector<1x16xf32> to vector<16xf32>
        %parallel_loop3A_296 = vector.shape_cast %parallel_loop3A_291 : vector<16xf32> to vector<1x16xf32>
        tpu.vector_store %arg6[%parallel_loop3A_292, %parallel_loop3A_293], %parallel_loop3A_296 {strides = array<i32>} : memref<336x64xf32, #tpu.memory_space<vmem>>, vector<1x16xf32>,
        %parallel_loop3A_297 = arith.mulf %parallel_loop3A_190, %parallel_loop3A_284 : vector<16xf32>
        %parallel_loop3A_298 = arith.index_cast %parallel_loop3A_178 : i32 to index
        %parallel_loop3A_299 = arith.constant 32 : index
        %parallel_loop3A_300 = tpu.vector_load %arg6[%parallel_loop3A_298, %parallel_loop3A_299] {strides = array<i32>} : memref<336x64xf32, #tpu.memory_space<vmem>>, vector<1x16xf32>,
        %parallel_loop3A_301 = vector.shape_cast %parallel_loop3A_300 : vector<1x16xf32> to vector<16xf32>
        %parallel_loop3A_302 = vector.shape_cast %parallel_loop3A_297 : vector<16xf32> to vector<1x16xf32>
        tpu.vector_store %arg6[%parallel_loop3A_298, %parallel_loop3A_299], %parallel_loop3A_302 {strides = array<i32>} : memref<336x64xf32, #tpu.memory_space<vmem>>, vector<1x16xf32>,
        %parallel_loop3A_303 = arith.mulf %parallel_loop3A_194, %parallel_loop3A_284 : vector<16xf32>
        %parallel_loop3A_304 = arith.index_cast %parallel_loop3A_178 : i32 to index
        %parallel_loop3A_305 = arith.constant 48 : index
        %parallel_loop3A_306 = tpu.vector_load %arg6[%parallel_loop3A_304, %parallel_loop3A_305] {strides = array<i32>} : memref<336x64xf32, #tpu.memory_space<vmem>>, vector<1x16xf32>,
        %parallel_loop3A_307 = vector.shape_cast %parallel_loop3A_306 : vector<1x16xf32> to vector<16xf32>
        %parallel_loop3A_308 = vector.shape_cast %parallel_loop3A_303 : vector<16xf32> to vector<1x16xf32>
        tpu.vector_store %arg6[%parallel_loop3A_304, %parallel_loop3A_305], %parallel_loop3A_308 {strides = array<i32>} : memref<336x64xf32, #tpu.memory_space<vmem>>, vector<1x16xf32>,
      } {sc.loop_unroll_factor = 4 : i64, sc.parallel_access}
      %mul3A_151 = arith.constant 32 : i32
      %mul3A_152 = arith.muli %add3A_137, %mul3A_151 : i32
      %add3A_153 = arith.addi %add3A, %mul3A_152 : i32
      %mul3A_154 = arith.constant 336 : i32
      %mul3A_155 = arith.muli %add3A_153, %mul3A_154 : i32
      %multiple_of3A_156 = tpu.assume_multiple %mul3A_155, 8 : i32
      %dma_start3A_157 = arith.constant 0 : i32
      %dma_start3A_158 = tpu.memref_slice %arg3[%multiple_of3A_156, %dma_start3A_157] : memref<1000000x64xf32, #tpu.memory_space<hbm>> -> memref<336x64xf32, #tpu.memory_space<hbm>>
      %dma_start3A_159 = arith.constant 0 : i32
      %dma_start3A_160 = tpu.memref_slice %arg3[%multiple_of3A_156, %dma_start3A_159] : memref<1000000x64xf32, #tpu.memory_space<hbm>> -> memref<336x64xf32, #tpu.memory_space<hbm>>
      tpu.enqueue_dma source(%arg6 : memref<336x64xf32, #tpu.memory_space<vmem>>) target(%dma_start3A_160 : memref<336x64xf32, #tpu.memory_space<hbm>>) target_semaphore(%arg12 : memref<!tpu.dma_semaphore, #tpu.memory_space<semaphore_mem>>)
      %eq3A_161 = arith.constant 0 : i32
      %eq3A_162 = arith.cmpi eq, %add3A_137, %eq3A_161 : i32
      %convert_element_type3A_163 = arith.extui %eq3A_162 : i1 to i32
      %cond3A_164 = arith.constant 0 : i32
      %cond3A_165 = arith.cmpi ne, %convert_element_type3A_163, %cond3A_164 : i32
      scf.if %cond3A_165 {
        %add3A_178 = arith.constant 64 : i32
        %add3A_179 = arith.addi %add3A, %add3A_178 : i32
        %mul3A_180 = arith.constant 336 : i32
        %mul3A_181 = arith.muli %add3A_179, %mul3A_180 : i32
        %multiple_of3A_182 = tpu.assume_multiple %mul3A_181, 8 : i32
        %dma_start3A_183 = arith.constant 0 : i32
        %dma_start3A_184 = tpu.memref_slice %arg2[%multiple_of3A_182, %dma_start3A_183] : memref<1000000x64xf32, #tpu.memory_space<hbm>> -> memref<336x64xf32, #tpu.memory_space<hbm>>
        %dma_start3A_185 = arith.constant 0 : i32
        %dma_start3A_186 = tpu.memref_slice %arg2[%multiple_of3A_182, %dma_start3A_185] : memref<1000000x64xf32, #tpu.memory_space<hbm>> -> memref<336x64xf32, #tpu.memory_space<hbm>>
        tpu.enqueue_dma source(%dma_start3A_186 : memref<336x64xf32, #tpu.memory_space<hbm>>) target(%arg6 : memref<336x64xf32, #tpu.memory_space<vmem>>) target_semaphore(%arg9 : memref<!tpu.dma_semaphore, #tpu.memory_space<semaphore_mem>>)
      } else {
      }
      %ge3A_166 = arith.constant 1 : i32
      %ge3A_167 = arith.cmpi sge, %add3A_137, %ge3A_166 : i32
      %add3A_168 = arith.constant 3 : i32
      %add3A_169 = arith.addi %add3A_137, %add3A_168 : i32
      %sub3A_170 = arith.constant 1 : i32
      %sub3A_171 = arith.subi %add3A_169, %sub3A_170 : i32
      %lt3A_172 = arith.constant 93 : i32
      %lt3A_173 = arith.cmpi slt, %sub3A_171, %lt3A_172 : i32
      %and3A_174 = arith.andi %ge3A_167, %lt3A_173 : i1
      %convert_element_type3A_175 = arith.extui %and3A_174 : i1 to i32
      %cond3A_176 = arith.constant 0 : i32
      %cond3A_177 = arith.cmpi ne, %convert_element_type3A_175, %cond3A_176 : i32
      scf.if %cond3A_177 {
        %sub3A_178 = arith.constant 1 : i32
        %sub3A_179 = arith.subi %add3A_137, %sub3A_178 : i32
        %mul3A_180 = arith.constant 32 : i32
        %mul3A_181 = arith.muli %sub3A_179, %mul3A_180 : i32
        %add3A_182 = arith.addi %add3A, %mul3A_181 : i32
        %mul3A_183 = arith.constant 336 : i32
        %mul3A_184 = arith.muli %add3A_182, %mul3A_183 : i32
        %multiple_of3A_185 = tpu.assume_multiple %mul3A_184, 8 : i32
        %dma_wait3A_186 = arith.constant 0 : i32
        %dma_wait3A_187 = tpu.memref_slice %arg3[%multiple_of3A_185, %dma_wait3A_186] : memref<1000000x64xf32, #tpu.memory_space<hbm>> -> memref<336x64xf32, #tpu.memory_space<hbm>>
        %dma_wait3A_188 = arith.constant 0 : i32
        %dma_wait3A_189 = tpu.memref_slice %arg3[%multiple_of3A_185, %dma_wait3A_188] : memref<1000000x64xf32, #tpu.memory_space<hbm>> -> memref<336x64xf32, #tpu.memory_space<hbm>>
        tpu.wait_dma2 semaphore(%arg11 : memref<!tpu.dma_semaphore, #tpu.memory_space<semaphore_mem>>) src(%arg5 : memref<336x64xf32, #tpu.memory_space<vmem>>) dst(%dma_wait3A_189 : memref<336x64xf32, #tpu.memory_space<hbm>>)
        %add3A_190 = arith.constant 3 : i32
        %add3A_191 = arith.addi %add3A_137, %add3A_190 : i32
        %sub3A_192 = arith.constant 1 : i32
        %sub3A_193 = arith.subi %add3A_191, %sub3A_192 : i32
        %mul3A_194 = arith.constant 32 : i32
        %mul3A_195 = arith.muli %sub3A_193, %mul3A_194 : i32
        %add3A_196 = arith.addi %add3A, %mul3A_195 : i32
        %mul3A_197 = arith.constant 336 : i32
        %mul3A_198 = arith.muli %add3A_196, %mul3A_197 : i32
        %multiple_of3A_199 = tpu.assume_multiple %mul3A_198, 8 : i32
        %dma_start3A_200 = arith.constant 0 : i32
        %dma_start3A_201 = tpu.memref_slice %arg2[%multiple_of3A_199, %dma_start3A_200] : memref<1000000x64xf32, #tpu.memory_space<hbm>> -> memref<336x64xf32, #tpu.memory_space<hbm>>
        %dma_start3A_202 = arith.constant 0 : i32
        %dma_start3A_203 = tpu.memref_slice %arg2[%multiple_of3A_199, %dma_start3A_202] : memref<1000000x64xf32, #tpu.memory_space<hbm>> -> memref<336x64xf32, #tpu.memory_space<hbm>>
        tpu.enqueue_dma source(%dma_start3A_203 : memref<336x64xf32, #tpu.memory_space<hbm>>) target(%arg5 : memref<336x64xf32, #tpu.memory_space<vmem>>) target_semaphore(%arg8 : memref<!tpu.dma_semaphore, #tpu.memory_space<semaphore_mem>>)
      } else {
      }
    }
    %scan3A_21 = arith.constant 31 : i32
    %add3A_22 = arith.constant 2880 : i32
    %add3A_23 = arith.addi %add3A, %add3A_22 : i32
    %mul3A_24 = arith.constant 336 : i32
    %mul3A_25 = arith.muli %add3A_23, %mul3A_24 : i32
    %multiple_of3A_26 = tpu.assume_multiple %mul3A_25, 8 : i32
    %dma_wait3A = arith.constant 0 : i32
    %dma_wait3A_27 = tpu.memref_slice %arg3[%multiple_of3A_26, %dma_wait3A] : memref<1000000x64xf32, #tpu.memory_space<hbm>> -> memref<336x64xf32, #tpu.memory_space<hbm>>
    %dma_wait3A_28 = arith.constant 0 : i32
    %dma_wait3A_29 = tpu.memref_slice %arg3[%multiple_of3A_26, %dma_wait3A_28] : memref<1000000x64xf32, #tpu.memory_space<hbm>> -> memref<336x64xf32, #tpu.memory_space<hbm>>
    tpu.wait_dma2 semaphore(%arg10 : memref<!tpu.dma_semaphore, #tpu.memory_space<semaphore_mem>>) src(%arg4 : memref<336x64xf32, #tpu.memory_space<vmem>>) dst(%dma_wait3A_29 : memref<336x64xf32, #tpu.memory_space<hbm>>)
    %add3A_30 = arith.constant 2912 : i32
    %add3A_31 = arith.addi %add3A, %add3A_30 : i32
    %mul3A_32 = arith.constant 336 : i32
    %mul3A_33 = arith.muli %add3A_31, %mul3A_32 : i32
    %multiple_of3A_34 = tpu.assume_multiple %mul3A_33, 8 : i32
    %dma_wait3A_35 = arith.constant 0 : i32
    %dma_wait3A_36 = tpu.memref_slice %arg3[%multiple_of3A_34, %dma_wait3A_35] : memref<1000000x64xf32, #tpu.memory_space<hbm>> -> memref<336x64xf32, #tpu.memory_space<hbm>>
    %dma_wait3A_37 = arith.constant 0 : i32
    %dma_wait3A_38 = tpu.memref_slice %arg3[%multiple_of3A_34, %dma_wait3A_37] : memref<1000000x64xf32, #tpu.memory_space<hbm>> -> memref<336x64xf32, #tpu.memory_space<hbm>>
    tpu.wait_dma2 semaphore(%arg11 : memref<!tpu.dma_semaphore, #tpu.memory_space<semaphore_mem>>) src(%arg5 : memref<336x64xf32, #tpu.memory_space<vmem>>) dst(%dma_wait3A_38 : memref<336x64xf32, #tpu.memory_space<hbm>>)
    %add3A_39 = arith.constant 2944 : i32
    %add3A_40 = arith.addi %add3A, %add3A_39 : i32
    %mul3A_41 = arith.constant 336 : i32
    %mul3A_42 = arith.muli %add3A_40, %mul3A_41 : i32
    %multiple_of3A_43 = tpu.assume_multiple %mul3A_42, 8 : i32
    %dma_wait3A_44 = arith.constant 0 : i32
    %dma_wait3A_45 = tpu.memref_slice %arg3[%multiple_of3A_43, %dma_wait3A_44] : memref<1000000x64xf32, #tpu.memory_space<hbm>> -> memref<336x64xf32, #tpu.memory_space<hbm>>
    %dma_wait3A_46 = arith.constant 0 : i32
    %dma_wait3A_47 = tpu.memref_slice %arg3[%multiple_of3A_43, %dma_wait3A_46] : memref<1000000x64xf32, #tpu.memory_space<hbm>> -> memref<336x64xf32, #tpu.memory_space<hbm>>
    tpu.wait_dma2 semaphore(%arg12 : memref<!tpu.dma_semaphore, #tpu.memory_space<semaphore_mem>>) src(%arg6 : memref<336x64xf32, #tpu.memory_space<vmem>>) dst(%dma_wait3A_47 : memref<336x64xf32, #tpu.memory_space<hbm>>)
    %lt3A = arith.constant 8 : i32
    %lt3A_48 = arith.cmpi slt, %add3A, %lt3A : i32
    %convert_element_type3A = arith.extui %lt3A_48 : i1 to i32
    %cond3A = arith.constant 0 : i32
    %cond3A_49 = arith.cmpi ne, %convert_element_type3A, %cond3A : i32
    scf.if %cond3A_49 {
      %mul3A_50 = arith.constant 8 : i32
      %mul3A_51 = arith.muli %add3A, %mul3A_50 : i32
      %add3A_52 = arith.constant 999936 : i32
      %add3A_53 = arith.addi %add3A_52, %mul3A_51 : i32
      %multiple_of3A_54 = tpu.assume_multiple %add3A_53, 8 : i32
      "tpu.region"() ({
        %run_scoped3A = tpu.sem_alloc : memref<!tpu.dma_semaphore, #tpu.memory_space<semaphore_mem>>
        %dma_start3A_57 = arith.constant 0 : i32
        %dma_start3A_58 = arith.constant 0 : i32
        %dma_start3A_59 = tpu.memref_slice %arg4[%dma_start3A_57, %dma_start3A_58] : memref<336x64xf32, #tpu.memory_space<vmem>> -> memref<8x64xf32, #tpu.memory_space<vmem>>
        %dma_start3A_60 = arith.constant 0 : i32
        %dma_start3A_61 = tpu.memref_slice %arg2[%multiple_of3A_54, %dma_start3A_60] : memref<1000000x64xf32, #tpu.memory_space<hbm>> -> memref<8x64xf32, #tpu.memory_space<hbm>>
        %dma_start3A_62 = arith.constant 0 : i32
        %dma_start3A_63 = arith.constant 0 : i32
        %dma_start3A_64 = tpu.memref_slice %arg4[%dma_start3A_62, %dma_start3A_63] : memref<336x64xf32, #tpu.memory_space<vmem>> -> memref<8x64xf32, #tpu.memory_space<vmem>>
        %dma_start3A_65 = arith.constant 0 : i32
        %dma_start3A_66 = tpu.memref_slice %arg2[%multiple_of3A_54, %dma_start3A_65] : memref<1000000x64xf32, #tpu.memory_space<hbm>> -> memref<8x64xf32, #tpu.memory_space<hbm>>
        tpu.enqueue_dma source(%dma_start3A_66 : memref<8x64xf32, #tpu.memory_space<hbm>>) target(%dma_start3A_64 : memref<8x64xf32, #tpu.memory_space<vmem>>) target_semaphore(%run_scoped3A : memref<!tpu.dma_semaphore, #tpu.memory_space<semaphore_mem>>)
        %dma_wait3A_67 = arith.constant 0 : i32
        %dma_wait3A_68 = arith.constant 0 : i32
        %dma_wait3A_69 = tpu.memref_slice %arg4[%dma_wait3A_67, %dma_wait3A_68] : memref<336x64xf32, #tpu.memory_space<vmem>> -> memref<8x64xf32, #tpu.memory_space<vmem>>
        %dma_wait3A_70 = arith.constant 0 : i32
        %dma_wait3A_71 = tpu.memref_slice %arg2[%multiple_of3A_54, %dma_wait3A_70] : memref<1000000x64xf32, #tpu.memory_space<hbm>> -> memref<8x64xf32, #tpu.memory_space<hbm>>
        %dma_wait3A_72 = arith.constant 0 : i32
        %dma_wait3A_73 = arith.constant 0 : i32
        %dma_wait3A_74 = tpu.memref_slice %arg4[%dma_wait3A_72, %dma_wait3A_73] : memref<336x64xf32, #tpu.memory_space<vmem>> -> memref<8x64xf32, #tpu.memory_space<vmem>>
        %dma_wait3A_75 = arith.constant 0 : i32
        %dma_wait3A_76 = tpu.memref_slice %arg2[%multiple_of3A_54, %dma_wait3A_75] : memref<1000000x64xf32, #tpu.memory_space<hbm>> -> memref<8x64xf32, #tpu.memory_space<hbm>>
        tpu.wait_dma2 semaphore(%run_scoped3A : memref<!tpu.dma_semaphore, #tpu.memory_space<semaphore_mem>>) src(%dma_wait3A_76 : memref<8x64xf32, #tpu.memory_space<hbm>>) dst(%dma_wait3A_74 : memref<8x64xf32, #tpu.memory_space<vmem>>)
        tpu.yield
      }) : () -> ()
      %parallel_loop3A = arith.constant 0 : i32
      %parallel_loop3A_55 = arith.constant 8 : i32
      %parallel_loop3A_56 = arith.constant 1 : i32
      scf.for %parallel_loop3A_57 = %parallel_loop3A to %parallel_loop3A_55 step %parallel_loop3A_56  : i32 {
        %parallel_loop3A_58 = arith.constant 0 : i32
        %parallel_loop3A_59 = arith.constant 0 : i32
        %parallel_loop3A_60 = tpu.memref_slice %arg4[%parallel_loop3A_58, %parallel_loop3A_59] : memref<336x64xf32, #tpu.memory_space<vmem>> -> memref<8x64xf32, #tpu.memory_space<vmem>>
        %parallel_loop3A_61 = arith.index_cast %parallel_loop3A_57 : i32 to index
        %parallel_loop3A_62 = arith.constant 0 : index
        %parallel_loop3A_63 = tpu.vector_load %parallel_loop3A_60[%parallel_loop3A_61, %parallel_loop3A_62] {strides = array<i32>} : memref<8x64xf32, #tpu.memory_space<vmem>>, vector<1x16xf32>,
        %parallel_loop3A_64 = vector.shape_cast %parallel_loop3A_63 : vector<1x16xf32> to vector<16xf32>
        %parallel_loop3A_65 = arith.constant 0 : i32
        %parallel_loop3A_66 = arith.constant 0 : i32
        %parallel_loop3A_67 = tpu.memref_slice %arg4[%parallel_loop3A_65, %parallel_loop3A_66] : memref<336x64xf32, #tpu.memory_space<vmem>> -> memref<8x64xf32, #tpu.memory_space<vmem>>
        %parallel_loop3A_68 = arith.index_cast %parallel_loop3A_57 : i32 to index
        %parallel_loop3A_69 = arith.constant 16 : index
        %parallel_loop3A_70 = tpu.vector_load %parallel_loop3A_67[%parallel_loop3A_68, %parallel_loop3A_69] {strides = array<i32>} : memref<8x64xf32, #tpu.memory_space<vmem>>, vector<1x16xf32>,
        %parallel_loop3A_71 = vector.shape_cast %parallel_loop3A_70 : vector<1x16xf32> to vector<16xf32>
        %parallel_loop3A_72 = arith.constant 0 : i32
        %parallel_loop3A_73 = arith.constant 0 : i32
        %parallel_loop3A_74 = tpu.memref_slice %arg4[%parallel_loop3A_72, %parallel_loop3A_73] : memref<336x64xf32, #tpu.memory_space<vmem>> -> memref<8x64xf32, #tpu.memory_space<vmem>>
        %parallel_loop3A_75 = arith.index_cast %parallel_loop3A_57 : i32 to index
        %parallel_loop3A_76 = arith.constant 32 : index
        %parallel_loop3A_77 = tpu.vector_load %parallel_loop3A_74[%parallel_loop3A_75, %parallel_loop3A_76] {strides = array<i32>} : memref<8x64xf32, #tpu.memory_space<vmem>>, vector<1x16xf32>,
        %parallel_loop3A_78 = vector.shape_cast %parallel_loop3A_77 : vector<1x16xf32> to vector<16xf32>
        %parallel_loop3A_79 = arith.constant 0 : i32
        %parallel_loop3A_80 = arith.constant 0 : i32
        %parallel_loop3A_81 = tpu.memref_slice %arg4[%parallel_loop3A_79, %parallel_loop3A_80] : memref<336x64xf32, #tpu.memory_space<vmem>> -> memref<8x64xf32, #tpu.memory_space<vmem>>
        %parallel_loop3A_82 = arith.index_cast %parallel_loop3A_57 : i32 to index
        %parallel_loop3A_83 = arith.constant 48 : index
        %parallel_loop3A_84 = tpu.vector_load %parallel_loop3A_81[%parallel_loop3A_82, %parallel_loop3A_83] {strides = array<i32>} : memref<8x64xf32, #tpu.memory_space<vmem>>, vector<1x16xf32>,
        %parallel_loop3A_85 = vector.shape_cast %parallel_loop3A_84 : vector<1x16xf32> to vector<16xf32>
        %parallel_loop3A_86 = arith.mulf %parallel_loop3A_64, %parallel_loop3A_64 : vector<16xf32>
        %parallel_loop3A_87 = arith.mulf %parallel_loop3A_71, %parallel_loop3A_71 : vector<16xf32>
        %parallel_loop3A_88 = arith.addf %parallel_loop3A_86, %parallel_loop3A_87 : vector<16xf32>
        %parallel_loop3A_89 = arith.mulf %parallel_loop3A_78, %parallel_loop3A_78 : vector<16xf32>
        %parallel_loop3A_90 = arith.addf %parallel_loop3A_88, %parallel_loop3A_89 : vector<16xf32>
        %parallel_loop3A_91 = arith.mulf %parallel_loop3A_85, %parallel_loop3A_85 : vector<16xf32>
        %parallel_loop3A_92 = arith.addf %parallel_loop3A_90, %parallel_loop3A_91 : vector<16xf32>
        %parallel_loop3A_93 = tpu.iota {dimensions = array<i32: 0>} : vector<16xi32>
        %parallel_loop3A_94 = arith.constant 1 : i32
        %parallel_loop3A_95 = vector.broadcast %parallel_loop3A_94 : i32 to vector<16xi32>
        %parallel_loop3A_96 = arith.xori %parallel_loop3A_93, %parallel_loop3A_95 : vector<16xi32>
        %parallel_loop3A_97 = arith.constant 0 : i32
        %parallel_loop3A_98 = vector.broadcast %parallel_loop3A_97 : i32 to vector<16xi32>
        %parallel_loop3A_99 = arith.cmpi slt, %parallel_loop3A_96, %parallel_loop3A_98 : vector<16xi32>
        %parallel_loop3A_100 = arith.constant 16 : i32
        %parallel_loop3A_101 = vector.broadcast %parallel_loop3A_100 : i32 to vector<16xi32>
        %parallel_loop3A_102 = arith.addi %parallel_loop3A_96, %parallel_loop3A_101 : vector<16xi32>
        %parallel_loop3A_103 = arith.select %parallel_loop3A_99, %parallel_loop3A_102, %parallel_loop3A_96 : vector<16xi1>, vector<16xi32>
        %parallel_loop3A_104 = vector.shape_cast %parallel_loop3A_103 : vector<16xi32> to vector<16x1xi32>
        %parallel_loop3A_105 = vector.shape_cast %parallel_loop3A_104 : vector<16x1xi32> to vector<16xi32>
        %parallel_loop3A_106 = tpu.dynamic_gather %parallel_loop3A_92[%parallel_loop3A_105] in [0] : vector<16xf32>, vector<16xi32> -> vector<16xf32>
        %parallel_loop3A_107 = arith.addf %parallel_loop3A_92, %parallel_loop3A_106 : vector<16xf32>
        %parallel_loop3A_108 = arith.constant 2 : i32
        %parallel_loop3A_109 = vector.broadcast %parallel_loop3A_108 : i32 to vector<16xi32>
        %parallel_loop3A_110 = arith.xori %parallel_loop3A_93, %parallel_loop3A_109 : vector<16xi32>
        %parallel_loop3A_111 = arith.constant 0 : i32
        %parallel_loop3A_112 = vector.broadcast %parallel_loop3A_111 : i32 to vector<16xi32>
        %parallel_loop3A_113 = arith.cmpi slt, %parallel_loop3A_110, %parallel_loop3A_112 : vector<16xi32>
        %parallel_loop3A_114 = arith.constant 16 : i32
        %parallel_loop3A_115 = vector.broadcast %parallel_loop3A_114 : i32 to vector<16xi32>
        %parallel_loop3A_116 = arith.addi %parallel_loop3A_110, %parallel_loop3A_115 : vector<16xi32>
        %parallel_loop3A_117 = arith.select %parallel_loop3A_113, %parallel_loop3A_116, %parallel_loop3A_110 : vector<16xi1>, vector<16xi32>
        %parallel_loop3A_118 = vector.shape_cast %parallel_loop3A_117 : vector<16xi32> to vector<16x1xi32>
        %parallel_loop3A_119 = vector.shape_cast %parallel_loop3A_118 : vector<16x1xi32> to vector<16xi32>
        %parallel_loop3A_120 = tpu.dynamic_gather %parallel_loop3A_107[%parallel_loop3A_119] in [0] : vector<16xf32>, vector<16xi32> -> vector<16xf32>
        %parallel_loop3A_121 = arith.addf %parallel_loop3A_107, %parallel_loop3A_120 : vector<16xf32>
        %parallel_loop3A_122 = arith.constant 4 : i32
        %parallel_loop3A_123 = vector.broadcast %parallel_loop3A_122 : i32 to vector<16xi32>
        %parallel_loop3A_124 = arith.xori %parallel_loop3A_93, %parallel_loop3A_123 : vector<16xi32>
        %parallel_loop3A_125 = arith.constant 0 : i32
        %parallel_loop3A_126 = vector.broadcast %parallel_loop3A_125 : i32 to vector<16xi32>
        %parallel_loop3A_127 = arith.cmpi slt, %parallel_loop3A_124, %parallel_loop3A_126 : vector<16xi32>
        %parallel_loop3A_128 = arith.constant 16 : i32
        %parallel_loop3A_129 = vector.broadcast %parallel_loop3A_128 : i32 to vector<16xi32>
        %parallel_loop3A_130 = arith.addi %parallel_loop3A_124, %parallel_loop3A_129 : vector<16xi32>
        %parallel_loop3A_131 = arith.select %parallel_loop3A_127, %parallel_loop3A_130, %parallel_loop3A_124 : vector<16xi1>, vector<16xi32>
        %parallel_loop3A_132 = vector.shape_cast %parallel_loop3A_131 : vector<16xi32> to vector<16x1xi32>
        %parallel_loop3A_133 = vector.shape_cast %parallel_loop3A_132 : vector<16x1xi32> to vector<16xi32>
        %parallel_loop3A_134 = tpu.dynamic_gather %parallel_loop3A_121[%parallel_loop3A_133] in [0] : vector<16xf32>, vector<16xi32> -> vector<16xf32>
        %parallel_loop3A_135 = arith.addf %parallel_loop3A_121, %parallel_loop3A_134 : vector<16xf32>
        %parallel_loop3A_136 = arith.constant 8 : i32
        %parallel_loop3A_137 = vector.broadcast %parallel_loop3A_136 : i32 to vector<16xi32>
        %parallel_loop3A_138 = arith.xori %parallel_loop3A_93, %parallel_loop3A_137 : vector<16xi32>
        %parallel_loop3A_139 = arith.constant 0 : i32
        %parallel_loop3A_140 = vector.broadcast %parallel_loop3A_139 : i32 to vector<16xi32>
        %parallel_loop3A_141 = arith.cmpi slt, %parallel_loop3A_138, %parallel_loop3A_140 : vector<16xi32>
        %parallel_loop3A_142 = arith.constant 16 : i32
        %parallel_loop3A_143 = vector.broadcast %parallel_loop3A_142 : i32 to vector<16xi32>
        %parallel_loop3A_144 = arith.addi %parallel_loop3A_138, %parallel_loop3A_143 : vector<16xi32>
        %parallel_loop3A_145 = arith.select %parallel_loop3A_141, %parallel_loop3A_144, %parallel_loop3A_138 : vector<16xi1>, vector<16xi32>
        %parallel_loop3A_146 = vector.shape_cast %parallel_loop3A_145 : vector<16xi32> to vector<16x1xi32>
        %parallel_loop3A_147 = vector.shape_cast %parallel_loop3A_146 : vector<16x1xi32> to vector<16xi32>
        %parallel_loop3A_148 = tpu.dynamic_gather %parallel_loop3A_135[%parallel_loop3A_147] in [0] : vector<16xf32>, vector<16xi32> -> vector<16xf32>
        %parallel_loop3A_149 = arith.addf %parallel_loop3A_135, %parallel_loop3A_148 : vector<16xf32>
        %parallel_loop3A_150 = tpu.bitcast %parallel_loop3A_149 : vector<16xf32> -> vector<16xi32>
        %parallel_loop3A_151 = arith.constant 1 : i32
        %parallel_loop3A_152 = vector.broadcast %parallel_loop3A_151 : i32 to vector<16xi32>
        %parallel_loop3A_153 = arith.shrui %parallel_loop3A_150, %parallel_loop3A_152 : vector<16xi32>
        %parallel_loop3A_154 = arith.constant 1597463007 : i32
        %parallel_loop3A_155 = vector.broadcast %parallel_loop3A_154 : i32 to vector<16xi32>
        %parallel_loop3A_156 = arith.subi %parallel_loop3A_155, %parallel_loop3A_153 : vector<16xi32>
        %parallel_loop3A_157 = tpu.bitcast %parallel_loop3A_156 : vector<16xi32> -> vector<16xf32>
        %parallel_loop3A_158 = arith.constant 5.000000e-01 : f32
        %parallel_loop3A_159 = vector.broadcast %parallel_loop3A_158 : f32 to vector<16xf32>
        %parallel_loop3A_160 = arith.mulf %parallel_loop3A_159, %parallel_loop3A_149 : vector<16xf32>
        %parallel_loop3A_161 = arith.mulf %parallel_loop3A_160, %parallel_loop3A_157 : vector<16xf32>
        %parallel_loop3A_162 = arith.mulf %parallel_loop3A_161, %parallel_loop3A_157 : vector<16xf32>
        %parallel_loop3A_163 = arith.constant 1.500000e+00 : f32
        %parallel_loop3A_164 = vector.broadcast %parallel_loop3A_163 : f32 to vector<16xf32>
        %parallel_loop3A_165 = arith.subf %parallel_loop3A_164, %parallel_loop3A_162 : vector<16xf32>
        %parallel_loop3A_166 = arith.mulf %parallel_loop3A_157, %parallel_loop3A_165 : vector<16xf32>
        %parallel_loop3A_167 = arith.constant 5.000000e-01 : f32
        %parallel_loop3A_168 = vector.broadcast %parallel_loop3A_167 : f32 to vector<16xf32>
        %parallel_loop3A_169 = arith.mulf %parallel_loop3A_168, %parallel_loop3A_149 : vector<16xf32>
        %parallel_loop3A_170 = arith.mulf %parallel_loop3A_169, %parallel_loop3A_166 : vector<16xf32>
        %parallel_loop3A_171 = arith.mulf %parallel_loop3A_170, %parallel_loop3A_166 : vector<16xf32>
        %parallel_loop3A_172 = arith.constant 1.500000e+00 : f32
        %parallel_loop3A_173 = vector.broadcast %parallel_loop3A_172 : f32 to vector<16xf32>
        %parallel_loop3A_174 = arith.subf %parallel_loop3A_173, %parallel_loop3A_171 : vector<16xf32>
        %parallel_loop3A_175 = arith.mulf %parallel_loop3A_166, %parallel_loop3A_174 : vector<16xf32>
        %parallel_loop3A_176 = arith.addi %multiple_of3A_54, %parallel_loop3A_57 : i32
        %parallel_loop3A_177 = arith.constant 999999 : i32
        %parallel_loop3A_178 = arith.cmpi eq, %parallel_loop3A_176, %parallel_loop3A_177 : i32
        %parallel_loop3A_179 = arith.constant 1.000000e+00 : f32
        %parallel_loop3A_180 = vector.broadcast %parallel_loop3A_179 : f32 to vector<16xf32>
        %parallel_loop3A_181 = arith.select %parallel_loop3A_178, %parallel_loop3A_180, %parallel_loop3A_175 : vector<16xf32>
        %parallel_loop3A_182 = arith.mulf %parallel_loop3A_64, %parallel_loop3A_181 : vector<16xf32>
        %parallel_loop3A_183 = arith.constant 0 : i32
        %parallel_loop3A_184 = arith.constant 0 : i32
        %parallel_loop3A_185 = tpu.memref_slice %arg4[%parallel_loop3A_183, %parallel_loop3A_184] : memref<336x64xf32, #tpu.memory_space<vmem>> -> memref<8x64xf32, #tpu.memory_space<vmem>>
        %parallel_loop3A_186 = arith.index_cast %parallel_loop3A_57 : i32 to index
        %parallel_loop3A_187 = arith.constant 0 : index
        %parallel_loop3A_188 = tpu.vector_load %parallel_loop3A_185[%parallel_loop3A_186, %parallel_loop3A_187] {strides = array<i32>} : memref<8x64xf32, #tpu.memory_space<vmem>>, vector<1x16xf32>,
        %parallel_loop3A_189 = vector.shape_cast %parallel_loop3A_188 : vector<1x16xf32> to vector<16xf32>
        %parallel_loop3A_190 = vector.shape_cast %parallel_loop3A_182 : vector<16xf32> to vector<1x16xf32>
        tpu.vector_store %parallel_loop3A_185[%parallel_loop3A_186, %parallel_loop3A_187], %parallel_loop3A_190 {strides = array<i32>} : memref<8x64xf32, #tpu.memory_space<vmem>>, vector<1x16xf32>,
        %parallel_loop3A_191 = arith.mulf %parallel_loop3A_71, %parallel_loop3A_181 : vector<16xf32>
        %parallel_loop3A_192 = arith.constant 0 : i32
        %parallel_loop3A_193 = arith.constant 0 : i32
        %parallel_loop3A_194 = tpu.memref_slice %arg4[%parallel_loop3A_192, %parallel_loop3A_193] : memref<336x64xf32, #tpu.memory_space<vmem>> -> memref<8x64xf32, #tpu.memory_space<vmem>>
        %parallel_loop3A_195 = arith.index_cast %parallel_loop3A_57 : i32 to index
        %parallel_loop3A_196 = arith.constant 16 : index
        %parallel_loop3A_197 = tpu.vector_load %parallel_loop3A_194[%parallel_loop3A_195, %parallel_loop3A_196] {strides = array<i32>} : memref<8x64xf32, #tpu.memory_space<vmem>>, vector<1x16xf32>,
        %parallel_loop3A_198 = vector.shape_cast %parallel_loop3A_197 : vector<1x16xf32> to vector<16xf32>
        %parallel_loop3A_199 = vector.shape_cast %parallel_loop3A_191 : vector<16xf32> to vector<1x16xf32>
        tpu.vector_store %parallel_loop3A_194[%parallel_loop3A_195, %parallel_loop3A_196], %parallel_loop3A_199 {strides = array<i32>} : memref<8x64xf32, #tpu.memory_space<vmem>>, vector<1x16xf32>,
        %parallel_loop3A_200 = arith.mulf %parallel_loop3A_78, %parallel_loop3A_181 : vector<16xf32>
        %parallel_loop3A_201 = arith.constant 0 : i32
        %parallel_loop3A_202 = arith.constant 0 : i32
        %parallel_loop3A_203 = tpu.memref_slice %arg4[%parallel_loop3A_201, %parallel_loop3A_202] : memref<336x64xf32, #tpu.memory_space<vmem>> -> memref<8x64xf32, #tpu.memory_space<vmem>>
        %parallel_loop3A_204 = arith.index_cast %parallel_loop3A_57 : i32 to index
        %parallel_loop3A_205 = arith.constant 32 : index
        %parallel_loop3A_206 = tpu.vector_load %parallel_loop3A_203[%parallel_loop3A_204, %parallel_loop3A_205] {strides = array<i32>} : memref<8x64xf32, #tpu.memory_space<vmem>>, vector<1x16xf32>,
        %parallel_loop3A_207 = vector.shape_cast %parallel_loop3A_206 : vector<1x16xf32> to vector<16xf32>
        %parallel_loop3A_208 = vector.shape_cast %parallel_loop3A_200 : vector<16xf32> to vector<1x16xf32>
        tpu.vector_store %parallel_loop3A_203[%parallel_loop3A_204, %parallel_loop3A_205], %parallel_loop3A_208 {strides = array<i32>} : memref<8x64xf32, #tpu.memory_space<vmem>>, vector<1x16xf32>,
        %parallel_loop3A_209 = arith.mulf %parallel_loop3A_85, %parallel_loop3A_181 : vector<16xf32>
        %parallel_loop3A_210 = arith.constant 0 : i32
        %parallel_loop3A_211 = arith.constant 0 : i32
        %parallel_loop3A_212 = tpu.memref_slice %arg4[%parallel_loop3A_210, %parallel_loop3A_211] : memref<336x64xf32, #tpu.memory_space<vmem>> -> memref<8x64xf32, #tpu.memory_space<vmem>>
        %parallel_loop3A_213 = arith.index_cast %parallel_loop3A_57 : i32 to index
        %parallel_loop3A_214 = arith.constant 48 : index
        %parallel_loop3A_215 = tpu.vector_load %parallel_loop3A_212[%parallel_loop3A_213, %parallel_loop3A_214] {strides = array<i32>} : memref<8x64xf32, #tpu.memory_space<vmem>>, vector<1x16xf32>,
        %parallel_loop3A_216 = vector.shape_cast %parallel_loop3A_215 : vector<1x16xf32> to vector<16xf32>
        %parallel_loop3A_217 = vector.shape_cast %parallel_loop3A_209 : vector<16xf32> to vector<1x16xf32>
        tpu.vector_store %parallel_loop3A_212[%parallel_loop3A_213, %parallel_loop3A_214], %parallel_loop3A_217 {strides = array<i32>} : memref<8x64xf32, #tpu.memory_space<vmem>>, vector<1x16xf32>,
      } {sc.loop_unroll_factor = 4 : i64, sc.parallel_access}
      "tpu.region"() ({
        %run_scoped3A = tpu.sem_alloc : memref<!tpu.dma_semaphore, #tpu.memory_space<semaphore_mem>>
        %dma_start3A_57 = arith.constant 0 : i32
        %dma_start3A_58 = arith.constant 0 : i32
        %dma_start3A_59 = tpu.memref_slice %arg4[%dma_start3A_57, %dma_start3A_58] : memref<336x64xf32, #tpu.memory_space<vmem>> -> memref<8x64xf32, #tpu.memory_space<vmem>>
        %dma_start3A_60 = arith.constant 0 : i32
        %dma_start3A_61 = tpu.memref_slice %arg3[%multiple_of3A_54, %dma_start3A_60] : memref<1000000x64xf32, #tpu.memory_space<hbm>> -> memref<8x64xf32, #tpu.memory_space<hbm>>
        %dma_start3A_62 = arith.constant 0 : i32
        %dma_start3A_63 = tpu.memref_slice %arg3[%multiple_of3A_54, %dma_start3A_62] : memref<1000000x64xf32, #tpu.memory_space<hbm>> -> memref<8x64xf32, #tpu.memory_space<hbm>>
        %dma_start3A_64 = arith.constant 0 : i32
        %dma_start3A_65 = arith.constant 0 : i32
        %dma_start3A_66 = tpu.memref_slice %arg4[%dma_start3A_64, %dma_start3A_65] : memref<336x64xf32, #tpu.memory_space<vmem>> -> memref<8x64xf32, #tpu.memory_space<vmem>>
        tpu.enqueue_dma source(%dma_start3A_66 : memref<8x64xf32, #tpu.memory_space<vmem>>) target(%dma_start3A_63 : memref<8x64xf32, #tpu.memory_space<hbm>>) target_semaphore(%run_scoped3A : memref<!tpu.dma_semaphore, #tpu.memory_space<semaphore_mem>>)
        %dma_wait3A_67 = arith.constant 0 : i32
        %dma_wait3A_68 = arith.constant 0 : i32
        %dma_wait3A_69 = tpu.memref_slice %arg4[%dma_wait3A_67, %dma_wait3A_68] : memref<336x64xf32, #tpu.memory_space<vmem>> -> memref<8x64xf32, #tpu.memory_space<vmem>>
        %dma_wait3A_70 = arith.constant 0 : i32
        %dma_wait3A_71 = tpu.memref_slice %arg3[%multiple_of3A_54, %dma_wait3A_70] : memref<1000000x64xf32, #tpu.memory_space<hbm>> -> memref<8x64xf32, #tpu.memory_space<hbm>>
        %dma_wait3A_72 = arith.constant 0 : i32
        %dma_wait3A_73 = tpu.memref_slice %arg3[%multiple_of3A_54, %dma_wait3A_72] : memref<1000000x64xf32, #tpu.memory_space<hbm>> -> memref<8x64xf32, #tpu.memory_space<hbm>>
        %dma_wait3A_74 = arith.constant 0 : i32
        %dma_wait3A_75 = arith.constant 0 : i32
        %dma_wait3A_76 = tpu.memref_slice %arg4[%dma_wait3A_74, %dma_wait3A_75] : memref<336x64xf32, #tpu.memory_space<vmem>> -> memref<8x64xf32, #tpu.memory_space<vmem>>
        tpu.wait_dma2 semaphore(%run_scoped3A : memref<!tpu.dma_semaphore, #tpu.memory_space<semaphore_mem>>) src(%dma_wait3A_76 : memref<8x64xf32, #tpu.memory_space<vmem>>) dst(%dma_wait3A_73 : memref<8x64xf32, #tpu.memory_space<hbm>>)
        tpu.yield
      }) : () -> ()
    } else {
    }
    return
  }
}

</mosaic_0001>

<sc_bundles>
// kernel: kernel.3.cloned.1.call-start
scs
__scs_entry_jumppad:
0x0: {  	(pc) =	sbr.rel $0x88, $3  }
0x1: {  	(tag) =	ssettag $0x0;
	lr =	simm.s32 $0x1  }
0x2: {  	[smem:$0x3F9F] =	sst lr;
	_ =	strace $0xD0000000  }
0x3: {  	_ = 	snop  }
0x4: {  	_ = 	snop  }
0x5: {  	_ = 	snop  }
0x6: {  	_ = 	snop  }
0x7: {  	_ = 	snop  }
__scs_overlays_trampoline_lowered:
0x8: {  	[smem:$0x3FAE] =	sst s0  }
0x9: {  	[smem:$0x3FAF] =	sst s1  }
0xa: {  	[smem:$0x3FB0] =	sst s2  }
0xb: {  	[smem:$0x3FB1] =	sst s3  }
0xc: {  	[smem:$0x3FB2] =	sst s4  }
0xd: {  	[smem:$0x3FB3] =	sst s5  }
0xe: {  	[smem:$0x3FB4] =	sst s6  }
0xf: {  	[smem:$0x3FB5] =	sst s7  }
0x10: {  	[smem:$0x3FB6] =	sst s8  }
0x11: {  	[smem:$0x3FB7] =	sst s9;
	s0 =	simm.s32 @!p0 $0x0  }
0x12: {  	s1 =	sld [smem:$0x3F9D];
	s0 =	simm.s32 @p0 $0x1  }
0x13: {  	[smem:$0x3FB8] =	sst s0;
	s0 =	simm.s32 @!p1 $0x0  }
0x14: {  	s2 =	sld [smem:$0x3F9C];
	s0 =	simm.s32 @p1 $0x1  }
0x15: {  	[smem:$0x3FB9] =	sst s0;
	s0 =	simm.s32 @!p2 $0x0  }
0x16: {  	s3 =	sld [smem:$0x3FDB];
	s0 =	simm.s32 @p2 $0x1  }
0x17: {  	s4 =	simm.s32 $0x1BF5;
	[smem:$0x3FBB] =	sst s0  }
0x18: {  	s0 =	sld [smem:$0x3F9E];
	_ =	swait.ge [sflag:s4], $0x0  }
0x19: {  	s7 =	sld [smem:$0x3F9F]  }
0x1a: {  	s8 =	sadd.s32 $0xFFFFE003, lr  }
0x1b: {  	s9 =	sadd.s32 $0xFFFFFEF7, lr;
	s5 =	simm.s32 $0xFFFFFFFF;
	p2 =	slt.u32 s8, $0xFFFFF086  }
0x1c: {  	p1 =	slt.u32 s9, $0xF7A;
	s5 =	simm.s32 @!p2 $0x0  }
0x1d: {  	s5 =	simm.s32 @p1 $0x1;
	p0 =	seq.s32 s7, s2  }
0x1e: {  	s7 =	smul.u32 @!p0 $0xF7A, s2;
	p2 =	seq.s32 @!p0 s5, $0x0  }
0x1f: {  	s9 =	smul.u32 $0xF7A, s1;
	s8 =	simm.s32 @!p0 $0x1BF5;
	p2 =	por !p2, p0  }
0x20: {  	[sflag:s8] =	ssyncset.s32 @!p0 $0xFFFFF086;
	s6 =	sadd.s32 @!p0 s3, s7;
	s7 =	simm.s32 @!p0 $0x108  }
0x21: {  	s3 =	sadd.s32 s3, s9;
	s6 =	sadd.s32 @!p0 $0x88, s6;
	s7 =	simm.s32 @p2 $0x1082  }
0x22: {  	[simem:s7], [sflag:s8] =	dma.local @!p0 [hbm:s6], $0xF7A  }
0x23: {  	s9 =	sor.u32 $0xD0000000, s2;
	s6 =	simm.s32 $0x108;
	_ =	swait.ge @!p0 [sflag:s8], $0x0  }
0x24: {  	s3 =	sadd.s32 $0x88, s3;
	s6 =	simm.s32 @!p1 $0x1082;
	[sflag:s4] =	ssyncset.s32 $0xFFFFF086  }
0x25: {  	[simem:s6], [sflag:s4] =	dma.local [hbm:s3], $0xF7A  }
0x26: {  	[smem:$0x3F9F] =	sst s1;
	(tag) =	ssettag s2;
	_ =	strace s9  }
0x27: {  	s1 =	sld [smem:$0x3FAF]  }
0x28: {  	s2 =	sld [smem:$0x3FB0]  }
0x29: {  	s4 =	sld [smem:$0x3FB2]  }
0x2a: {  	p0 =	seq.s32 s5, $0x0;
	s5 =	sld [smem:$0x3FB3]  }
0x2b: {  	s6 =	sld [smem:$0x3FB4]  }
0x2c: {  	s7 =	sld [smem:$0x3FB5]  }
0x2d: {  	s3 =	simm.s32 $0x108;
	s8 =	sld [smem:$0x3FB6]  }
0x2e: {  	s3 =	simm.s32 @!p0 $0x1082;
	s9 =	sld [smem:$0x3FB7]  }
0x2f: {  	lr =	sadd.s32 s0, s3;
	s0 =	sld [smem:$0x3FAE]  }
0x30: {  	s3 =	sld [smem:$0x3FB1]  }
0x31: {  	[smem:$0x3FBA] =	sst s10  }
0x32: {  	s10 =	sld [smem:$0x3FB8];
	_ =	sdelay $0x3  }
0x33: {  	p0 =	seq.s32 s10, $0x1;
	s10 =	sld [smem:$0x3FBA];
	_ =	sdelay $0x3  }
0x34: {  	[smem:$0x3FBA] =	sst s10  }
0x35: {  	s10 =	sld [smem:$0x3FB9];
	_ =	sdelay $0x3  }
0x36: {  	p1 =	seq.s32 s10, $0x1;
	s10 =	sld [smem:$0x3FBA];
	_ =	sdelay $0x3  }
0x37: {  	[smem:$0x3FBA] =	sst s10  }
0x38: {  	s10 =	sld [smem:$0x3FBB]  }
0x39: {  	_ = 	snop;
	(pc) =	sbr.ind lr, $3  }
0x3a: {  	_ = 	snop  }
0x3b: {  	_ = 	snop  }
0x3c: {  	p2 =	seq.s32 s10, $0x1;
	s10 =	sld [smem:$0x3FBA]  }
0x3d: {  	_ =	shalt  }
0x3e: {  	_ =	shalt  }
0x3f: {  	_ =	shalt  }
0x40: {  	_ =	shalt  }
0x41: {  	_ =	shalt  }
0x42: {  	_ =	shalt  }
0x43: {  	_ =	shalt  }
0x44: {  	_ =	shalt  }
0x45: {  	_ =	shalt  }
0x46: {  	_ =	shalt  }
0x47: {  	_ =	shalt  }
0x48: {  	_ =	shalt  }
0x49: {  	_ =	shalt  }
0x4a: {  	_ =	shalt  }
0x4b: {  	_ =	shalt  }
0x4c: {  	_ =	shalt  }
0x4d: {  	_ =	shalt  }
0x4e: {  	_ =	shalt  }
0x4f: {  	_ =	shalt  }
0x50: {  	_ =	shalt  }
0x51: {  	_ =	shalt  }
0x52: {  	_ =	shalt  }
0x53: {  	_ =	shalt  }
0x54: {  	_ =	shalt  }
0x55: {  	_ =	shalt  }
0x56: {  	_ =	shalt  }
0x57: {  	_ =	shalt  }
0x58: {  	_ =	shalt  }
0x59: {  	_ =	shalt  }
0x5a: {  	_ =	shalt  }
0x5b: {  	_ =	shalt  }
0x5c: {  	_ =	shalt  }
0x5d: {  	_ =	shalt  }
0x5e: {  	_ =	shalt  }
0x5f: {  	_ =	shalt  }
0x60: {  	_ =	shalt  }
0x61: {  	_ =	shalt  }
0x62: {  	_ =	shalt  }
0x63: {  	_ =	shalt  }
0x64: {  	_ =	shalt  }
0x65: {  	_ =	shalt  }
0x66: {  	_ =	shalt  }
0x67: {  	_ =	shalt  }
0x68: {  	_ =	shalt  }
0x69: {  	_ =	shalt  }
0x6a: {  	_ =	shalt  }
0x6b: {  	_ =	shalt  }
0x6c: {  	_ =	shalt  }
0x6d: {  	_ =	shalt  }
0x6e: {  	_ =	shalt  }
0x6f: {  	_ =	shalt  }
0x70: {  	_ =	shalt  }
0x71: {  	_ =	shalt  }
0x72: {  	_ =	shalt  }
0x73: {  	_ =	shalt  }
0x74: {  	_ =	shalt  }
0x75: {  	_ =	shalt  }
0x76: {  	_ =	shalt  }
0x77: {  	_ =	shalt  }
0x78: {  	_ =	shalt  }
0x79: {  	_ =	shalt  }
0x7a: {  	_ =	shalt  }
0x7b: {  	_ =	shalt  }
0x7c: {  	_ =	shalt  }
0x7d: {  	_ =	shalt  }
0x7e: {  	_ =	shalt  }
0x7f: {  	_ =	shalt  }
0x80: {  	_ =	shalt  }
0x81: {  	_ =	shalt  }
0x82: {  	_ =	shalt  }
0x83: {  	_ =	shalt  }
0x84: {  	_ =	shalt  }
0x85: {  	_ =	shalt  }
0x86: {  	_ =	shalt  }
0x87: {  	_ =	shalt  }
.Lfunc_end0:
.L_simem_size_0:
called_computation_lowered:
.L_overlay_start_0:
0x88: {  	s2 =	sld [smem:$0x3FD9]  }
0x89: {  	s3 =	sld [smem:$0x3FFE];
	_ =	sdelay $0x1  }
0x8a: {  	s1 =	srdreg.scid  }
0x8b: {  	s0 =	sand.u32 $0x1, s1  }
0x8c: {  	s16 =	sshll.u32 s0, $0xA;
	s2 =	sadd.s32 s3, s2  }
0x8d: {  	s2 =	sadd.s32 s2, s16  }
0x8e: {  	[smem:$0x3FC6] =	sst s2  }
0x8f: {  	_ = 	snop  }
0x90: {  	(tm) =	ssettm $0x1  }
0x91: {  	s17 =	sld [smem:$0x3FFB];
	_ =	sdelay $0x3  }
0x92: {  	_ =	strace s17  }
0x93: {  	s2 =	sld [smem:$0x3FFC];
	_ =	sdelay $0x3  }
0x94: {  	_ =	strace s2  }
0x95: {  	s2 =	sld [smem:$0x3FFD];
	_ =	sdelay $0x3  }
0x96: {  	_ =	strace s2  }
0x97: {  	_ =	strace $0x8FFFFFFF  }
0x98: {  	s18 =	sld [smem:$0x3FDB];
	_ =	sdelay $0x1  }
0x99: {  	s19 =	simm.s32 $_scs_section_size  }
0x9a: {  	s4 =	simm.s32 $_size__tile_overlayer_lowered;
	s5 =	simm.s32 $_tile_overlayer_lowered  }
0x9b: {  	s22 =	simm.s32 $0x1BFF;
	s21 =	sshll.u32 s5, $0x1;
	s2 =	sadd.s32 s19, s18  }
0x9c: {  	s6 =	simm.s32 $0x0;
	s20 =	sshll.u32 s4, $0x1;
	s4 =	sadd.s32 s21, s2  }
0x9d: {  	[timem:s6], [sflag:s22] =	dma.local [hbm:s4], s20  }
0x9e: {  	_ =	swait.ge [sflag:s22], s20  }
0x9f: {  	s3 =	ssub.s32 $0x0, s20;
	[sflag:s22] =	ssyncset.done $0x0  }
0xa0: {  	[sflag:s22] =	ssyncadd.s32 s3;
	_ =	sdelay $0x1  }
0xa1: {  	s23 =	simm.s32 $0x1B8B  }
0xa2: {  	_ =	swait.ge [sflag:s23], $0x1  }
0xa3: {  	[sflag:s23] =	ssyncset.done $0x0  }
0xa4: {  	s25 =	simm.s32 $0x1B8E;
	s24 =	sld [smem:$0x3FFE];
	[sflag:s23] =	ssyncadd.s32 $0xFFFFFFFF  }
0xa5: {  	s26 =	simm.s32 $execute0_lowered;
	[smem:$0x3FD2] =	sst s25  }
0xa6: {  	s4 =	sshll.u32 s26, $0x1;
	_ =	strace $0x80000046;
	[dreg:$0x1] =	wrdreg $0xFFFFFFFF  }
0xa7: {  	s28 =	simm.s32 $_size_execute0_lowered;
	s2 =	sadd.s32 s2, s4;
	[dreg:$0x0] =	wrdreg $0x0  }
0xa8: {  	s4 =	sshll.u32 s28, $0x1;
	[dreg:$0x2] =	wrdreg s2  }
0xa9: {  	[dreg:$0x3] =	wrdreg s4  }
0xaa: {  	[dreg:$0x4] =	wrdreg $0xC0  }
0xab: {  	_ =	task [dreg:s6], $0x5FFFF  }
0xac: {  	[dreg:$0x1] =	wrdreg $0xFFFFFFFF  }
0xad: {  	[dreg:$0x0] =	wrdreg $0x60  }
0xae: {  	[dreg:$0x2] =	wrdreg s24  }
0xaf: {  	[dreg:$0x3] =	wrdreg $0x9  }
0xb0: {  	_ =	task.clear_ibuf [dreg:s6], $0x4FFFF;
	_ =	strace $0x90000046  }
0xb1: {  	s29 =	simm.s32 $0x9;
	_ =	strace $0x80000048  }
0xb2: {  	_ =	swait.ge [sflag:s29], $0x1  }
0xb3: {  	[sflag:s29] =	ssyncadd.s32 $0xFFFFFFFF  }
0xb4: {  	_ =	strace $0x90000048  }
0xb5: {  	_ =	sfence  }
0xb6: {  	s30 =	sld [smem:$0x0];
	_ =	sdelay $0x2  }
0xb7: {  	s31 =	sshll.u32 s1, $0xD;
	s1 =	sshrl.u32 s1, $0x2  }
0xb8: {  	s3 =	sand.u32 $0x4000, s31;
	s1 =	sadd.s32 s1, s30  }
0xb9: {  	s0 =	sor.u32 s3, s0;
	s1 =	sshll.u32 s1, $0x11  }
0xba: {  	s0 =	sor.u32 s1, s0  }
0xbb: {  	s0 =	sadd.s32 $0x8F2B, s0  }
0xbc: {  	[sflag:s0] =	ssyncadd.remote.s32 $0x1  }
0xbd: {  	_ =	sfence.sel $0xFFFF  }
0xbe: {  	[dreg:$0x0] =	wrdreg $0xFFFFFFFF;
	(pc) =	sbr.abs _section_cstart, $3  }
0xbf: {  	[dreg:$0x1] =	wrdreg $0xFFFFFFFF  }
0xc0: {  	_ =	task.clear_ibuf [dreg:s6], $0x2FFFF;
	_ =	strace $0x9FFFFFFF  }
0xc1: {  	(tm) =	ssettm $0x7FFFFFFF  }
tec
execute0_lowered:
.L_overlay_start_1:
0x0: {  	(tag) =	ssettag $0x1  }
0x1: {  	s0 =	rddreg [dreg:$0x0];
	s1 =	srdreg.scid;
	v0 =	vimm.s32 $0xEFCDAB89  }
0x2: {  	s14 =	stileid.u32;
	s2 =	simm.s32 $0x0;
	v1 =	vimm.s32 $0x67452301;
	v2 =	vimm.s32 $0xDCFE98BA;
	s16 =	simm.s32 $0xA800  }
0x3: {  	v3 =	vimm.s32 $0x54761032;
	v4 =	vimm.s32 $0xBA98FEDC;
	s17 =	simm.s32 $0x1;
	s18 =	simm.s32 $0x15000;
	s19 =	simm.s32 $0x2  }
0x4: {  	v5 =	vimm.s32 $0x32107654;
	v6 =	vimm.s32 $0xFEDCBA98;
	v7 =	vimm.s32 $0x76543210;
	s20 =	simm.s32 $0x3;
	s21 =	simm.s32 $0x4;
	s22 =	simm.s32 $0x5  }
0x5: {  	s23 =	simm.s32 $0x6;
	s24 =	simm.s32 $0x7;
	s25 =	simm.s32 $0x0;
	v0 =	vunpack.c.l.s4.s8 v0;
	v1 =	vunpack.c.l.s4.s8 v1;
	v2 =	vunpack.c.l.s4.s8 v2  }
0x6: {  	s1 =	sand.u32 $0x1, s1;
	s3 =	sshll.u32 s14, $0x1;
	[smem:$0x7FF] =	sst s2;
	v3 =	vunpack.c.l.s4.s8 v3;
	v4 =	vunpack.c.l.s4.s8 v4;
	v5 =	vunpack.c.l.s4.s8 v5  }
0x7: {  	s4 =	sadd.s32 $0x600, s0;
	s5 =	sadd.s32 $0xF42A00, s0;
	v6 =	vunpack.c.l.s4.s8 v6;
	s3 =	sor.u32 s1, s3;
	v0 =	vunpack.c.0.s8.s32 v0;
	v1 =	vunpack.c.0.s8.s32 v1  }
0x8: {  	v7 =	vunpack.c.l.s4.s8 v7;
	p0 =	sgt.u32 s14, $0x3;
	s1 =	ssub.s32 $0x2, s1;
	s6 =	smul.u32 $0xA800, s3;
	v2 =	vunpack.c.0.s8.s32 v2;
	v3 =	vunpack.c.0.s8.s32 v3  }
0x9: {  	_ =	strace $0x80000047;
	s7 =	sshrl.u32 s1, $0x1;
	s8 =	smul.u32 $0x1500, s3;
	v4 =	vunpack.c.0.s8.s32 v4;
	v5 =	vunpack.c.0.s8.s32 v5;
	v0 =	vcombine.low v1, v0  }
0xa: {  	s9 =	sshll.u32 s3, $0x3;
	s10 =	sor.u32 $0x60, s3;
	s11 =	sor.u32 $0x80, s3;
	v60 =	vunpack.c.0.s8.s32 v6;
	v2 =	vcombine.low v3, v2  }
.Ltmp0:
0xb: {  	v62 =	vunpack.c.0.s8.s32 v7;
	s26 =	ssub.s32 s1, s7;
	s9 =	sor.u32 $0xF4200, s9;
	v61 =	vcombine.low v5, v4;
	v27 =	vand.u32 $0xF, v0;
	(pc) =	sbr.rel .LBB2_1-.Ltmp0, $4  }
0xc: {  	s28 =	sshrl.u32 s6, $0x3;
	s6 =	sadd.s32 s4, s8;
	s13 =	sshll.u32 s9, $0x4;
	v63 =	vand.u32 $0xF, v60;
	v28 =	vand.u32 $0xF, v2;
	[tilespmem:$0x1FFC0] =	vst v27  }
0xd: {  	s8 =	sor.u32 $0x20, s3;
	s15 =	smax.u32 s26, $0x1;
	s30 =	sadd.s32 s4, s13;
	v30 =	vcombine.low v63, v62;
	v29 =	vand.u32 $0xF, v61;
	[tilespmem:$0x1FFD0] =	vst v28  }
0xe: {  	s29 =	sadd.s32 s4, s28;
	s31 =	sadd.s32 s5, s13;
	[dreg:$0x2] =	wrdreg s30;
	[tilespmem:$0x1FFE0] =	vst v29  }
0xf: {  	s12 =	sadd.s32 $0x54000, s28;
	s7 =	sadd.s32 $0x2A000, s29;
	[dreg:$0x3] =	wrdreg s31;
	[tilespmem:$0x1FFF0] =	vst v30  }
.LBB2_14:
0x10: {  	s25 =	sadd.s32 $0x1, s25  }
0x11: {  	p1 =	sne.s32 s25, s15  }
.Ltmp1:
0x12: {  	_ = 	snop;
	(pc) =	sbr.rel @!p1 .LBB2_15-.Ltmp1, $1  }
0x13: {  	_ =	sdelay $0x3  }
.LBB2_1:
0x14: {  	[tilespmem:s2], [sflag:$0x1] =	stream.linear.gather [hbm4b:s6+s2], $0xA800, $0x38;
	[tilespmem:$0x1F800] =	vst v63  }
0x15: {  	s26 =	simm.s32 $0x0  }
0x16: {  	[tilespmem:s16], [sflag:$0x2] =	stream.linear.gather [hbm4b:s7+s2], $0xA800, $0x38;
	[tilespmem:$0x1F800] =	vst v63  }
.LBB2_2:
0x17: {  	_ =	swait.ge [sflag:s17], $0xA800  }
0x18: {  	[sflag:s17] =	ssyncset.done $0x0  }
0x19: {  	s29 =	simm.s32 $0x100;
	[sflag:s17] =	ssyncadd.s32 $0xFFFF5800  }
0x1a: {  	v47 =	vld [tilespmem:s29+$0xFFFFFF10]  }
0x1b: {  	v44 =	vld [tilespmem:s29+$0x0]  }
0x1c: {  	v36 =	vld [tilespmem:s29+$0x10]  }
0x1d: {  	v32 =	vld [tilespmem:s29+$0x20]  }
0x1e: {  	v42 =	vld [tilespmem:s29+$0xFFFFFF00]  }
0x1f: {  	v51 =	vld [tilespmem:s29+$0xFFFFFF20]  }
0x20: {  	v33 =	vld [tilespmem:s29+$0x30]  }
0x21: {  	v0 =	vmul.f32 v36, v36;
	v1 =	vmul.f32 v44, v44  }
0x22: {  	v60 =	vld [tilespmem:s29+$0xFFFFFF30];
	v2 =	vmul.f32 v47, v47  }
0x23: {  	v22 =	vld [tilespmem:s29+$0xFFFFFF90];
	v3 =	vmul.f32 v42, v42;
	v0 =	vadd.f32 v0, v1;
	v1 =	vmul.f32 v32, v32  }
0x24: {  	v23 =	vld [tilespmem:s29+$0x90];
	v4 =	vmul.f32 v51, v51  }
0x25: {  	v49 =	vld [tilespmem:s29+$0x80];
	v5 =	vmul.f32 v33, v33;
	v2 =	vadd.f32 v2, v3;
	v0 =	vadd.f32 v1, v0  }
0x26: {  	v20 =	vld [tilespmem:s29+$0xFFFFFF80]  }
0x27: {  	v21 =	vld [tilespmem:s29+$0xFFFFFFA0];
	v1 =	vmul.f32 v60, v60;
	v2 =	vadd.f32 v4, v2;
	v0 =	vadd.f32 v5, v0  }
0x28: {  	v58 =	vld [tilespmem:s29+$0xA0]  }
0x29: {  	s28 =	simm.s32 $0x300;
	v39 =	vld [tilespmem:s29+$0xFFFFFFB0];
	v1 =	vadd.f32 v1, v2;
	v2 =	vperm.xlane v0, v27  }
0x2a: {  	v12 =	vld [tilespmem:s28+$0x10]  }
0x2b: {  	v52 =	vld [tilespmem:s29+$0xB0];
	v7 =	vmul.f32 v49, v49;
	v0 =	vadd.f32 v0, v2;
	v2 =	vmul.f32 v23, v23  }
0x2c: {  	v8 =	vld [tilespmem:s28+$0xFFFFFF10]  }
0x2d: {  	v9 =	vld [tilespmem:s28+$0xFFFFFF20];
	v3 =	vperm.xlane v1, v27;
	v2 =	vadd.f32 v2, v7;
	v7 =	vmul.f32 v58, v58  }
0x2e: {  	v10 =	vld [tilespmem:s28+$0x0];
	v4 =	vmul.f32 v22, v22;
	v5 =	vmul.f32 v20, v20  }
0x2f: {  	v1 =	vadd.f32 v1, v3;
	v3 =	vperm.xlane v0, v28;
	v2 =	vadd.f32 v7, v2;
	v7 =	vld [tilespmem:s28+$0xFFFFFF00];
	[tilespmem:$0x1FFB0] =	vst v12  }
0x30: {  	v6 =	vmul.f32 v21, v21;
	v4 =	vadd.f32 v4, v5;
	v15 =	vld [tilespmem:s28+$0x20]  }
0x31: {  	v5 =	vperm.xlane v1, v28;
	v0 =	vadd.f32 v0, v3  }
0x32: {  	v4 =	vadd.f32 v6, v4  }
0x33: {  	v3 =	vmul.f32 v39, v39;
	v1 =	vadd.f32 v1, v5;
	v5 =	vperm.xlane v0, v29  }
0x34: {  	v6 =	vmul.f32 v52, v52  }
0x35: {  	v11 =	vld [tilespmem:s28+$0xFFFFFF30];
	v3 =	vadd.f32 v3, v4;
	v4 =	vperm.xlane v1, v29;
	v0 =	vadd.f32 v0, v5;
	[tilespmem:$0x1FFA0] =	vst v15  }
0x36: {  	v2 =	vadd.f32 v6, v2;
	v18 =	vld [tilespmem:s28+$0x30]  }
0x37: {  	v5 =	vperm.xlane v3, v27;
	v1 =	vadd.f32 v1, v4;
	v4 =	vperm.xlane v0, v30  }
0x38: {  	v6 =	vperm.xlane v2, v27  }
0x39: {  	v3 =	vadd.f32 v3, v5;
	v5 =	vperm.xlane v1, v30;
	[tilespmem:$0x1FDF0] =	vst v8;
	v0 =	vadd.f32 v0, v4  }
0x3a: {  	v2 =	vadd.f32 v2, v6;
	v6 =	vmul.f32 v7, v7;
	[tilespmem:$0x1FE00] =	vst v7;
	v4 =	vmul.f32 v8, v8  }
0x3b: {  	v1 =	vadd.f32 v1, v5;
	v7 =	vshrl.u32 v0, $0x1;
	[tilespmem:$0x1FF90] =	vst v18  }
0x3c: {  	v8 =	vmul.f32 $5.000000000e-01, v0;
	v0 =	vmul.f32 v9, v9;
	v4 =	vadd.f32 v4, v6;
	v13 =	vld [tilespmem:s28+$0xFFFFFF90];
	[tilespmem:$0x1FE10] =	vst v9  }
0x3d: {  	v6 =	vmul.f32 v12, v12;
	v7 =	vsub.s32 $0x5F3759DF, v7;
	v9 =	vmul.f32 v10, v10;
	v34 =	vld [tilespmem:s28+$0x90];
	[tilespmem:$0x1FE20] =	vst v10  }
0x3e: {  	v0 =	vadd.f32 v0, v4;
	v10 =	vperm.xlane v2, v28;
	v14 =	vld [tilespmem:s28+$0xFFFFFF80];
	[tilespmem:$0x1FE30] =	vst v11;
	v11 =	vmul.f32 v11, v11  }
0x3f: {  	v12 =	vmul.f32 v7, v8;
	v4 =	vadd.f32 v6, v9;
	v6 =	vmul.f32 v15, v15;
	v16 =	vld [tilespmem:s28+$0xFFFFFFA0]  }
0x40: {  	v9 =	vperm.xlane v3, v28;
	v2 =	vadd.f32 v2, v10;
	v15 =	vld [tilespmem:s28+$0xFFFFFFB0];
	v0 =	vadd.f32 v11, v0  }
0x41: {  	v17 =	vld [tilespmem:s28+$0x80];
	v10 =	vmul.f32 v18, v18;
	v4 =	vadd.f32 v6, v4;
	v6 =	vmul.f32 v13, v13  }
0x42: {  	v3 =	vadd.f32 v3, v9;
	[tilespmem:$0x1FE40] =	vst v13;
	v11 =	vperm.xlane v2, v29;
	v13 =	vperm.xlane v0, v27  }
0x43: {  	v5 =	vmul.f32 v34, v34;
	v45 =	vld [tilespmem:s28+$0xA0];
	v4 =	vadd.f32 v10, v4;
	[tilespmem:$0x1FE60] =	vst v14;
	v10 =	vmul.f32 v14, v14  }
0x44: {  	v2 =	vadd.f32 v2, v11;
	[tilespmem:$0x1FE50] =	vst v16;
	v9 =	vmul.f32 v16, v16;
	v0 =	vadd.f32 v0, v13  }
0x45: {  	v11 =	vperm.xlane v4, v27;
	v13 =	vmul.f32 v15, v15;
	v16 =	vld [tilespmem:s28+$0xB0];
	v6 =	vadd.f32 v6, v10  }
0x46: {  	v10 =	vmul.f32 v17, v17;
	v14 =	vperm.xlane v2, v30  }
0x47: {  	[tilespmem:$0x1FE70] =	vst v15;
	v15 =	vperm.xlane v0, v28;
	v4 =	vadd.f32 v4, v11;
	v6 =	vadd.f32 v9, v6  }
0x48: {  	v5 =	vadd.f32 v5, v10;
	v9 =	vmul.f32 v45, v45;
	v2 =	vadd.f32 v2, v14  }
0x49: {  	[tilespmem:$0x1FE80] =	vst v17;
	v0 =	vadd.f32 v0, v15;
	v10 =	vperm.xlane v4, v28;
	v6 =	vadd.f32 v13, v6  }
0x4a: {  	s0 =	simm.s32 $0x500;
	v5 =	vadd.f32 v9, v5;
	v9 =	vmul.f32 v7, v12;
	[tilespmem:$0x1FE90] =	vst v16;
	v11 =	vmul.f32 v16, v16  }
0x4b: {  	v12 =	vperm.xlane v0, v29;
	v4 =	vadd.f32 v4, v10;
	v10 =	vshrl.u32 v2, $0x1;
	v19 =	vld [tilespmem:s0+$0xFFFFFF30]  }
0x4c: {  	v2 =	vmul.f32 $5.000000000e-01, v2;
	v16 =	vld [tilespmem:s0+$0xFFFFFF10];
	v9 =	vsub.f32 $1.500000000e+00, v9;
	v5 =	vadd.f32 v11, v5  }
0x4d: {  	v13 =	vperm.xlane v6, v27;
	v10 =	vsub.s32 $0x5F3759DF, v10;
	v35 =	vld [tilespmem:s0+$0x30];
	v11 =	vperm.xlane v4, v29  }
0x4e: {  	v17 =	vld [tilespmem:s0+$0xFFFFFF20];
	v0 =	vadd.f32 v0, v12;
	v7 =	vmul.f32 v7, v9;
	v12 =	vperm.xlane v5, v27  }
0x4f: {  	v15 =	vld [tilespmem:s0+$0x90];
	v6 =	vadd.f32 v6, v13;
	v9 =	vperm.xlane v3, v29;
	v4 =	vadd.f32 v4, v11  }
0x50: {  	v18 =	vld [tilespmem:s0+$0xFFFFFF00];
	v13 =	vperm.xlane v0, v30;
	v8 =	vmul.f32 v7, v8;
	v5 =	vadd.f32 v5, v12;
	[tilespmem:$0x1FEA0] =	vst v19  }
0x51: {  	v3 =	vadd.f32 v3, v9;
	v11 =	vperm.xlane v4, v30;
	v12 =	vmul.f32 v10, v2;
	v24 =	vld [tilespmem:s0+$0x0];
	[tilespmem:$0x1FEB0] =	vst v16  }
0x52: {  	v59 =	vadd.f32 v0, v13;
	v13 =	vperm.xlane v6, v28;
	v14 =	vperm.xlane v5, v28;
	v25 =	vld [tilespmem:s0+$0x10]  }
0x53: {  	v9 =	vmul.f32 v16, v16;
	v4 =	vadd.f32 v4, v11;
	v11 =	vmul.f32 v10, v12;
	v0 =	vld [tilespmem:s0+$0xFFFFFF90]  }
0x54: {  	v16 =	vmul.f32 v17, v17;
	v12 =	vperm.xlane v3, v30;
	v48 =	vld [tilespmem:s0+$0x20];
	[tilespmem:$0x1FEC0] =	vst v15;
	v5 =	vadd.f32 v5, v14  }
0x55: {  	[tilespmem:$0x1FED0] =	vst v18;
	v14 =	vmul.f32 v15, v15;
	v11 =	vsub.f32 $1.500000000e+00, v11;
	v15 =	vmul.f32 v18, v18  }
0x56: {  	v8 =	vmul.f32 v8, v7;
	v6 =	vadd.f32 v6, v13;
	v18 =	vld [tilespmem:s0+$0xFFFFFF80];
	[tilespmem:$0x1FEE0] =	vst v17;
	v17 =	vmul.f32 v19, v19  }
0x57: {  	v3 =	vadd.f32 v3, v12;
	v19 =	vld [tilespmem:s0+$0xFFFFFFA0];
	v10 =	vmul.f32 v10, v11;
	v9 =	vadd.f32 v9, v15;
	[tilespmem:$0x1FF00] =	vst v24  }
0x58: {  	v8 =	vsub.f32 $1.500000000e+00, v8;
	v13 =	vmul.f32 v24, v24;
	[tilespmem:$0x1FEF0] =	vst v25;
	v11 =	vmul.f32 v25, v25  }
0x59: {  	v12 =	vmul.f32 v35, v35;
	v24 =	vshrl.u32 v3, $0x1;
	[tilespmem:$0x1FF10] =	vst v0;
	v9 =	vadd.f32 v16, v9  }
0x5a: {  	v15 =	vmul.f32 v0, v0;
	v0 =	vld [tilespmem:s0+$0x80];
	v11 =	vadd.f32 v11, v13;
	v13 =	vmul.f32 v48, v48  }
0x5b: {  	v26 =	vperm.xlane v5, v29;
	v9 =	vadd.f32 v17, v9;
	v17 =	vmul.f32 v18, v18  }
0x5c: {  	v3 =	vmul.f32 $5.000000000e-01, v3;
	v16 =	vsub.s32 $0x5F3759DF, v24;
	[tilespmem:$0x1FF20] =	vst v18;
	v11 =	vadd.f32 v13, v11  }
0x5d: {  	v5 =	vadd.f32 v5, v26;
	[tilespmem:$0x1FF30] =	vst v19;
	v13 =	vmul.f32 v19, v19;
	v15 =	vadd.f32 v15, v17  }
0x5e: {  	v40 =	vld [tilespmem:s0+$0xA0];
	v17 =	vmul.f32 v16, v3;
	v31 =	vperm.xlane v9, v27;
	v11 =	vadd.f32 v12, v11  }
0x5f: {  	v12 =	vperm.xlane v5, v30;
	v13 =	vadd.f32 v13, v15;
	v15 =	vmul.f32 v0, v0  }
0x60: {  	v7 =	vmul.f32 v8, v7;
	v18 =	vld [tilespmem:s0+$0xFFFFFFB0];
	v9 =	vadd.f32 v9, v31;
	v8 =	vmul.f32 v16, v17  }
0x61: {  	v37 =	vperm.xlane v11, v27;
	v5 =	vadd.f32 v5, v12;
	v12 =	vadd.f32 v14, v15  }
0x62: {  	v14 =	vperm.xlane v9, v28;
	v15 =	vshrl.u32 v1, $0x1;
	v1 =	vmul.f32 $5.000000000e-01, v1  }
0x63: {  	v8 =	vsub.f32 $1.500000000e+00, v8;
	v41 =	vmul.f32 v40, v40;
	v11 =	vadd.f32 v11, v37  }
0x64: {  	v31 =	vmovc v0;
	v0 =	vld [tilespmem:s0+$0xB0];
	v9 =	vadd.f32 v9, v14;
	v14 =	vshrl.u32 v4, $0x1;
	v4 =	vmul.f32 $5.000000000e-01, v4  }
0x65: {  	v8 =	vmul.f32 v16, v8;
	v16 =	vmul.f32 v18, v18  }
0x66: {  	v15 =	vsub.s32 $0x5F3759DF, v15;
	v14 =	vsub.s32 $0x5F3759DF, v14;
	v43 =	vperm.xlane v11, v28  }
0x67: {  	v17 =	vmul.f32 v14, v4;
	v13 =	vadd.f32 v16, v13;
	v16 =	vmul.f32 v15, v1  }
0x68: {  	v12 =	vadd.f32 v41, v12;
	v55 =	vperm.xlane v9, v29;
	v3 =	vmul.f32 v8, v3  }
0x69: {  	v11 =	vadd.f32 v11, v43;
	v57 =	vmul.f32 v0, v0;
	v17 =	vmul.f32 v14, v17  }
0x6a: {  	v16 =	vmul.f32 v15, v16;
	v56 =	vperm.xlane v13, v27;
	v9 =	vadd.f32 v9, v55  }
0x6b: {  	v55 =	vmul.f32 v7, v33;
	v61 =	vperm.xlane v11, v29;
	v12 =	vadd.f32 v57, v12  }
0x6c: {  	v3 =	vmul.f32 v3, v8;
	v17 =	vsub.f32 $1.500000000e+00, v17;
	v16 =	vsub.f32 $1.500000000e+00, v16  }
0x6d: {  	v11 =	vadd.f32 v11, v61;
	v62 =	vperm.xlane v12, v27;
	v61 =	vmul.f32 v7, v36  }
0x6e: {  	v3 =	vsub.f32 $1.500000000e+00, v3;
	v14 =	vmul.f32 v14, v17;
	v17 =	vperm.xlane v9, v30  }
0x6f: {  	v13 =	vadd.f32 v13, v56;
	v15 =	vmul.f32 v15, v16;
	v16 =	vmul.f32 v10, v2  }
0x70: {  	[tilespmem:$0x1FF40] =	vst v18;
	v2 =	vmul.f32 v7, v44;
	v56 =	vmul.f32 v3, v8;
	v57 =	vadd.f32 v9, v17  }
0x71: {  	s30 =	simm.s32 $0x700;
	[tilespmem:$0x1FF50] =	vst v0;
	v17 =	vmul.f32 $5.000000000e-01, v5;
	v5 =	vshrl.u32 v5, $0x1;
	v1 =	vmul.f32 v15, v1  }
0x72: {  	v0 =	vld [tilespmem:s30+$0xFFFFFF10];
	v63 =	vperm.xlane v11, v30;
	v3 =	vmul.f32 v16, v10;
	v5 =	vsub.s32 $0x5F3759DF, v5  }
0x73: {  	v38 =	vld [tilespmem:s30+$0xFFFFFF90];
	v12 =	vadd.f32 v12, v62;
	v33 =	vmul.f32 v5, v17;
	v1 =	vmul.f32 v1, v15  }
0x74: {  	v9 =	vld [tilespmem:s30+$0xFFFFFF00];
	v4 =	vmul.f32 v14, v4;
	v62 =	vadd.f32 v11, v63;
	v3 =	vsub.f32 $1.500000000e+00, v3  }
0x75: {  	v63 =	vmul.f32 v7, v32;
	v7 =	vld [tilespmem:s30+$0xFFFFFF20];
	v36 =	vmul.f32 v5, v33;
	v1 =	vsub.f32 $1.500000000e+00, v1  }
0x76: {  	v37 =	vperm.xlane v6, v29;
	v43 =	vld [tilespmem:s30+$0x0];
	v3 =	vmul.f32 v3, v10  }
0x77: {  	v41 =	vld [tilespmem:s30+$0xFFFFFF30];
	v4 =	vmul.f32 v4, v14;
	v8 =	vsub.f32 $1.500000000e+00, v36;
	v1 =	vmul.f32 v1, v15  }
0x78: {  	v6 =	vadd.f32 v6, v37;
	v11 =	vld [tilespmem:s30+$0x10];
	[tilespmem:$0x1FF60] =	vst v0;
	v15 =	vperm.xlane v12, v28;
	v52 =	vmul.f32 v3, v52  }
0x79: {  	v46 =	vld [tilespmem:s30+$0xFFFFFF80];
	v4 =	vsub.f32 $1.500000000e+00, v4;
	[tilespmem:$0x1FF70] =	vst v9;
	v53 =	vmul.f32 v5, v8;
	v5 =	vperm.xlane v13, v28  }
0x7a: {  	v32 =	vld [tilespmem:s30+$0x20];
	[tilespmem:$0x1FF80] =	vst v7;
	v8 =	vadd.f32 v12, v15;
	v12 =	vmul.f32 v0, v0;
	v15 =	vmul.f32 v9, v9  }
0x7b: {  	[tilespmem:s29+$0x0] =	vst v2;
	v2 =	vmul.f32 v3, v23;
	v54 =	vadd.f32 v13, v5;
	v5 =	vperm.xlane v6, v30  }
0x7c: {  	v44 =	vld [tilespmem:s30+$0xFFFFFFA0];
	v10 =	vadd.f32 v12, v15;
	v12 =	vmul.f32 v7, v7;
	v13 =	vperm.xlane v8, v29  }
0x7d: {  	v33 =	vld [tilespmem:s30+$0x30];
	v15 =	vmul.f32 v43, v43;
	v5 =	vadd.f32 v6, v5;
	v6 =	vmul.f32 v11, v11  }
0x7e: {  	v8 =	vadd.f32 v8, v13;
	v10 =	vadd.f32 v12, v10;
	v12 =	vmul.f32 v41, v41  }
0x7f: {  	v13 =	vmul.f32 v38, v38;
	v6 =	vadd.f32 v6, v15;
	v15 =	vmul.f32 v46, v46  }
0x80: {  	v7 =	vmul.f32 v1, v51;
	v51 =	vld [tilespmem:s30+$0x80];
	v10 =	vadd.f32 v12, v10;
	v12 =	vmul.f32 v32, v32  }
0x81: {  	v37 =	vmovc v11;
	v16 =	vmul.f32 v44, v44;
	v13 =	vadd.f32 v13, v15;
	v15 =	vmul.f32 v1, v42;
	v42 =	vld [tilespmem:s30+$0xFFFFFFB0]  }
0x82: {  	v50 =	vld [tilespmem:s30+$0x90];
	[tilespmem:s29+$0x30] =	vst v55;
	v11 =	vmul.f32 v1, v47;
	v6 =	vadd.f32 v12, v6;
	v12 =	vmul.f32 v33, v33  }
0x83: {  	[tilespmem:s29+$0x20] =	vst v63;
	v9 =	vmul.f32 $5.000000000e-01, v5;
	v0 =	vperm.xlane v8, v30;
	v13 =	vadd.f32 v16, v13  }
0x84: {  	[tilespmem:s29+$0x10] =	vst v61;
	v16 =	vmul.f32 v1, v60;
	v6 =	vadd.f32 v12, v6;
	v12 =	vshrl.u32 v5, $0x1  }
0x85: {  	[tilespmem:s29+$0xB0] =	vst v52;
	v60 =	vmul.f32 v4, v14;
	v4 =	vsub.s32 $0x5F3759DF, v12;
	v12 =	vperm.xlane v10, v27  }
0x86: {  	[tilespmem:s29+$0x90] =	vst v2;
	v30 =	vld [tilespmem:s30+$0xA0];
	v8 =	vadd.f32 v8, v0;
	v1 =	vmul.f32 v51, v51;
	v0 =	vmul.f32 v42, v42  }
0x87: {  	[tilespmem:s29+$0xFFFFFF20] =	vst v7;
	v14 =	vmul.f32 v4, v9;
	v10 =	vadd.f32 v10, v12;
	v12 =	vmul.f32 v50, v50  }
0x88: {  	[tilespmem:s29+$0xFFFFFF10] =	vst v11;
	v13 =	vadd.f32 v0, v13  }
0x89: {  	[tilespmem:s29+$0xFFFFFF00] =	vst v15;
	v0 =	vmul.f32 v4, v14;
	v1 =	vadd.f32 v12, v1;
	v12 =	vmul.f32 v3, v58  }
0x8a: {  	[tilespmem:s29+$0xFFFFFF30] =	vst v16;
	v14 =	vperm.xlane v6, v27;
	v47 =	vperm.xlane v10, v28  }
0x8b: {  	v5 =	vmul.f32 v3, v49;
	v63 =	vmul.f32 v30, v30;
	v0 =	vsub.f32 $1.500000000e+00, v0;
	[tilespmem:s29+$0xA0] =	vst v12  }
0x8c: {  	v58 =	vmul.f32 $5.000000000e-01, v62;
	v6 =	vadd.f32 v6, v14;
	v14 =	vadd.f32 v10, v47;
	v2 =	vld [tilespmem:$0x1FF90]  }
0x8d: {  	v3 =	vadd.f32 v63, v1;
	v1 =	vshrl.u32 v59, $0x1;
	v10 =	vmul.f32 v4, v0  }
0x8e: {  	v0 =	vshrl.u32 v62, $0x1;
	v62 =	vmul.f32 $5.000000000e-01, v59;
	v4 =	vperm.xlane v6, v28  }
0x8f: {  	v63 =	vsub.s32 $0x5F3759DF, v0;
	v0 =	vsub.s32 $0x5F3759DF, v1  }
0x90: {  	v11 =	vadd.f32 v6, v4;
	v4 =	vmul.f32 v0, v62  }
0x91: {  	v36 =	vld [tilespmem:s30+$0xB0];
	[tilespmem:s29+$0x80] =	vst v5;
	v2 =	vmul.f32 v60, v2  }
0x92: {  	v16 =	vmul.f32 v0, v4;
	v4 =	vld [tilespmem:$0x1FFA0]  }
0x93: {  	v55 =	vmul.f32 $5.000000000e-01, v57;
	[tilespmem:s28+$0x30] =	vst v2  }
0x94: {  	v61 =	vshrl.u32 v57, $0x1;
	v1 =	vperm.xlane v13, v27;
	v7 =	vmul.f32 v63, v58;
	v2 =	vld [tilespmem:$0x1FFB0]  }
0x95: {  	v5 =	vshrl.u32 v8, $0x1;
	v59 =	vmul.f32 $5.000000000e-01, v8;
	v6 =	vperm.xlane v14, v29  }
0x96: {  	v1 =	vadd.f32 v13, v1;
	v13 =	vmul.f32 v63, v7;
	v7 =	vmul.f32 v53, v17  }
0x97: {  	v6 =	vadd.f32 v14, v6;
	v14 =	vmul.f32 v36, v36;
	v4 =	vmul.f32 v60, v4  }
0x98: {  	v12 =	vsub.s32 $0x5F3759DF, v5;
	v15 =	vperm.xlane v11, v29;
	v7 =	vmul.f32 v7, v53  }
0x99: {  	s1 =	simm.s32 $0xC;
	s13 =	simm.s32 $0x900;
	[tilespmem:s28+$0x20] =	vst v4;
	v4 =	vsub.f32 $1.500000000e+00, v13;
	v57 =	vmul.f32 v60, v2;
	v2 =	vmul.f32 v10, v9  }
.LBB2_3:
0x9a: {  	v23 =	vld [tilespmem:$0x1FF10]  }
0x9b: {  	v5 =	vadd.f32 v14, v3  }
0x9c: {  	v47 =	vmov v33;
	v33 =	vld [tilespmem:$0x1FFF0]  }
0x9d: {  	v19 =	vld [tilespmem:$0x1FF20];
	v15 =	vadd.f32 v11, v15;
	v11 =	vperm.xlane v5, v27;
	_ =	sdelay $0x1  }
0x9e: {  	v14 =	vmul.f32 v56, v20;
	v20 =	vadd.f32 v5, v11;
	v5 =	vmov v23;
	v23 =	vld [tilespmem:$0x1FF30]  }
0x9f: {  	v16 =	vsub.f32 $1.500000000e+00, v16  }
0xa0: {  	v17 =	vperm.xlane v6, v33  }
0xa1: {  	v18 =	vmov v19;
	[tilespmem:s29+$0xFFFFFF80] =	vst v14;
	v14 =	vmul.f32 v56, v39  }
0xa2: {  	v4 =	vmul.f32 v63, v4;
	v63 =	vmul.f32 v2, v10;
	v2 =	vld [tilespmem:$0x1FE60];
	[tilespmem:$0x1FE60] =	vst v18;
	v17 =	vadd.f32 v6, v17  }
0xa3: {  	v0 =	vmul.f32 v0, v16;
	v18 =	vld [tilespmem:s13+$0xFFFFFF90];
	[tilespmem:s29+$0xFFFFFFB0] =	vst v14;
	v14 =	vperm.xlane v54, v29;
	v16 =	vmov v23  }
0xa4: {  	v11 =	vld [tilespmem:$0x1FE50];
	v39 =	vmul.f32 v12, v59;
	v23 =	vmov v44;
	[tilespmem:$0x1FE50] =	vst v16;
	v16 =	vmul.f32 $5.000000000e-01, v17  }
0xa5: {  	[tilespmem:$0x1FF30] =	vst v23;
	v23 =	vadd.f32 v54, v14  }
0xa6: {  	v14 =	vmul.f32 v0, v62;
	v62 =	vmovc v55;
	v55 =	vmov v16;
	v16 =	vmul.f32 v12, v39  }
0xa7: {  	v19 =	vmov v46;
	v46 =	vperm.xlane v1, v28  }
0xa8: {  	v16 =	vsub.f32 $1.500000000e+00, v16  }
0xa9: {  	v54 =	vadd.f32 v1, v46;
	v1 =	vmul.f32 v14, v0  }
0xaa: {  	v12 =	vmul.f32 v12, v16;
	v16 =	vld [tilespmem:$0x1FE00]  }
0xab: {  	v1 =	vsub.f32 $1.500000000e+00, v1;
	_ =	sdelay $0x1  }
0xac: {  	v29 =	vperm.xlane v23, v33;
	v1 =	vmul.f32 v1, v0  }
0xad: {  	v3 =	vld [tilespmem:$0x1FEC0]  }
0xae: {  	v23 =	vadd.f32 v23, v29;
	v29 =	vmul.f32 v1, v16;
	v16 =	vld [tilespmem:$0x1FED0];
	_ =	sdelay $0x2  }
0xaf: {  	[tilespmem:$0x1FDB0] =	vst v48;
	v13 =	vld [tilespmem:s13+$0xFFFFFF10];
	v25 =	vmul.f32 v56, v21;
	v21 =	vshrl.u32 v17, $0x1;
	v17 =	vperm.xlane v20, v28  }
0xb0: {  	[tilespmem:$0x1FDC0] =	vst v40;
	v48 =	vmov v35;
	v9 =	vld [tilespmem:$0x1FE80]  }
0xb1: {  	[tilespmem:$0x1FDD0] =	vst v32;
	v35 =	vmovc v3;
	v3 =	vmovc v50;
	v20 =	vadd.f32 v20, v17;
	v17 =	vld [tilespmem:$0x1FE20];
	v39 =	vmov v30;
	v30 =	vmov v16  }
0xb2: {  	v24 =	vmov v38;
	[tilespmem:$0x1FE00] =	vst v30;
	v30 =	vld [tilespmem:$0x1FF70]  }
0xb3: {  	[tilespmem:$0x1FF10] =	vst v24;
	v24 =	vld [tilespmem:s13+$0xFFFFFF00];
	v6 =	vperm.xlane v15, v33  }
0xb4: {  	[tilespmem:$0x1FEC0] =	vst v3;
	v3 =	vmov v2;
	v2 =	vld [tilespmem:s13+$0x30]  }
0xb5: {  	v40 =	vmov v51;
	v51 =	vmul.f32 v56, v22;
	[tilespmem:s29+$0xFFFFFFA0] =	vst v25;
	v15 =	vadd.f32 v15, v6;
	v6 =	vld [tilespmem:$0x1FE40]  }
0xb6: {  	[tilespmem:$0x1FE40] =	vst v5;
	v5 =	vld [tilespmem:s13+$0x20]  }
0xb7: {  	[tilespmem:s29+$0xFFFFFF90] =	vst v51;
	v0 =	vld [tilespmem:$0x1FEF0];
	v17 =	vmul.f32 v60, v17;
	v16 =	vmov v30  }
0xb8: {  	v7 =	vsub.f32 $1.500000000e+00, v7;
	v22 =	vmul.f32 v13, v13;
	s29 =	smov.u32 s28;
	v60 =	vld [tilespmem:s13+$0x0];
	[tilespmem:$0x1FED0] =	vst v16;
	v16 =	vmul.f32 v24, v24  }
0xb9: {  	v32 =	vmov v9;
	v9 =	vmov v31;
	v31 =	vshrl.u32 v23, $0x1;
	[tilespmem:s29+$0x0] =	vst v17;
	v17 =	vld [tilespmem:$0x1FF00]  }
0xba: {  	v30 =	vsub.s32 $0x5F3759DF, v31;
	v31 =	vmul.f32 v7, v53;
	v7 =	vadd.f32 v22, v16;
	v22 =	vld [tilespmem:$0x1FEA0];
	_ =	sdelay $0x3  }
0xbb: {  	v52 =	vshrl.u32 v15, $0x1;
	v15 =	vmul.f32 $5.000000000e-01, v15;
	v26 =	vmovc v17;
	v17 =	vmovc v0;
	v0 =	vmov v24  }
0xbc: {  	v56 =	vsub.f32 $1.500000000e+00, v63;
	v63 =	vsub.s32 $0x5F3759DF, v52;
	[tilespmem:$0x1FF70] =	vst v0;
	v0 =	vsub.s32 $0x5F3759DF, v61;
	v61 =	vmovc v21;
	v21 =	vmovc v22;
	v22 =	vld [tilespmem:$0x1FE10]  }
0xbd: {  	v49 =	vmul.f32 v63, v15  }
0xbe: {  	v16 =	vld [tilespmem:$0x1FE30]  }
0xbf: {  	v25 =	vmul.f32 v4, v58;
	v58 =	vmov v15;
	v15 =	vmul.f32 v63, v49;
	v49 =	vld [tilespmem:s13+$0x10]  }
0xc0: {  	[tilespmem:s29+$0x10] =	vst v57;
	v57 =	vld [tilespmem:$0x1FEE0]  }
0xc1: {  	[tilespmem:$0x1FF20] =	vst v19;
	v19 =	vld [tilespmem:s13+$0xFFFFFF20];
	v22 =	vmul.f32 v1, v22  }
0xc2: {  	v37 =	vmov v37;
	[tilespmem:$0x1FDE0] =	vst v3;
	v3 =	vmov v11;
	v11 =	vld [tilespmem:s13+$0xFFFFFF30]  }
0xc3: {  	v16 =	vmul.f32 v1, v16;
	[tilespmem:s29+$0xFFFFFF20] =	vst v22;
	v22 =	vld [tilespmem:$0x1FDF0]  }
0xc4: {  	v50 =	vld [tilespmem:s13+$0x90]  }
0xc5: {  	[tilespmem:$0x1FEF0] =	vst v37;
	v37 =	vmov v57;
	v53 =	vmov v12;
	v12 =	vld [tilespmem:$0x1FFE0]  }
0xc6: {  	v46 =	vld [tilespmem:s13+$0xFFFFFF80];
	[tilespmem:$0x1FE10] =	vst v37  }
0xc7: {  	v27 =	vmov v43;
	v43 =	vmov v60;
	v37 =	vld [tilespmem:$0x1FF80];
	[tilespmem:s29+$0xFFFFFF30] =	vst v16;
	v16 =	vmov v41  }
0xc8: {  	[tilespmem:$0x1FEA0] =	vst v16;
	v16 =	vmul.f32 v60, v43;
	v60 =	vmul.f32 v1, v22;
	v22 =	vld [tilespmem:$0x1FEB0]  }
0xc9: {  	[tilespmem:$0x1FF00] =	vst v27;
	v27 =	vld [tilespmem:$0x1FE70]  }
0xca: {  	v28 =	vld [tilespmem:$0x1FF40];
	v12 =	vperm.xlane v20, v12  }
0xcb: {  	[tilespmem:$0x1FE80] =	vst v9;
	v9 =	vld [tilespmem:s13+$0xB0];
	v56 =	vmul.f32 v56, v10;
	v10 =	vmov v42;
	v38 =	vmov v18  }
0xcc: {  	v42 =	vld [tilespmem:s13+$0xFFFFFFB0];
	[tilespmem:$0x1FF40] =	vst v10;
	v18 =	vmul.f32 v18, v38;
	v12 =	vadd.f32 v20, v12;
	v57 =	vmov v37  }
0xcd: {  	v44 =	vld [tilespmem:s13+$0xFFFFFFA0];
	v20 =	vmul.f32 v46, v46;
	v37 =	vmovc v49;
	[tilespmem:$0x1FEE0] =	vst v57;
	v57 =	vmul.f32 v49, v49;
	v49 =	vmov v22  }
0xce: {  	v52 =	vmov v27;
	v27 =	vmul.f32 v19, v19;
	v1 =	vmov v13;
	[tilespmem:$0x1FDF0] =	vst v49;
	v49 =	vld [tilespmem:$0x1FF60]  }
0xcf: {  	v25 =	vmul.f32 v25, v4;
	v28 =	vmov v28;
	[tilespmem:$0x1FF60] =	vst v1;
	v1 =	vadd.f32 v18, v20;
	v18 =	vld [tilespmem:$0x1FE90]  }
0xd0: {  	v51 =	vld [tilespmem:s13+$0x80];
	v14 =	vmul.f32 v9, v9;
	v10 =	vmul.f32 v11, v11;
	[tilespmem:$0x1FE70] =	vst v28;
	v7 =	vadd.f32 v27, v7  }
0xd1: {  	v28 =	vmul.f32 v2, v2;
	[tilespmem:$0x1FE20] =	vst v26;
	v26 =	vmul.f32 v50, v50;
	v22 =	vadd.f32 v57, v16;
	v57 =	vld [tilespmem:$0x1FF50]  }
0xd2: {  	v27 =	vld [tilespmem:$0x1FFC0];
	v10 =	vadd.f32 v10, v7;
	v7 =	vmul.f32 v5, v5;
	[tilespmem:$0x1FE30] =	vst v21;
	v13 =	vperm.xlane v12, v33  }
0xd3: {  	v8 =	vmovc v34;
	v34 =	vmov v6;
	v6 =	vld [tilespmem:s13+$0xA0];
	v24 =	vmul.f32 v44, v44;
	v21 =	vmul.f32 v42, v42;
	[tilespmem:s29+$0xFFFFFF10] =	vst v60  }
0xd4: {  	v13 =	vadd.f32 v12, v13;
	v12 =	vmovc v36;
	v7 =	vadd.f32 v7, v22;
	v18 =	vmul.f32 v31, v18  }
0xd5: {  	v25 =	vsub.f32 $1.500000000e+00, v25;
	v60 =	vmul.f32 v53, v59;
	[tilespmem:$0x1FF50] =	vst v12;
	v12 =	vmul.f32 v51, v51  }
0xd6: {  	v23 =	vmul.f32 $5.000000000e-01, v23;
	v1 =	vadd.f32 v24, v1;
	v20 =	vmovc v57;
	[tilespmem:s29+$0xB0] =	vst v18;
	v18 =	vadd.f32 v28, v7;
	v28 =	vld [tilespmem:$0x1FFD0]  }
0xd7: {  	v19 =	vmovc v19;
	v36 =	vmov v9;
	v9 =	vadd.f32 v26, v12;
	[tilespmem:$0x1FE90] =	vst v20;
	v20 =	vperm.xlane v10, v27  }
0xd8: {  	v12 =	vmul.f32 v6, v6;
	v1 =	vadd.f32 v21, v1;
	v21 =	vmovc v3;
	v3 =	vmul.f32 v31, v32  }
0xd9: {  	v8 =	vmul.f32 v31, v8;
	[tilespmem:$0x1FF80] =	vst v19;
	v10 =	vadd.f32 v10, v20;
	v20 =	vperm.xlane v18, v27  }
0xda: {  	v19 =	vmul.f32 v0, v62;
	[tilespmem:s29+$0x80] =	vst v3;
	v3 =	vadd.f32 v12, v9;
	v7 =	vmul.f32 v60, v53  }
0xdb: {  	[tilespmem:s29+$0x90] =	vst v8;
	v9 =	vld [tilespmem:$0x1FDB0];
	v60 =	vmul.f32 v25, v4;
	v8 =	vadd.f32 v18, v20;
	v4 =	vperm.xlane v10, v28  }
0xdc: {  	[tilespmem:s29+$0xFFFFFF00] =	vst v29;
	v29 =	vld [tilespmem:$0x1FFE0];
	v16 =	vmul.f32 v0, v19;
	v19 =	vmul.f32 v30, v23;
	v41 =	vmov v49  }
0xdd: {  	v33 =	vmovc v2;
	v2 =	vperm.xlane v8, v28;
	v20 =	vadd.f32 v10, v4;
	v4 =	vshrl.u32 v13, $0x1  }
0xde: {  	s1 =	sadd.s32 $0x4, s1;
	v19 =	vmul.f32 v30, v19;
	v24 =	vmul.f32 v31, v45;
	v12 =	vsub.s32 $0x5F3759DF, v4;
	v4 =	vld [tilespmem:$0x1FDC0]  }
0xdf: {  	p1 =	slt.u32 s1, $0x14C;
	[tilespmem:$0x1FEB0] =	vst v41;
	v41 =	vmov v11;
	v18 =	vmul.f32 v60, v48;
	v11 =	vadd.f32 v8, v2;
	v2 =	vld [tilespmem:$0x1FDD0]  }
.Ltmp2:
0xe0: {  	s28 =	smov.u32 s0;
	v59 =	vmul.f32 $5.000000000e-01, v13;
	v22 =	vmovc v34;
	[tilespmem:s29+$0xA0] =	vst v24;
	v9 =	vmul.f32 v60, v9;
	v10 =	vsub.f32 $1.500000000e+00, v19;
	(pc) =	sbr.rel @p1 .LBB2_3-.Ltmp2, $4  }
0xe1: {  	v34 =	vmovc v35;
	v35 =	vmov v47;
	[tilespmem:s28+$0x30] =	vst v18;
	v18 =	vperm.xlane v1, v27;
	v13 =	vperm.xlane v20, v29  }
0xe2: {  	v32 =	vmovc v5;
	v31 =	vmovc v40;
	v40 =	vmov v39;
	v57 =	vmul.f32 v60, v17;
	v10 =	vmul.f32 v30, v10  }
0xe3: {  	v39 =	vmovc v52;
	[tilespmem:s28+$0x20] =	vst v9;
	v1 =	vadd.f32 v1, v18;
	v30 =	vmov v6;
	v6 =	vadd.f32 v20, v13  }
0xe4: {  	s0 =	smov.u32 s30;
	s30 =	smov.u32 s13;
	s13 =	sadd.s32 $0x200, s13;
	v20 =	vld [tilespmem:$0x1FDE0];
	v45 =	vmovc v4;
	v4 =	vsub.f32 $1.500000000e+00, v15;
	v48 =	vmovc v2;
	v15 =	vperm.xlane v11, v29;
	v2 =	vmul.f32 v10, v23  }
0xe5: {  	v5 =	vsub.f32 $1.500000000e+00, v16;
	_ =	sdelay $0x1  }
0xe6: {  	v3 =	vadd.f32 v14, v3;
	v0 =	vmul.f32 v0, v5  }
0xe7: {  	v25 =	vld [tilespmem:$0x1FFF0];
	v2 =	vmul.f32 v2, v10  }
0xe8: {  	v9 =	vperm.xlane v3, v27;
	v14 =	vmul.f32 v0, v62  }
0xe9: {  	v11 =	vadd.f32 v11, v15;
	v2 =	vsub.f32 $1.500000000e+00, v2  }
0xea: {  	v3 =	vadd.f32 v3, v9;
	v9 =	vmul.f32 v12, v59;
	v14 =	vmul.f32 v14, v0  }
0xeb: {  	v15 =	vperm.xlane v54, v29;
	v2 =	vmul.f32 v2, v10  }
0xec: {  	v9 =	vmul.f32 v12, v9;
	v10 =	vsub.f32 $1.500000000e+00, v14;
	v14 =	vperm.xlane v11, v25  }
0xed: {  	v8 =	vmul.f32 v56, v39;
	v15 =	vadd.f32 v54, v15  }
0xee: {  	v13 =	vmul.f32 v56, v21;
	v17 =	vld [tilespmem:$0x1FE20];
	v9 =	vsub.f32 $1.500000000e+00, v9;
	v11 =	vadd.f32 v11, v14  }
0xef: {  	v16 =	vmul.f32 v56, v22;
	v7 =	vsub.f32 $1.500000000e+00, v7;
	v18 =	vperm.xlane v15, v25  }
0xf0: {  	v9 =	vmul.f32 v12, v9;
	v12 =	vshrl.u32 v11, $0x1;
	v11 =	vmul.f32 $5.000000000e-01, v11  }
0xf1: {  	v19 =	vld [tilespmem:$0x1FE10];
	v5 =	vmul.f32 v56, v20;
	v20 =	vperm.xlane v3, v28;
	v12 =	vsub.s32 $0x5F3759DF, v12  }
0xf2: {  	v21 =	vld [tilespmem:$0x1FDF0];
	v4 =	vmul.f32 v63, v4;
	v14 =	vadd.f32 v15, v18;
	v22 =	vmul.f32 v12, v11  }
0xf3: {  	v7 =	vmul.f32 v7, v53;
	v17 =	vmul.f32 v60, v17;
	v3 =	vadd.f32 v3, v20;
	v15 =	vld [tilespmem:$0x1FE00]  }
0xf4: {  	v18 =	vld [tilespmem:$0x1FE30];
	[tilespmem:s29+$0xFFFFFF80] =	vst v5;
	v20 =	vmul.f32 v12, v22;
	v22 =	vshrl.u32 v14, $0x1;
	v14 =	vmul.f32 $5.000000000e-01, v14  }
0xf5: {  	v0 =	vmul.f32 v10, v0;
	v10 =	vmul.f32 v4, v58;
	[tilespmem:s29+$0xFFFFFFB0] =	vst v8;
	v22 =	vsub.s32 $0x5F3759DF, v22  }
0xf6: {  	v5 =	vperm.xlane v6, v25;
	v8 =	vld [tilespmem:$0x1FE90];
	[tilespmem:s29+$0xFFFFFFA0] =	vst v13;
	v24 =	vmul.f32 v22, v14  }
0xf7: {  	v23 =	vperm.xlane v3, v29;
	v13 =	vperm.xlane v1, v28;
	[tilespmem:s29+$0xFFFFFF90] =	vst v16  }
0xf8: {  	[tilespmem:s28+$0x0] =	vst v17;
	v19 =	vmul.f32 v0, v19;
	v5 =	vadd.f32 v6, v5;
	v6 =	vmul.f32 v22, v24  }
0xf9: {  	[tilespmem:s28+$0x10] =	vst v57;
	v10 =	vmul.f32 v10, v4;
	v3 =	vadd.f32 v3, v23;
	v18 =	vmul.f32 v0, v18  }
0xfa: {  	v26 =	vld [tilespmem:$0x1FE80];
	[tilespmem:s28+$0xFFFFFF20] =	vst v19;
	v15 =	vmul.f32 v0, v15;
	v0 =	vmul.f32 v0, v21;
	v6 =	vsub.f32 $1.500000000e+00, v6  }
0xfb: {  	v16 =	vmul.f32 v7, v45;
	v10 =	vsub.f32 $1.500000000e+00, v10;
	v8 =	vmul.f32 v7, v8;
	[tilespmem:s28+$0xFFFFFF30] =	vst v18  }
0xfc: {  	v21 =	vsub.s32 $0x5F3759DF, v61;
	[tilespmem:s28+$0xFFFFFF10] =	vst v0;
	v24 =	vperm.xlane v3, v25;
	v6 =	vmul.f32 v22, v6  }
0xfd: {  	v1 =	vadd.f32 v1, v13;
	v4 =	vmul.f32 v10, v4;
	v10 =	vmul.f32 v21, v55;
	v0 =	vld [tilespmem:$0x1FEF0];
	[tilespmem:s28+$0xFFFFFF00] =	vst v15  }
0xfe: {  	v13 =	vld [tilespmem:$0x1FE60];
	[tilespmem:s28+$0xB0] =	vst v8;
	v3 =	vadd.f32 v3, v24;
	v24 =	vmul.f32 v7, v34;
	v14 =	vmul.f32 v6, v14  }
0xff: {  	v10 =	vmul.f32 v21, v10;
	[tilespmem:s28+$0xA0] =	vst v16;
	v7 =	vmul.f32 v7, v26  }
0x100: {  	v8 =	vmul.f32 v14, v6;
	v14 =	vld [tilespmem:$0x1FE70];
	[tilespmem:s28+$0x90] =	vst v24  }
0x101: {  	v18 =	vmul.f32 v4, v35;
	v10 =	vsub.f32 $1.500000000e+00, v10;
	[tilespmem:s28+$0x80] =	vst v7  }
0x102: {  	v19 =	vmul.f32 v4, v48;
	v7 =	vld [tilespmem:$0x1FE50]  }
0x103: {  	v10 =	vmul.f32 v21, v10;
	v13 =	vmul.f32 v2, v13;
	v21 =	vld [tilespmem:$0x1FE40];
	[tilespmem:s0+$0x30] =	vst v18  }
0x104: {  	[tilespmem:s0+$0x20] =	vst v19  }
0x105: {  	[tilespmem:s28+$0xFFFFFF80] =	vst v13  }
0x106: {  	v13 =	vld [tilespmem:$0x1FF00]  }
0x107: {  	v20 =	vsub.f32 $1.500000000e+00, v20  }
0x108: {  	v15 =	vperm.xlane v1, v29;
	v14 =	vmul.f32 v2, v14  }
0x109: {  	v12 =	vmul.f32 v12, v20;
	v7 =	vmul.f32 v2, v7  }
0x10a: {  	v0 =	vmul.f32 v4, v0;
	v2 =	vmul.f32 v2, v21;
	[tilespmem:s28+$0xFFFFFFB0] =	vst v14  }
0x10b: {  	v20 =	vmul.f32 v10, v55;
	v4 =	vmul.f32 v4, v13;
	[tilespmem:s28+$0xFFFFFFA0] =	vst v7  }
0x10c: {  	[tilespmem:s28+$0xFFFFFF90] =	vst v2  }
0x10d: {  	v1 =	vadd.f32 v1, v15;
	v15 =	vmul.f32 v20, v10;
	[tilespmem:s0+$0x0] =	vst v4  }
0x10e: {  	v4 =	vld [tilespmem:$0x1FEA0]  }
0x10f: {  	v13 =	vsub.f32 $1.500000000e+00, v15;
	_ =	sdelay $0x1  }
0x110: {  	v7 =	vmul.f32 v13, v10;
	_ =	sdelay $0x1  }
0x111: {  	v4 =	vmul.f32 v7, v4  }
0x112: {  	v10 =	vld [tilespmem:$0x1FEE0];
	[tilespmem:s0+$0x10] =	vst v0  }
0x113: {  	v11 =	vmul.f32 v12, v11;
	[tilespmem:s0+$0xFFFFFF30] =	vst v4  }
0x114: {  	v4 =	vld [tilespmem:$0x1FEB0]  }
0x115: {  	v0 =	vmul.f32 v11, v12;
	v11 =	vld [tilespmem:$0x1FED0]  }
0x116: {  	v23 =	vmul.f32 v9, v59;
	_ =	sdelay $0x1  }
0x117: {  	v17 =	vmul.f32 v23, v9;
	v10 =	vmul.f32 v7, v10  }
0x118: {  	v4 =	vmul.f32 v7, v4  }
0x119: {  	v8 =	vsub.f32 $1.500000000e+00, v8;
	v14 =	vsub.f32 $1.500000000e+00, v17;
	[tilespmem:s0+$0xFFFFFF20] =	vst v10;
	v7 =	vmul.f32 v7, v11  }
0x11a: {  	[tilespmem:s0+$0xFFFFFF10] =	vst v4  }
0x11b: {  	v6 =	vmul.f32 v8, v6;
	v8 =	vmul.f32 v14, v9;
	v4 =	vld [tilespmem:$0x1FF50];
	[tilespmem:s0+$0xFFFFFF00] =	vst v7  }
0x11c: {  	v11 =	vld [tilespmem:$0x1FEC0]  }
0x11d: {  	v7 =	vmul.f32 v8, v40  }
0x11e: {  	v0 =	vsub.f32 $1.500000000e+00, v0  }
0x11f: {  	[tilespmem:s0+$0xA0] =	vst v7;
	v7 =	vmul.f32 v8, v31  }
0x120: {  	v0 =	vmul.f32 v0, v12;
	v4 =	vmul.f32 v8, v4  }
0x121: {  	v23 =	vmul.f32 $5.000000000e-01, v5;
	[tilespmem:s0+$0x80] =	vst v7;
	v11 =	vmul.f32 v8, v11  }
0x122: {  	v5 =	vshrl.u32 v5, $0x1;
	v18 =	vperm.xlane v1, v25;
	v8 =	vmul.f32 v0, v33;
	[tilespmem:s0+$0xB0] =	vst v4  }
0x123: {  	v5 =	vsub.s32 $0x5F3759DF, v5;
	[tilespmem:s0+$0x90] =	vst v11  }
0x124: {  	v22 =	vmul.f32 $5.000000000e-01, v3;
	v3 =	vshrl.u32 v3, $0x1;
	v1 =	vadd.f32 v1, v18;
	[tilespmem:s30+$0x30] =	vst v8  }
0x125: {  	v3 =	vsub.s32 $0x5F3759DF, v3;
	v9 =	vmul.f32 v5, v23;
	v8 =	vld [tilespmem:$0x1FF20]  }
0x126: {  	v16 =	vmul.f32 v3, v22;
	v2 =	vmul.f32 $5.000000000e-01, v1;
	v1 =	vshrl.u32 v1, $0x1  }
0x127: {  	v1 =	vsub.s32 $0x5F3759DF, v1;
	v9 =	vmul.f32 v5, v9;
	v7 =	vmul.f32 v0, v32  }
0x128: {  	v10 =	vmul.f32 v1, v2  }
0x129: {  	v16 =	vmul.f32 v3, v16;
	v9 =	vsub.f32 $1.500000000e+00, v9;
	[tilespmem:s30+$0x20] =	vst v7  }
0x12a: {  	v10 =	vmul.f32 v1, v10;
	v7 =	vld [tilespmem:$0x1FF40];
	v8 =	vmul.f32 v6, v8  }
0x12b: {  	v4 =	vmul.f32 v5, v9  }
0x12c: {  	v15 =	vsub.f32 $1.500000000e+00, v16;
	v10 =	vsub.f32 $1.500000000e+00, v10;
	[tilespmem:s0+$0xFFFFFF80] =	vst v8  }
0x12d: {  	v9 =	vmul.f32 v4, v23;
	v8 =	vld [tilespmem:$0x1FF30]  }
0x12e: {  	v3 =	vmul.f32 v3, v15;
	v1 =	vmul.f32 v1, v10;
	v10 =	vld [tilespmem:$0x1FF10]  }
0x12f: {  	v9 =	vmul.f32 v9, v4;
	v7 =	vmul.f32 v6, v7  }
0x130: {  	v5 =	vmul.f32 v3, v22  }
0x131: {  	v2 =	vmul.f32 v1, v2;
	v9 =	vsub.f32 $1.500000000e+00, v9;
	[tilespmem:s0+$0xFFFFFFB0] =	vst v7;
	v7 =	vmul.f32 v0, v43  }
0x132: {  	v5 =	vmul.f32 v5, v3;
	v8 =	vmul.f32 v6, v8  }
0x133: {  	v4 =	vmul.f32 v9, v4;
	[tilespmem:s30+$0x0] =	vst v7;
	v6 =	vmul.f32 v6, v10  }
0x134: {  	v2 =	vmul.f32 v2, v1;
	v5 =	vsub.f32 $1.500000000e+00, v5;
	v0 =	vmul.f32 v0, v37;
	[tilespmem:s0+$0xFFFFFFA0] =	vst v8  }
0x135: {  	[tilespmem:s0+$0xFFFFFF90] =	vst v6;
	v6 =	vmul.f32 v4, v41  }
0x136: {  	v2 =	vsub.f32 $1.500000000e+00, v2;
	v7 =	vld [tilespmem:$0x1FF80];
	[tilespmem:s30+$0x10] =	vst v0;
	v0 =	vmul.f32 v5, v3  }
0x137: {  	[tilespmem:s30+$0xFFFFFF30] =	vst v6  }
0x138: {  	v1 =	vmul.f32 v2, v1;
	v3 =	vld [tilespmem:$0x1FF60];
	v2 =	vmul.f32 v0, v50  }
0x139: {  	v5 =	vld [tilespmem:$0x1FF70]  }
0x13a: {  	[tilespmem:s30+$0x90] =	vst v2;
	v2 =	vmul.f32 v1, v46  }
0x13b: {  	v7 =	vmul.f32 v4, v7  }
0x13c: {  	[tilespmem:s30+$0xFFFFFF80] =	vst v2;
	v2 =	vmul.f32 v1, v44  }
0x13d: {  	v3 =	vmul.f32 v4, v3;
	[tilespmem:s30+$0xFFFFFF20] =	vst v7  }
0x13e: {  	v4 =	vmul.f32 v4, v5;
	[tilespmem:s30+$0xFFFFFFA0] =	vst v2  }
0x13f: {  	[tilespmem:s30+$0xFFFFFF10] =	vst v3;
	v3 =	vmul.f32 v0, v36  }
0x140: {  	s28 =	smul.u32 $0x60, s26;
	[tilespmem:s30+$0xFFFFFF00] =	vst v4;
	v4 =	vmul.f32 v0, v30;
	v0 =	vmul.f32 v0, v51  }
0x141: {  	[tilespmem:s30+$0xB0] =	vst v3  }
0x142: {  	s14 =	sor.u32 s3, s28;
	[tilespmem:s30+$0x80] =	vst v0;
	v0 =	vmul.f32 v1, v42  }
0x143: {  	s0 =	smul.u32 $0x1500, s14;
	[tilespmem:s30+$0xA0] =	vst v4;
	v1 =	vmul.f32 v1, v38  }
0x144: {  	p1 =	seq.s32 s26, $0x0;
	[tilespmem:s30+$0xFFFFFFB0] =	vst v0  }
0x145: {  	s29 =	sadd.s32 @!p1 $0x40, s28;
	s0 =	sadd.s32 s5, s0;
	[tilespmem:s30+$0xFFFFFF90] =	vst v1  }
0x146: {  	[hbm4b:s0+s2] =	stream.linear.scatter [tilespmem:s2], [sflag:$0x4], $0xA800, $0x38;
	[tilespmem:$0x1F800] =	vst v63  }
0x147: {  	s0 =	sor.u32 @!p1 s3, s29  }
0x148: {  	s1 =	simm.s32 @!p1 $0x6;
	s0 =	smul.u32 @!p1 $0x1500, s0  }
0x149: {  	_ =	swait.ge @!p1 [sflag:s1], $0xA800  }
0x14a: {  	[sflag:s1] =	ssyncset.done @!p1 $0x0;
	s0 =	smov.u32 @p1 s12  }
0x14b: {  	[sflag:s1] =	ssyncadd.s32 @!p1 $0xFFFF5800;
	s0 =	sadd.s32 s4, s0  }
0x14c: {  	[tilespmem:s18], [sflag:$0x3] =	stream.linear.gather [hbm4b:s0+s2], $0xA800, $0x38;
	[tilespmem:$0x1F800] =	vst v63  }
0x14d: {  	_ =	swait.ge [sflag:s19], $0xA800  }
0x14e: {  	[sflag:s19] =	ssyncset.done $0x0  }
0x14f: {  	s31 =	simm.s32 $0xA900;
	[sflag:s19] =	ssyncadd.s32 $0xFFFF5800  }
0x150: {  	v23 =	vld [tilespmem:s31+$0xFFFFFF10]  }
0x151: {  	v38 =	vld [tilespmem:s31+$0x0]  }
0x152: {  	v36 =	vld [tilespmem:s31+$0x10]  }
0x153: {  	v32 =	vld [tilespmem:s31+$0x20]  }
0x154: {  	v6 =	vld [tilespmem:s31+$0x90]  }
0x155: {  	v43 =	vld [tilespmem:s31+$0xFFFFFF00]  }
0x156: {  	v51 =	vld [tilespmem:s31+$0xFFFFFF20]  }
0x157: {  	v33 =	vld [tilespmem:s31+$0x30]  }
0x158: {  	v60 =	vld [tilespmem:s31+$0xFFFFFF30]  }
0x159: {  	v22 =	vld [tilespmem:s31+$0xFFFFFF90];
	[tilespmem:$0x1FD60] =	vst v6  }
0x15a: {  	v7 =	vld [tilespmem:s31+$0x80];
	_ =	sdelay $0x1  }
0x15b: {  	v0 =	vmul.f32 v36, v36;
	v1 =	vmul.f32 v38, v38  }
0x15c: {  	v2 =	vmul.f32 v23, v23  }
0x15d: {  	v3 =	vmul.f32 v43, v43;
	v0 =	vadd.f32 v0, v1;
	v1 =	vmul.f32 v32, v32  }
0x15e: {  	v4 =	vmul.f32 v51, v51;
	[tilespmem:$0x1FD70] =	vst v7  }
0x15f: {  	v5 =	vmul.f32 v33, v33;
	v2 =	vadd.f32 v2, v3;
	v0 =	vadd.f32 v1, v0;
	v8 =	vld [tilespmem:s31+$0xFFFFFFB0];
	_ =	sdelay $0x1  }
0x160: {  	v1 =	vmul.f32 v60, v60;
	v2 =	vadd.f32 v4, v2;
	v0 =	vadd.f32 v5, v0;
	v20 =	vld [tilespmem:s31+$0xFFFFFF80]  }
0x161: {  	v21 =	vld [tilespmem:s31+$0xFFFFFFA0]  }
0x162: {  	v1 =	vadd.f32 v1, v2;
	v58 =	vld [tilespmem:s31+$0xA0];
	v2 =	vperm.xlane v0, v27  }
0x163: {  	s30 =	simm.s32 $0xAB00;
	v52 =	vld [tilespmem:s31+$0xB0];
	[tilespmem:$0x1FBD0] =	vst v8  }
0x164: {  	v3 =	vperm.xlane v1, v27;
	v0 =	vadd.f32 v0, v2;
	v12 =	vld [tilespmem:s30+$0x10]  }
0x165: {  	v7 =	vmul.f32 v7, v7;
	v2 =	vmul.f32 v6, v6  }
0x166: {  	v1 =	vadd.f32 v1, v3;
	v3 =	vperm.xlane v0, v28;
	v9 =	vld [tilespmem:s30+$0xFFFFFF20]  }
0x167: {  	v4 =	vmul.f32 v22, v22;
	v2 =	vadd.f32 v2, v7;
	v7 =	vmul.f32 v58, v58;
	v10 =	vld [tilespmem:s30+$0x0]  }
0x168: {  	v5 =	vmul.f32 v20, v20;
	v0 =	vadd.f32 v0, v3;
	v3 =	vmul.f32 v8, v8;
	v8 =	vld [tilespmem:s30+$0xFFFFFF10]  }
0x169: {  	v2 =	vadd.f32 v7, v2;
	v7 =	vld [tilespmem:s30+$0xFFFFFF00];
	[tilespmem:$0x1FDA0] =	vst v12  }
0x16a: {  	v6 =	vmul.f32 v21, v21;
	v4 =	vadd.f32 v4, v5;
	v5 =	vperm.xlane v1, v28;
	v13 =	vld [tilespmem:s30+$0x20];
	_ =	sdelay $0x1  }
0x16b: {  	v4 =	vadd.f32 v6, v4;
	v1 =	vadd.f32 v1, v5;
	v5 =	vperm.xlane v0, v29  }
0x16c: {  	v6 =	vmul.f32 v52, v52  }
0x16d: {  	v3 =	vadd.f32 v3, v4;
	v4 =	vperm.xlane v1, v29;
	v0 =	vadd.f32 v0, v5  }
0x16e: {  	v2 =	vadd.f32 v6, v2;
	v11 =	vld [tilespmem:s30+$0xFFFFFF30];
	[tilespmem:$0x1FD90] =	vst v13  }
0x16f: {  	v1 =	vadd.f32 v1, v4;
	v4 =	vperm.xlane v0, v25;
	v17 =	vld [tilespmem:s30+$0x30]  }
0x170: {  	v6 =	vperm.xlane v2, v27  }
0x171: {  	v5 =	vperm.xlane v3, v27;
	v0 =	vadd.f32 v0, v4  }
0x172: {  	v2 =	vadd.f32 v2, v6;
	v4 =	vmul.f32 v8, v8;
	v6 =	vmul.f32 v7, v7;
	[tilespmem:$0x1FBE0] =	vst v8  }
0x173: {  	v3 =	vadd.f32 v3, v5;
	[tilespmem:$0x1FBF0] =	vst v7  }
0x174: {  	v5 =	vperm.xlane v1, v25;
	v4 =	vadd.f32 v4, v6;
	v6 =	vmul.f32 v12, v12;
	[tilespmem:$0x1FD80] =	vst v17  }
0x175: {  	v7 =	vshrl.u32 v0, $0x1;
	v8 =	vmul.f32 $5.000000000e-01, v0;
	v0 =	vmul.f32 v9, v9;
	v30 =	vld [tilespmem:s30+$0xFFFFFF90];
	[tilespmem:$0x1FC00] =	vst v9  }
0x176: {  	v1 =	vadd.f32 v1, v5;
	v7 =	vsub.s32 $0x5F3759DF, v7;
	v9 =	vmul.f32 v10, v10;
	v35 =	vld [tilespmem:s30+$0x90];
	[tilespmem:$0x1FC10] =	vst v10  }
0x177: {  	v0 =	vadd.f32 v0, v4;
	v10 =	vperm.xlane v2, v28;
	v14 =	vld [tilespmem:s30+$0xFFFFFF80];
	[tilespmem:$0x1FC20] =	vst v11;
	v11 =	vmul.f32 v11, v11  }
0x178: {  	v12 =	vmul.f32 v7, v8;
	v4 =	vadd.f32 v6, v9;
	v6 =	vmul.f32 v13, v13;
	v16 =	vld [tilespmem:s30+$0xFFFFFFA0]  }
0x179: {  	v9 =	vperm.xlane v3, v28;
	v2 =	vadd.f32 v2, v10;
	v15 =	vld [tilespmem:s30+$0xFFFFFFB0];
	v0 =	vadd.f32 v11, v0  }
0x17a: {  	v39 =	vld [tilespmem:s30+$0x80];
	v10 =	vmul.f32 v17, v17;
	v4 =	vadd.f32 v6, v4;
	v6 =	vmul.f32 v30, v30  }
0x17b: {  	v3 =	vadd.f32 v3, v9;
	v11 =	vperm.xlane v2, v29;
	v13 =	vperm.xlane v0, v27  }
0x17c: {  	v17 =	vld [tilespmem:s30+$0xA0];
	v5 =	vmul.f32 v35, v35;
	v4 =	vadd.f32 v10, v4;
	[tilespmem:$0x1FC40] =	vst v14;
	v10 =	vmul.f32 v14, v14  }
0x17d: {  	v2 =	vadd.f32 v2, v11;
	[tilespmem:$0x1FC30] =	vst v16;
	v9 =	vmul.f32 v16, v16;
	v0 =	vadd.f32 v0, v13  }
0x17e: {  	v11 =	vperm.xlane v4, v27;
	v13 =	vmul.f32 v15, v15;
	v48 =	vld [tilespmem:s30+$0xB0];
	v6 =	vadd.f32 v6, v10  }
0x17f: {  	v10 =	vmul.f32 v39, v39;
	v14 =	vperm.xlane v2, v25  }
0x180: {  	[tilespmem:$0x1FC50] =	vst v15;
	v15 =	vperm.xlane v0, v28;
	v4 =	vadd.f32 v4, v11;
	v6 =	vadd.f32 v9, v6  }
0x181: {  	v5 =	vadd.f32 v5, v10;
	v9 =	vmul.f32 v17, v17;
	v2 =	vadd.f32 v2, v14  }
0x182: {  	s0 =	simm.s32 $0xAD00;
	[tilespmem:$0x1FC60] =	vst v17;
	v0 =	vadd.f32 v0, v15;
	v10 =	vperm.xlane v4, v28;
	v6 =	vadd.f32 v13, v6  }
0x183: {  	v47 =	vld [tilespmem:s0+$0x30];
	v5 =	vadd.f32 v9, v5;
	v9 =	vmul.f32 v7, v12;
	v11 =	vmul.f32 v48, v48  }
0x184: {  	v15 =	vld [tilespmem:s0+$0xFFFFFF10];
	v12 =	vperm.xlane v0, v29;
	v4 =	vadd.f32 v4, v10;
	v10 =	vshrl.u32 v2, $0x1  }
0x185: {  	v17 =	vld [tilespmem:s0+$0xFFFFFF00];
	v2 =	vmul.f32 $5.000000000e-01, v2;
	v13 =	vperm.xlane v6, v27;
	v9 =	vsub.f32 $1.500000000e+00, v9  }
0x186: {  	v16 =	vld [tilespmem:s0+$0xFFFFFF20];
	v5 =	vadd.f32 v11, v5;
	v0 =	vadd.f32 v0, v12;
	v11 =	vperm.xlane v4, v29  }
0x187: {  	v40 =	vld [tilespmem:s0+$0xFFFFFF30];
	v7 =	vmul.f32 v7, v9;
	v9 =	vperm.xlane v3, v29  }
0x188: {  	v34 =	vld [tilespmem:s0+$0x90];
	v6 =	vadd.f32 v6, v13;
	v12 =	vperm.xlane v5, v27;
	v13 =	vperm.xlane v0, v25  }
0x189: {  	v24 =	vld [tilespmem:s0+$0x0];
	[tilespmem:$0x1FC70] =	vst v15;
	v4 =	vadd.f32 v4, v11;
	v3 =	vadd.f32 v3, v9;
	v9 =	vmul.f32 v15, v15  }
0x18a: {  	v10 =	vsub.s32 $0x5F3759DF, v10;
	v26 =	vld [tilespmem:s0+$0x10];
	v8 =	vmul.f32 v7, v8;
	v15 =	vmul.f32 v17, v17  }
0x18b: {  	v31 =	vld [tilespmem:s0+$0x20];
	v5 =	vadd.f32 v5, v12;
	v11 =	vperm.xlane v4, v25;
	v12 =	vmul.f32 v10, v2  }
0x18c: {  	v59 =	vadd.f32 v0, v13;
	v13 =	vperm.xlane v6, v28;
	v0 =	vld [tilespmem:s0+$0xFFFFFF90];
	[tilespmem:$0x1FC80] =	vst v17;
	v17 =	vmul.f32 v40, v40  }
0x18d: {  	v18 =	vld [tilespmem:s0+$0xFFFFFF80];
	[tilespmem:$0x1FC90] =	vst v16;
	v16 =	vmul.f32 v16, v16;
	v9 =	vadd.f32 v9, v15;
	v8 =	vmul.f32 v8, v7  }
0x18e: {  	v14 =	vperm.xlane v5, v28;
	v4 =	vadd.f32 v4, v11;
	v11 =	vmul.f32 v10, v12  }
0x18f: {  	v12 =	vperm.xlane v3, v25;
	v19 =	vld [tilespmem:s0+$0xFFFFFFA0];
	v6 =	vadd.f32 v6, v13;
	[tilespmem:$0x1FCB0] =	vst v24;
	v9 =	vadd.f32 v16, v9  }
0x190: {  	v13 =	vmul.f32 v24, v24;
	[tilespmem:$0x1FCA0] =	vst v26;
	v5 =	vadd.f32 v5, v14;
	v11 =	vsub.f32 $1.500000000e+00, v11  }
0x191: {  	[tilespmem:$0x1FCD0] =	vst v31;
	v14 =	vmul.f32 v34, v34;
	v3 =	vadd.f32 v3, v12;
	v15 =	vmul.f32 v0, v0  }
0x192: {  	v8 =	vsub.f32 $1.500000000e+00, v8;
	[tilespmem:$0x1FCC0] =	vst v0;
	v10 =	vmul.f32 v10, v11;
	v11 =	vmul.f32 v26, v26  }
0x193: {  	v9 =	vadd.f32 v17, v9;
	v24 =	vshrl.u32 v3, $0x1;
	v45 =	vld [tilespmem:s0+$0x80];
	[tilespmem:$0x1FCE0] =	vst v18;
	v17 =	vmul.f32 v18, v18  }
0x194: {  	v3 =	vmul.f32 $5.000000000e-01, v3;
	[tilespmem:$0x1FCF0] =	vst v19;
	v11 =	vadd.f32 v11, v13;
	v13 =	vmul.f32 v31, v31  }
0x195: {  	v12 =	vmul.f32 v47, v47;
	v26 =	vperm.xlane v5, v29;
	v16 =	vsub.s32 $0x5F3759DF, v24;
	v18 =	vld [tilespmem:s0+$0xB0]  }
0x196: {  	v15 =	vadd.f32 v15, v17;
	v17 =	vmul.f32 v16, v3;
	v11 =	vadd.f32 v13, v11  }
0x197: {  	v7 =	vmul.f32 v8, v7;
	v5 =	vadd.f32 v5, v26;
	v0 =	vld [tilespmem:s0+$0xFFFFFFB0];
	v13 =	vmul.f32 v19, v19  }
0x198: {  	v31 =	vperm.xlane v9, v27;
	v8 =	vmul.f32 v16, v17;
	v11 =	vadd.f32 v12, v11  }
0x199: {  	v12 =	vperm.xlane v5, v25;
	v13 =	vadd.f32 v13, v15;
	v15 =	vmul.f32 v45, v45  }
0x19a: {  	v9 =	vadd.f32 v9, v31;
	v8 =	vsub.f32 $1.500000000e+00, v8;
	v57 =	vmul.f32 v18, v18  }
0x19b: {  	v50 =	vperm.xlane v11, v27;
	v5 =	vadd.f32 v5, v12;
	v12 =	vadd.f32 v14, v15  }
0x19c: {  	v31 =	vmovc v0;
	v0 =	vld [tilespmem:s0+$0xA0];
	v14 =	vperm.xlane v9, v28;
	v15 =	vshrl.u32 v1, $0x1;
	v1 =	vmul.f32 $5.000000000e-01, v1  }
0x19d: {  	v8 =	vmul.f32 v16, v8;
	v16 =	vmul.f32 v31, v31  }
0x19e: {  	v15 =	vsub.s32 $0x5F3759DF, v15;
	v11 =	vadd.f32 v11, v50;
	v9 =	vadd.f32 v9, v14  }
0x19f: {  	v14 =	vshrl.u32 v4, $0x1;
	v4 =	vmul.f32 $5.000000000e-01, v4;
	v13 =	vadd.f32 v16, v13  }
0x1a0: {  	v16 =	vmul.f32 v15, v1;
	v3 =	vmul.f32 v8, v3;
	v14 =	vsub.s32 $0x5F3759DF, v14  }
0x1a1: {  	v17 =	vmul.f32 v14, v4;
	v53 =	vmul.f32 v0, v0  }
0x1a2: {  	v54 =	vperm.xlane v11, v28;
	v55 =	vperm.xlane v9, v29  }
0x1a3: {  	v16 =	vmul.f32 v15, v16;
	v56 =	vperm.xlane v13, v27;
	v12 =	vadd.f32 v53, v12  }
0x1a4: {  	v3 =	vmul.f32 v3, v8;
	v11 =	vadd.f32 v11, v54;
	v9 =	vadd.f32 v9, v55  }
0x1a5: {  	v17 =	vmul.f32 v14, v17;
	v13 =	vadd.f32 v13, v56;
	v16 =	vsub.f32 $1.500000000e+00, v16  }
0x1a6: {  	v55 =	vmul.f32 v7, v33;
	v3 =	vsub.f32 $1.500000000e+00, v3;
	v61 =	vperm.xlane v11, v29  }
0x1a7: {  	v17 =	vsub.f32 $1.500000000e+00, v17;
	v15 =	vmul.f32 v15, v16;
	v16 =	vmul.f32 v10, v2  }
0x1a8: {  	v12 =	vadd.f32 v57, v12;
	v2 =	vmul.f32 v7, v38;
	v56 =	vmul.f32 v3, v8  }
0x1a9: {  	[tilespmem:$0x1FD10] =	vst v18;
	v14 =	vmul.f32 v14, v17;
	v17 =	vperm.xlane v9, v25  }
0x1aa: {  	s1 =	simm.s32 $0xAF00;
	[tilespmem:$0x1FD00] =	vst v0;
	v11 =	vadd.f32 v11, v61;
	v62 =	vperm.xlane v12, v27;
	v1 =	vmul.f32 v15, v1  }
0x1ab: {  	v0 =	vld [tilespmem:s1+$0xFFFFFF10];
	v57 =	vadd.f32 v9, v17;
	v17 =	vmul.f32 $5.000000000e-01, v5;
	v5 =	vshrl.u32 v5, $0x1  }
0x1ac: {  	v37 =	vld [tilespmem:s1+$0xFFFFFF90];
	v61 =	vmul.f32 v7, v36;
	v63 =	vperm.xlane v11, v25;
	v5 =	vsub.s32 $0x5F3759DF, v5  }
0x1ad: {  	v3 =	vmul.f32 v16, v10;
	v12 =	vadd.f32 v12, v62;
	v9 =	vld [tilespmem:s1+$0xFFFFFF00];
	v33 =	vmul.f32 v5, v17  }
0x1ae: {  	v1 =	vmul.f32 v1, v15;
	v62 =	vadd.f32 v11, v63;
	v63 =	vmul.f32 v7, v32;
	v7 =	vld [tilespmem:s1+$0xFFFFFF20]  }
0x1af: {  	v49 =	vld [tilespmem:s1+$0x0];
	v3 =	vsub.f32 $1.500000000e+00, v3;
	v36 =	vmul.f32 v5, v33  }
0x1b0: {  	v38 =	vperm.xlane v6, v29;
	v1 =	vsub.f32 $1.500000000e+00, v1;
	v11 =	vld [tilespmem:s1+$0x10]  }
0x1b1: {  	v4 =	vmul.f32 v14, v4;
	v3 =	vmul.f32 v3, v10;
	v8 =	vsub.f32 $1.500000000e+00, v36;
	v36 =	vld [tilespmem:s1+$0xFFFFFF30];
	[tilespmem:$0x1FD20] =	vst v0  }
0x1b2: {  	v1 =	vmul.f32 v1, v15;
	v15 =	vperm.xlane v12, v28;
	v46 =	vld [tilespmem:s1+$0xFFFFFF80];
	[tilespmem:$0x1FD30] =	vst v9  }
0x1b3: {  	v6 =	vadd.f32 v6, v38;
	v53 =	vmul.f32 v5, v8;
	v5 =	vperm.xlane v13, v28;
	v32 =	vld [tilespmem:s1+$0x20];
	[tilespmem:$0x1FD40] =	vst v7  }
0x1b4: {  	v8 =	vadd.f32 v12, v15;
	v12 =	vmul.f32 v0, v0;
	v15 =	vmul.f32 v9, v9;
	v41 =	vld [tilespmem:s1+$0xFFFFFFA0]  }
0x1b5: {  	v4 =	vmul.f32 v4, v14;
	v52 =	vmul.f32 v3, v52;
	v33 =	vld [tilespmem:s1+$0x30];
	[tilespmem:$0x1FD50] =	vst v11;
	v54 =	vadd.f32 v13, v5  }
0x1b6: {  	v5 =	vperm.xlane v6, v25;
	v10 =	vadd.f32 v12, v15;
	v12 =	vmul.f32 v7, v7;
	[tilespmem:s31+$0x30] =	vst v55  }
0x1b7: {  	v4 =	vsub.f32 $1.500000000e+00, v4;
	v13 =	vperm.xlane v8, v29;
	v15 =	vmul.f32 v49, v49;
	[tilespmem:s31+$0x20] =	vst v63  }
0x1b8: {  	v7 =	vmul.f32 v1, v51;
	[tilespmem:s31+$0x0] =	vst v2;
	v5 =	vadd.f32 v6, v5;
	v6 =	vmul.f32 v11, v11  }
0x1b9: {  	v2 =	vld [tilespmem:$0x1FD60];
	v8 =	vadd.f32 v8, v13;
	v10 =	vadd.f32 v12, v10;
	v12 =	vmul.f32 v36, v36  }
0x1ba: {  	v13 =	vmul.f32 v37, v37;
	v6 =	vadd.f32 v6, v15;
	v15 =	vmul.f32 v46, v46  }
0x1bb: {  	v51 =	vld [tilespmem:s1+$0x80];
	v11 =	vmul.f32 v1, v23;
	v10 =	vadd.f32 v12, v10;
	v12 =	vmul.f32 v32, v32  }
0x1bc: {  	v16 =	vmul.f32 v41, v41;
	v13 =	vadd.f32 v13, v15;
	v15 =	vmul.f32 v1, v43;
	v43 =	vld [tilespmem:s1+$0xFFFFFFB0]  }
0x1bd: {  	v50 =	vld [tilespmem:s1+$0x90];
	v9 =	vmul.f32 $5.000000000e-01, v5;
	v6 =	vadd.f32 v12, v6;
	v12 =	vmul.f32 v33, v33  }
0x1be: {  	v0 =	vperm.xlane v8, v25;
	v2 =	vmul.f32 v3, v2;
	v13 =	vadd.f32 v16, v13  }
0x1bf: {  	v16 =	vmul.f32 v1, v60;
	v6 =	vadd.f32 v12, v6;
	v12 =	vshrl.u32 v5, $0x1;
	v5 =	vld [tilespmem:$0x1FD70];
	[tilespmem:s31+$0x10] =	vst v61  }
0x1c0: {  	v60 =	vmul.f32 v4, v14;
	[tilespmem:s31+$0xFFFFFF20] =	vst v7;
	v4 =	vsub.s32 $0x5F3759DF, v12;
	v12 =	vperm.xlane v10, v27  }
0x1c1: {  	v25 =	vld [tilespmem:s1+$0xA0];
	v8 =	vadd.f32 v8, v0;
	v1 =	vmul.f32 v51, v51;
	[tilespmem:s31+$0xFFFFFF10] =	vst v11;
	v0 =	vmul.f32 v43, v43  }
0x1c2: {  	[tilespmem:s31+$0xFFFFFF00] =	vst v15;
	v14 =	vmul.f32 v4, v9;
	v10 =	vadd.f32 v10, v12;
	v12 =	vmul.f32 v50, v50  }
0x1c3: {  	[tilespmem:s31+$0xB0] =	vst v52;
	v13 =	vadd.f32 v0, v13  }
0x1c4: {  	[tilespmem:s31+$0x90] =	vst v2;
	v0 =	vmul.f32 v4, v14;
	v1 =	vadd.f32 v12, v1;
	v12 =	vmul.f32 v3, v58  }
0x1c5: {  	[tilespmem:s31+$0xFFFFFF30] =	vst v16;
	v14 =	vperm.xlane v6, v27;
	v44 =	vperm.xlane v10, v28  }
0x1c6: {  	v63 =	vmul.f32 v25, v25;
	v5 =	vmul.f32 v3, v5;
	v0 =	vsub.f32 $1.500000000e+00, v0;
	[tilespmem:s31+$0xA0] =	vst v12  }
0x1c7: {  	v58 =	vmul.f32 $5.000000000e-01, v62;
	v6 =	vadd.f32 v6, v14;
	v14 =	vadd.f32 v10, v44;
	v2 =	vld [tilespmem:$0x1FD80]  }
0x1c8: {  	v3 =	vadd.f32 v63, v1;
	v1 =	vshrl.u32 v59, $0x1;
	v10 =	vmul.f32 v4, v0  }
0x1c9: {  	v0 =	vshrl.u32 v62, $0x1;
	v62 =	vmul.f32 $5.000000000e-01, v59;
	v4 =	vperm.xlane v6, v28  }
0x1ca: {  	v63 =	vsub.s32 $0x5F3759DF, v0;
	v0 =	vsub.s32 $0x5F3759DF, v1  }
0x1cb: {  	v11 =	vadd.f32 v6, v4;
	v4 =	vmul.f32 v0, v62  }
0x1cc: {  	v38 =	vld [tilespmem:s1+$0xB0];
	[tilespmem:s31+$0x80] =	vst v5;
	v2 =	vmul.f32 v60, v2  }
0x1cd: {  	v16 =	vmul.f32 v0, v4;
	v4 =	vld [tilespmem:$0x1FD90]  }
0x1ce: {  	v55 =	vmul.f32 $5.000000000e-01, v57;
	[tilespmem:s30+$0x30] =	vst v2  }
0x1cf: {  	v61 =	vshrl.u32 v57, $0x1;
	v1 =	vperm.xlane v13, v27;
	v7 =	vmul.f32 v63, v58;
	v2 =	vld [tilespmem:$0x1FDA0]  }
0x1d0: {  	v5 =	vshrl.u32 v8, $0x1;
	v59 =	vmul.f32 $5.000000000e-01, v8;
	v6 =	vperm.xlane v14, v29  }
0x1d1: {  	v1 =	vadd.f32 v13, v1;
	v13 =	vmul.f32 v63, v7;
	v7 =	vmul.f32 v53, v17  }
0x1d2: {  	v6 =	vadd.f32 v14, v6;
	v14 =	vmul.f32 v38, v38;
	v4 =	vmul.f32 v60, v4  }
0x1d3: {  	v12 =	vsub.s32 $0x5F3759DF, v5;
	v15 =	vperm.xlane v11, v29;
	v7 =	vmul.f32 v7, v53  }
0x1d4: {  	s13 =	simm.s32 $0xC;
	s14 =	simm.s32 $0xB100;
	s29 =	simm.s32 @p1 $0x40;
	[tilespmem:s30+$0x20] =	vst v4;
	v4 =	vsub.f32 $1.500000000e+00, v13;
	v57 =	vmul.f32 v60, v2;
	v2 =	vmul.f32 v10, v9  }
.LBB2_5:
0x1d5: {  	_ =	sdelay $0x1  }
0x1d6: {  	v19 =	vld [tilespmem:$0x1FCE0]  }
0x1d7: {  	v5 =	vadd.f32 v14, v3;
	v23 =	vld [tilespmem:$0x1FCF0];
	v14 =	vmul.f32 v56, v20  }
0x1d8: {  	[tilespmem:$0x1FB80] =	vst v47;
	v47 =	vmov v48;
	v48 =	vmov v45;
	v45 =	vmov v33;
	v33 =	vld [tilespmem:$0x1FFF0]  }
0x1d9: {  	[tilespmem:s31+$0xFFFFFF80] =	vst v14;
	v14 =	vld [tilespmem:$0x1FBD0]  }
0x1da: {  	v16 =	vsub.f32 $1.500000000e+00, v16  }
0x1db: {  	v3 =	vmov v34  }
0x1dc: {  	v15 =	vadd.f32 v11, v15;
	v11 =	vperm.xlane v5, v27  }
0x1dd: {  	v0 =	vmul.f32 v0, v16;
	v8 =	vmovc v35;
	[tilespmem:$0x1FBA0] =	vst v3;
	v18 =	vmov v19;
	v17 =	vperm.xlane v6, v33  }
0x1de: {  	v35 =	vmul.f32 v2, v10;
	v2 =	vld [tilespmem:$0x1FC40];
	v16 =	vmovc v23;
	[tilespmem:$0x1FC40] =	vst v18;
	v3 =	vmov v50;
	v14 =	vmul.f32 v56, v14  }
0x1df: {  	v20 =	vadd.f32 v5, v11;
	v11 =	vld [tilespmem:$0x1FC30];
	[tilespmem:$0x1FC30] =	vst v16;
	v17 =	vadd.f32 v6, v17  }
0x1e0: {  	v18 =	vld [tilespmem:s14+$0xFFFFFF90];
	[tilespmem:s31+$0xFFFFFFB0] =	vst v14;
	v14 =	vperm.xlane v54, v29  }
0x1e1: {  	v23 =	vmovc v41;
	[tilespmem:$0x1FB90] =	vst v3;
	v3 =	vmov v39;
	v39 =	vmul.f32 v12, v59;
	v16 =	vmul.f32 $5.000000000e-01, v17  }
0x1e2: {  	[tilespmem:$0x1FCF0] =	vst v23;
	v23 =	vadd.f32 v54, v14  }
0x1e3: {  	v14 =	vmul.f32 v0, v62;
	v62 =	vmovc v55;
	v55 =	vmov v16;
	v16 =	vmul.f32 v12, v39;
	_ =	sdelay $0x1  }
0x1e4: {  	v16 =	vsub.f32 $1.500000000e+00, v16;
	_ =	sdelay $0x1  }
0x1e5: {  	v12 =	vmul.f32 v12, v16;
	v16 =	vld [tilespmem:$0x1FD50];
	_ =	sdelay $0x1  }
0x1e6: {  	v19 =	vmov v46;
	v46 =	vperm.xlane v1, v28;
	_ =	sdelay $0x1  }
0x1e7: {  	v54 =	vadd.f32 v1, v46;
	v1 =	vmul.f32 v14, v0  }
0x1e8: {  	v27 =	vmov v49;
	v49 =	vmov v16;
	v16 =	vld [tilespmem:$0x1FBF0]  }
0x1e9: {  	v1 =	vsub.f32 $1.500000000e+00, v1;
	_ =	sdelay $0x1  }
0x1ea: {  	v29 =	vperm.xlane v23, v33;
	v1 =	vmul.f32 v1, v0  }
0x1eb: {  	[tilespmem:$0x1FB70] =	vst v3;
	v3 =	vmov v51  }
0x1ec: {  	v23 =	vadd.f32 v23, v29;
	v29 =	vmul.f32 v1, v16;
	v16 =	vld [tilespmem:$0x1FC80];
	_ =	sdelay $0x1  }
0x1ed: {  	v5 =	vmul.f32 v56, v21;
	[tilespmem:$0x1FBC0] =	vst v3;
	v3 =	vmov v2;
	_ =	sdelay $0x1  }
0x1ee: {  	v13 =	vld [tilespmem:s14+$0xFFFFFF10];
	[tilespmem:s31+$0xFFFFFFA0] =	vst v5  }
0x1ef: {  	v5 =	vld [tilespmem:$0x1FCC0];
	[tilespmem:$0x1FBB0] =	vst v3;
	v3 =	vmov v30;
	v30 =	vmov v16  }
0x1f0: {  	v24 =	vmov v37;
	[tilespmem:$0x1FBF0] =	vst v30;
	v30 =	vld [tilespmem:$0x1FD30]  }
0x1f1: {  	[tilespmem:$0x1FCC0] =	vst v24;
	v24 =	vld [tilespmem:s14+$0xFFFFFF00];
	_ =	sdelay $0x1  }
0x1f2: {  	v9 =	vld [tilespmem:s14+$0xB0]  }
0x1f3: {  	[tilespmem:$0x1FCE0] =	vst v19;
	v19 =	vld [tilespmem:s14+$0xFFFFFF20];
	v21 =	vshrl.u32 v17, $0x1  }
0x1f4: {  	v42 =	vmovc v11;
	v11 =	vld [tilespmem:s14+$0xFFFFFF30];
	v51 =	vmul.f32 v56, v22;
	v56 =	vsub.f32 $1.500000000e+00, v35;
	v17 =	vperm.xlane v20, v28;
	v16 =	vmovc v30  }
0x1f5: {  	v7 =	vsub.f32 $1.500000000e+00, v7;
	v22 =	vmul.f32 v13, v13;
	v35 =	vmovc v5;
	v5 =	vld [tilespmem:s14+$0x20];
	[tilespmem:$0x1FC80] =	vst v16;
	v16 =	vmul.f32 v24, v24  }
0x1f6: {  	v20 =	vadd.f32 v20, v17;
	v17 =	vld [tilespmem:$0x1FC10];
	v56 =	vmul.f32 v56, v10;
	v10 =	vmovc v31;
	v31 =	vshrl.u32 v23, $0x1  }
0x1f7: {  	v30 =	vsub.s32 $0x5F3759DF, v31;
	v31 =	vmul.f32 v7, v53;
	v7 =	vadd.f32 v22, v16;
	v22 =	vld [tilespmem:$0x1FC00]  }
0x1f8: {  	v39 =	vld [tilespmem:$0x1FC90]  }
0x1f9: {  	v16 =	vld [tilespmem:$0x1FC20]  }
0x1fa: {  	v2 =	vld [tilespmem:s14+$0x30]  }
0x1fb: {  	v17 =	vmul.f32 v60, v17;
	v60 =	vld [tilespmem:s14+$0x0]  }
0x1fc: {  	[tilespmem:s31+$0xFFFFFF90] =	vst v51;
	s31 =	smov.u32 s30;
	v0 =	vld [tilespmem:$0x1FCA0];
	v22 =	vmul.f32 v1, v22  }
0x1fd: {  	[tilespmem:s31+$0x0] =	vst v17;
	v17 =	vld [tilespmem:$0x1FCB0]  }
0x1fe: {  	v16 =	vmul.f32 v1, v16;
	[tilespmem:s31+$0xFFFFFF20] =	vst v22;
	v22 =	vld [tilespmem:$0x1FBE0]  }
0x1ff: {  	v4 =	vmul.f32 v63, v4;
	[tilespmem:$0x1FCB0] =	vst v27;
	v27 =	vld [tilespmem:$0x1FC50]  }
0x200: {  	v6 =	vperm.xlane v15, v33;
	[tilespmem:$0x1FCA0] =	vst v49;
	v49 =	vld [tilespmem:s14+$0x10]  }
0x201: {  	v52 =	vmov v32;
	v34 =	vmov v25;
	v25 =	vmul.f32 v4, v58;
	[tilespmem:s31+$0x10] =	vst v57;
	v57 =	vld [tilespmem:$0x1FD40]  }
0x202: {  	v32 =	vmovc v43;
	v15 =	vadd.f32 v15, v6;
	v43 =	vmovc v60;
	v53 =	vmov v12;
	v12 =	vld [tilespmem:$0x1FFE0];
	[tilespmem:s31+$0xFFFFFF30] =	vst v16;
	v16 =	vmov v19  }
0x203: {  	[tilespmem:$0x1FD40] =	vst v16;
	v16 =	vmul.f32 v60, v43;
	v60 =	vmul.f32 v1, v22;
	v22 =	vld [tilespmem:$0x1FC70]  }
0x204: {  	v44 =	vshrl.u32 v15, $0x1;
	v15 =	vmul.f32 $5.000000000e-01, v15  }
0x205: {  	v25 =	vmul.f32 v25, v4;
	v37 =	vmovc v18;
	v63 =	vsub.s32 $0x5F3759DF, v44;
	v46 =	vld [tilespmem:s14+$0xFFFFFF80];
	[tilespmem:$0x1FC50] =	vst v10;
	v26 =	vmov v17  }
0x206: {  	v18 =	vmul.f32 v18, v37;
	v44 =	vmul.f32 v63, v15;
	v17 =	vmovc v0;
	v0 =	vmov v24;
	[tilespmem:$0x1FC10] =	vst v26  }
0x207: {  	v14 =	vmul.f32 v9, v9;
	[tilespmem:$0x1FD30] =	vst v0;
	v0 =	vsub.s32 $0x5F3759DF, v61;
	v61 =	vmovc v21;
	v21 =	vmovc v40;
	v40 =	vmov v39  }
0x208: {  	v50 =	vld [tilespmem:s14+$0x90];
	v28 =	vmovc v27;
	v27 =	vmul.f32 v19, v19;
	[tilespmem:$0x1FD50] =	vst v49;
	v12 =	vperm.xlane v20, v12;
	v1 =	vmov v22  }
0x209: {  	v41 =	vld [tilespmem:s14+$0xFFFFFFA0];
	v10 =	vmul.f32 v11, v11;
	v49 =	vmul.f32 v49, v49;
	[tilespmem:$0x1FC00] =	vst v40  }
0x20a: {  	v40 =	vmovc v36;
	v36 =	vld [tilespmem:$0x1FD20];
	v7 =	vadd.f32 v27, v7;
	v12 =	vadd.f32 v20, v12;
	v20 =	vmul.f32 v46, v46  }
0x20b: {  	v58 =	vmovc v15;
	v15 =	vmul.f32 v63, v44;
	v27 =	vld [tilespmem:$0x1FFC0];
	v22 =	vadd.f32 v49, v16;
	[tilespmem:$0x1FBE0] =	vst v1;
	v1 =	vmov v13  }
0x20c: {  	v10 =	vadd.f32 v10, v7;
	v7 =	vmul.f32 v5, v5;
	[tilespmem:$0x1FD20] =	vst v1;
	v1 =	vadd.f32 v18, v20;
	v20 =	vld [tilespmem:$0x1FD10]  }
0x20d: {  	v51 =	vld [tilespmem:s14+$0x80];
	v26 =	vmul.f32 v50, v50;
	[tilespmem:$0x1FBD0] =	vst v28;
	v28 =	vmul.f32 v2, v2  }
0x20e: {  	v6 =	vld [tilespmem:s14+$0xA0];
	v23 =	vmul.f32 $5.000000000e-01, v23;
	v39 =	vmovc v48;
	v48 =	vmovc v57;
	v7 =	vadd.f32 v7, v22;
	v18 =	vmul.f32 v31, v47  }
0x20f: {  	v25 =	vsub.f32 $1.500000000e+00, v25;
	v24 =	vmul.f32 v41, v41;
	[tilespmem:s31+$0xFFFFFF10] =	vst v60;
	v13 =	vperm.xlane v12, v33;
	v22 =	vmovc v3;
	v3 =	vld [tilespmem:$0x1FB70]  }
0x210: {  	v8 =	vmul.f32 v31, v8;
	v60 =	vmul.f32 v53, v59;
	[tilespmem:s31+$0xB0] =	vst v18;
	v18 =	vadd.f32 v28, v7;
	v28 =	vld [tilespmem:$0x1FFD0]  }
0x211: {  	[tilespmem:$0x1FC90] =	vst v48;
	v13 =	vadd.f32 v12, v13;
	v12 =	vmovc v38;
	v48 =	vmov v20;
	v20 =	vperm.xlane v10, v27  }
0x212: {  	v19 =	vmul.f32 v0, v62;
	[tilespmem:$0x1FD10] =	vst v12;
	v12 =	vmul.f32 v51, v51  }
0x213: {  	v44 =	vld [tilespmem:s14+$0xFFFFFFB0];
	[tilespmem:s31+$0xFFFFFF00] =	vst v29;
	v7 =	vmul.f32 v60, v53;
	v60 =	vmul.f32 v25, v4;
	v10 =	vadd.f32 v10, v20  }
0x214: {  	v29 =	vld [tilespmem:$0x1FFE0];
	v38 =	vmovc v9;
	v9 =	vadd.f32 v26, v12;
	v12 =	vmul.f32 v6, v6;
	v20 =	vperm.xlane v18, v27  }
0x215: {  	v1 =	vadd.f32 v24, v1;
	v24 =	vld [tilespmem:$0x1FC60];
	v3 =	vmul.f32 v31, v3;
	v4 =	vperm.xlane v10, v28  }
0x216: {  	[tilespmem:s31+$0x90] =	vst v8;
	v16 =	vmul.f32 v0, v19;
	v19 =	vmul.f32 v30, v23;
	v8 =	vadd.f32 v18, v20;
	v18 =	vld [tilespmem:$0x1FB80]  }
0x217: {  	[tilespmem:s31+$0x80] =	vst v3;
	v3 =	vadd.f32 v12, v9;
	v9 =	vld [tilespmem:$0x1FCD0];
	v20 =	vadd.f32 v10, v4;
	v4 =	vshrl.u32 v13, $0x1  }
0x218: {  	[tilespmem:$0x1FC20] =	vst v21;
	v12 =	vsub.s32 $0x5F3759DF, v4;
	v4 =	vld [tilespmem:$0x1FD00]  }
0x219: {  	v21 =	vmul.f32 v44, v44;
	v57 =	vmovc v36;
	v36 =	vmovc v11;
	v49 =	vmov v43;
	v19 =	vmul.f32 v30, v19  }
0x21a: {  	s13 =	sadd.s32 $0x4, s13;
	[tilespmem:$0x1FC70] =	vst v57;
	v43 =	vmovc v44;
	v33 =	vmovc v2;
	v2 =	vmov v52;
	v59 =	vmul.f32 $5.000000000e-01, v13;
	v24 =	vmul.f32 v31, v24  }
0x21b: {  	p1 =	slt.u32 s13, $0x14C;
	v47 =	vmovc v45;
	v57 =	vmul.f32 v60, v17;
	[tilespmem:$0x1FCD0] =	vst v2;
	v10 =	vsub.f32 $1.500000000e+00, v19;
	v18 =	vmul.f32 v60, v18  }
.Ltmp3:
0x21c: {  	s30 =	smov.u32 s0;
	v1 =	vadd.f32 v21, v1;
	[tilespmem:s31+$0xA0] =	vst v24;
	v19 =	vperm.xlane v8, v28;
	v9 =	vmul.f32 v60, v9;
	(pc) =	sbr.rel @p1 .LBB2_5-.Ltmp3, $4  }
0x21d: {  	v45 =	vld [tilespmem:$0x1FBC0];
	v25 =	vmovc v6;
	v13 =	vperm.xlane v20, v29;
	v10 =	vmul.f32 v30, v10;
	[tilespmem:s30+$0x30] =	vst v18;
	v11 =	vmov v4  }
0x21e: {  	v21 =	vmovc v42;
	v30 =	vmov v35;
	v35 =	vld [tilespmem:$0x1FBA0];
	v18 =	vperm.xlane v1, v27;
	[tilespmem:$0x1FC60] =	vst v11;
	v11 =	vadd.f32 v8, v19  }
0x21f: {  	v31 =	vmovc v32;
	[tilespmem:s30+$0x20] =	vst v9;
	v6 =	vadd.f32 v20, v13;
	v20 =	vld [tilespmem:$0x1FBB0];
	v2 =	vmul.f32 v10, v23;
	v4 =	vmov v34  }
0x220: {  	s0 =	smov.u32 s1;
	s1 =	smov.u32 s14;
	s14 =	sadd.s32 $0x200, s14;
	v32 =	vmovc v5;
	v34 =	vld [tilespmem:$0x1FB90];
	[tilespmem:$0x1FD00] =	vst v4;
	v1 =	vadd.f32 v1, v18;
	v4 =	vsub.f32 $1.500000000e+00, v15;
	v15 =	vperm.xlane v11, v29  }
0x221: {  	v5 =	vsub.f32 $1.500000000e+00, v16;
	_ =	sdelay $0x1  }
0x222: {  	v3 =	vadd.f32 v14, v3;
	v0 =	vmul.f32 v0, v5  }
0x223: {  	v2 =	vmul.f32 v2, v10;
	v26 =	vld [tilespmem:$0x1FFF0]  }
0x224: {  	v9 =	vperm.xlane v3, v27;
	v14 =	vmul.f32 v0, v62  }
0x225: {  	v13 =	vmul.f32 v56, v21;
	v11 =	vadd.f32 v11, v15;
	v2 =	vsub.f32 $1.500000000e+00, v2  }
0x226: {  	v3 =	vadd.f32 v3, v9;
	v9 =	vmul.f32 v12, v59;
	v14 =	vmul.f32 v14, v0  }
0x227: {  	v15 =	vperm.xlane v54, v29;
	v2 =	vmul.f32 v2, v10  }
0x228: {  	v9 =	vmul.f32 v12, v9;
	v10 =	vsub.f32 $1.500000000e+00, v14;
	v14 =	vperm.xlane v11, v26  }
0x229: {  	v8 =	vld [tilespmem:$0x1FBD0];
	v16 =	vmul.f32 v56, v22;
	v7 =	vsub.f32 $1.500000000e+00, v7;
	v15 =	vadd.f32 v54, v15  }
0x22a: {  	v17 =	vld [tilespmem:$0x1FC10];
	v4 =	vmul.f32 v63, v4;
	v9 =	vsub.f32 $1.500000000e+00, v9;
	v11 =	vadd.f32 v11, v14  }
0x22b: {  	v7 =	vmul.f32 v7, v53;
	v18 =	vperm.xlane v15, v26  }
0x22c: {  	v19 =	vld [tilespmem:$0x1FC00];
	v9 =	vmul.f32 v12, v9;
	v12 =	vshrl.u32 v11, $0x1;
	v11 =	vmul.f32 $5.000000000e-01, v11  }
0x22d: {  	v21 =	vld [tilespmem:$0x1FBE0];
	v5 =	vmul.f32 v56, v20;
	v20 =	vperm.xlane v3, v28;
	v12 =	vsub.s32 $0x5F3759DF, v12  }
0x22e: {  	v8 =	vmul.f32 v56, v8;
	v14 =	vadd.f32 v15, v18;
	v15 =	vld [tilespmem:$0x1FBF0];
	v22 =	vmul.f32 v12, v11  }
0x22f: {  	v17 =	vmul.f32 v60, v17;
	v3 =	vadd.f32 v3, v20;
	v0 =	vmul.f32 v10, v0;
	v18 =	vld [tilespmem:$0x1FC20];
	[tilespmem:s31+$0xFFFFFF80] =	vst v5  }
0x230: {  	[tilespmem:s31+$0xFFFFFFB0] =	vst v8;
	v20 =	vmul.f32 v12, v22;
	v22 =	vshrl.u32 v14, $0x1;
	v14 =	vmul.f32 $5.000000000e-01, v14  }
0x231: {  	v10 =	vmul.f32 v4, v58;
	v23 =	vperm.xlane v3, v29;
	[tilespmem:s31+$0xFFFFFFA0] =	vst v13;
	v22 =	vsub.s32 $0x5F3759DF, v22  }
0x232: {  	v5 =	vperm.xlane v6, v26;
	[tilespmem:s31+$0xFFFFFF90] =	vst v16;
	v24 =	vmul.f32 v22, v14  }
0x233: {  	v16 =	vld [tilespmem:$0x1FC60];
	[tilespmem:s30+$0x0] =	vst v17;
	v10 =	vmul.f32 v10, v4;
	v19 =	vmul.f32 v0, v19  }
0x234: {  	[tilespmem:s30+$0x10] =	vst v57;
	v5 =	vadd.f32 v6, v5;
	v18 =	vmul.f32 v0, v18;
	v6 =	vmul.f32 v22, v24  }
0x235: {  	v10 =	vsub.f32 $1.500000000e+00, v10;
	[tilespmem:s30+$0xFFFFFF20] =	vst v19;
	v15 =	vmul.f32 v0, v15;
	v0 =	vmul.f32 v0, v21  }
0x236: {  	v8 =	vmul.f32 v7, v48;
	v3 =	vadd.f32 v3, v23;
	[tilespmem:s30+$0xFFFFFF30] =	vst v18;
	v6 =	vsub.f32 $1.500000000e+00, v6  }
0x237: {  	v13 =	vperm.xlane v1, v28;
	v4 =	vmul.f32 v10, v4;
	v19 =	vld [tilespmem:$0x1FCD0];
	[tilespmem:s30+$0xFFFFFF10] =	vst v0  }
0x238: {  	v21 =	vsub.s32 $0x5F3759DF, v61;
	v0 =	vld [tilespmem:$0x1FCA0];
	[tilespmem:s30+$0xFFFFFF00] =	vst v15;
	v24 =	vperm.xlane v3, v26;
	v6 =	vmul.f32 v22, v6  }
0x239: {  	v1 =	vadd.f32 v1, v13;
	v10 =	vmul.f32 v21, v55;
	v16 =	vmul.f32 v7, v16;
	v13 =	vld [tilespmem:$0x1FC40]  }
0x23a: {  	[tilespmem:s30+$0xB0] =	vst v8;
	v3 =	vadd.f32 v3, v24;
	v24 =	vmul.f32 v7, v35;
	v14 =	vmul.f32 v6, v14  }
0x23b: {  	v10 =	vmul.f32 v21, v10;
	[tilespmem:s30+$0xA0] =	vst v16;
	v7 =	vmul.f32 v7, v39  }
0x23c: {  	v18 =	vmul.f32 v4, v47;
	v8 =	vmul.f32 v14, v6;
	v14 =	vld [tilespmem:$0x1FC50];
	[tilespmem:s30+$0x90] =	vst v24  }
0x23d: {  	v19 =	vmul.f32 v4, v19;
	[tilespmem:s30+$0x80] =	vst v7  }
0x23e: {  	v10 =	vsub.f32 $1.500000000e+00, v10;
	v13 =	vmul.f32 v2, v13;
	v7 =	vld [tilespmem:$0x1FC30];
	[tilespmem:s0+$0x30] =	vst v18  }
0x23f: {  	[tilespmem:s0+$0x20] =	vst v19  }
0x240: {  	v20 =	vsub.f32 $1.500000000e+00, v20;
	v10 =	vmul.f32 v21, v10;
	[tilespmem:s30+$0xFFFFFF80] =	vst v13  }
0x241: {  	v15 =	vperm.xlane v1, v29;
	v13 =	vld [tilespmem:$0x1FCB0]  }
0x242: {  	v12 =	vmul.f32 v12, v20;
	v20 =	vmul.f32 v10, v55;
	_ =	sdelay $0x1  }
0x243: {  	v1 =	vadd.f32 v1, v15;
	v15 =	vmul.f32 v20, v10  }
0x244: {  	v0 =	vmul.f32 v4, v0;
	v14 =	vmul.f32 v2, v14  }
0x245: {  	v7 =	vmul.f32 v2, v7;
	v4 =	vmul.f32 v4, v13;
	v13 =	vsub.f32 $1.500000000e+00, v15  }
0x246: {  	v2 =	vmul.f32 v2, v30;
	[tilespmem:s30+$0xFFFFFFB0] =	vst v14  }
0x247: {  	[tilespmem:s30+$0xFFFFFFA0] =	vst v7;
	v7 =	vmul.f32 v13, v10  }
0x248: {  	[tilespmem:s30+$0xFFFFFF90] =	vst v2  }
0x249: {  	[tilespmem:s0+$0x0] =	vst v4;
	v4 =	vmul.f32 v7, v40  }
0x24a: {  	v10 =	vld [tilespmem:$0x1FC90];
	[tilespmem:s0+$0x10] =	vst v0  }
0x24b: {  	v11 =	vmul.f32 v12, v11;
	[tilespmem:s0+$0xFFFFFF30] =	vst v4  }
0x24c: {  	v4 =	vld [tilespmem:$0x1FC70]  }
0x24d: {  	v0 =	vmul.f32 v11, v12;
	v11 =	vld [tilespmem:$0x1FC80];
	_ =	sdelay $0x2  }
0x24e: {  	v10 =	vmul.f32 v7, v10  }
0x24f: {  	v23 =	vmul.f32 v9, v59;
	v4 =	vmul.f32 v7, v4  }
0x250: {  	[tilespmem:s0+$0xFFFFFF20] =	vst v10;
	v7 =	vmul.f32 v7, v11  }
0x251: {  	v17 =	vmul.f32 v23, v9;
	[tilespmem:s0+$0xFFFFFF10] =	vst v4  }
0x252: {  	v4 =	vld [tilespmem:$0x1FD10];
	[tilespmem:s0+$0xFFFFFF00] =	vst v7  }
0x253: {  	v8 =	vsub.f32 $1.500000000e+00, v8;
	v14 =	vsub.f32 $1.500000000e+00, v17;
	v7 =	vld [tilespmem:$0x1FD00];
	_ =	sdelay $0x1  }
0x254: {  	v6 =	vmul.f32 v8, v6;
	v8 =	vmul.f32 v14, v9;
	_ =	sdelay $0x1  }
0x255: {  	v0 =	vsub.f32 $1.500000000e+00, v0;
	v11 =	vmul.f32 v8, v34  }
0x256: {  	v7 =	vmul.f32 v8, v7  }
0x257: {  	v0 =	vmul.f32 v0, v12;
	[tilespmem:s0+$0x90] =	vst v11;
	v4 =	vmul.f32 v8, v4  }
0x258: {  	[tilespmem:s0+$0xA0] =	vst v7;
	v7 =	vmul.f32 v8, v45  }
0x259: {  	[tilespmem:s0+$0xB0] =	vst v4;
	v8 =	vmul.f32 v0, v33  }
0x25a: {  	[tilespmem:s0+$0x80] =	vst v7  }
0x25b: {  	[tilespmem:s1+$0x30] =	vst v8  }
0x25c: {  	v8 =	vld [tilespmem:$0x1FCE0]  }
0x25d: {  	v18 =	vperm.xlane v1, v26  }
0x25e: {  	v23 =	vmul.f32 $5.000000000e-01, v5;
	v5 =	vshrl.u32 v5, $0x1  }
0x25f: {  	v5 =	vsub.s32 $0x5F3759DF, v5;
	v1 =	vadd.f32 v1, v18  }
0x260: {  	v9 =	vmul.f32 v5, v23;
	v7 =	vmul.f32 v0, v32  }
0x261: {  	v2 =	vmul.f32 $5.000000000e-01, v1;
	v1 =	vshrl.u32 v1, $0x1;
	v8 =	vmul.f32 v6, v8  }
0x262: {  	v1 =	vsub.s32 $0x5F3759DF, v1;
	v9 =	vmul.f32 v5, v9;
	[tilespmem:s1+$0x20] =	vst v7  }
0x263: {  	v22 =	vmul.f32 $5.000000000e-01, v3;
	v3 =	vshrl.u32 v3, $0x1;
	v10 =	vmul.f32 v1, v2;
	[tilespmem:s0+$0xFFFFFF80] =	vst v8  }
0x264: {  	v3 =	vsub.s32 $0x5F3759DF, v3;
	v9 =	vsub.f32 $1.500000000e+00, v9;
	v8 =	vld [tilespmem:$0x1FCF0]  }
0x265: {  	v16 =	vmul.f32 v3, v22;
	v10 =	vmul.f32 v1, v10  }
0x266: {  	v4 =	vmul.f32 v5, v9  }
0x267: {  	v16 =	vmul.f32 v3, v16;
	v10 =	vsub.f32 $1.500000000e+00, v10  }
0x268: {  	v9 =	vmul.f32 v4, v23;
	v7 =	vmul.f32 v6, v31  }
0x269: {  	v15 =	vsub.f32 $1.500000000e+00, v16;
	v1 =	vmul.f32 v1, v10;
	v10 =	vld [tilespmem:$0x1FCC0];
	v8 =	vmul.f32 v6, v8  }
0x26a: {  	v9 =	vmul.f32 v9, v4;
	[tilespmem:s0+$0xFFFFFFB0] =	vst v7  }
0x26b: {  	v3 =	vmul.f32 v3, v15;
	[tilespmem:s0+$0xFFFFFFA0] =	vst v8  }
0x26c: {  	v9 =	vsub.f32 $1.500000000e+00, v9;
	v8 =	vld [tilespmem:$0x1FD50]  }
0x26d: {  	v5 =	vmul.f32 v3, v22  }
0x26e: {  	v4 =	vmul.f32 v9, v4;
	v6 =	vmul.f32 v6, v10  }
0x26f: {  	v2 =	vmul.f32 v1, v2;
	v7 =	vmul.f32 v0, v49  }
0x270: {  	v5 =	vmul.f32 v5, v3;
	[tilespmem:s0+$0xFFFFFF90] =	vst v6;
	v6 =	vmul.f32 v4, v36  }
0x271: {  	[tilespmem:s1+$0x0] =	vst v7;
	v0 =	vmul.f32 v0, v8  }
0x272: {  	v2 =	vmul.f32 v2, v1;
	v5 =	vsub.f32 $1.500000000e+00, v5;
	v7 =	vld [tilespmem:$0x1FD40];
	[tilespmem:s1+$0xFFFFFF30] =	vst v6  }
0x273: {  	[tilespmem:s1+$0x10] =	vst v0  }
0x274: {  	v2 =	vsub.f32 $1.500000000e+00, v2;
	v0 =	vmul.f32 v5, v3;
	v3 =	vld [tilespmem:$0x1FD20]  }
0x275: {  	v5 =	vld [tilespmem:$0x1FD30]  }
0x276: {  	v1 =	vmul.f32 v2, v1;
	v2 =	vmul.f32 v0, v50  }
0x277: {  	v7 =	vmul.f32 v4, v7  }
0x278: {  	[tilespmem:s1+$0x90] =	vst v2;
	v2 =	vmul.f32 v1, v46  }
0x279: {  	[tilespmem:s1+$0xFFFFFF20] =	vst v7;
	v3 =	vmul.f32 v4, v3  }
0x27a: {  	v4 =	vmul.f32 v4, v5;
	[tilespmem:s1+$0xFFFFFF80] =	vst v2  }
0x27b: {  	v2 =	vmul.f32 v1, v41;
	[tilespmem:s1+$0xFFFFFF10] =	vst v3  }
0x27c: {  	v3 =	vmul.f32 v0, v38;
	[tilespmem:s1+$0xFFFFFF00] =	vst v4  }
0x27d: {  	v4 =	vmul.f32 v0, v25;
	v0 =	vmul.f32 v0, v51;
	[tilespmem:s1+$0xFFFFFFA0] =	vst v2  }
0x27e: {  	[tilespmem:s1+$0xB0] =	vst v3  }
0x27f: {  	s14 =	sadd.s32 s8, s28;
	[tilespmem:s1+$0x80] =	vst v0;
	v0 =	vmul.f32 v1, v43  }
0x280: {  	s0 =	smul.u32 $0x1500, s14;
	[tilespmem:s1+$0xA0] =	vst v4;
	v1 =	vmul.f32 v1, v37  }
0x281: {  	[tilespmem:s1+$0xFFFFFFB0] =	vst v0  }
0x282: {  	p1 =	seq.s32 s26, $0x1E;
	s0 =	sadd.s32 s5, s0;
	[tilespmem:s1+$0xFFFFFF90] =	vst v1  }
0x283: {  	[hbm4b:s0+s2] =	stream.linear.scatter [tilespmem:s16], [sflag:$0x5], $0xA800, $0x38;
	[tilespmem:$0x1F800] =	vst v63  }
0x284: {  	s1 =	sadd.s32 @!p1 s10, s28;
	s0 =	simm.s32 @!p1 $0x4  }
0x285: {  	s1 =	smul.u32 @!p1 $0x1500, s1;
	_ =	swait.ge @!p1 [sflag:s0], $0xA800  }
0x286: {  	[sflag:s0] =	ssyncset.done @!p1 $0x0  }
0x287: {  	[sflag:s0] =	ssyncadd.s32 @!p1 $0xFFFF5800;
	s0 =	sadd.s32 @!p1 s4, s1;
	s1 =	simm.s32 @!p1 $0x0  }
0x288: {  	[tilespmem:s1], [sflag:$0x1] =	stream.linear.gather @!p1 [hbm4b:s0+s1], $0xA800, $0x38;
	[tilespmem:$0x1F800] =	vst v63  }
0x289: {  	_ =	swait.ge [sflag:s20], $0xA800  }
0x28a: {  	[sflag:s20] =	ssyncset.done $0x0  }
0x28b: {  	s31 =	simm.s32 $0x15100;
	[sflag:s20] =	ssyncadd.s32 $0xFFFF5800  }
0x28c: {  	v47 =	vld [tilespmem:s31+$0xFFFFFF10]  }
0x28d: {  	v37 =	vld [tilespmem:s31+$0x0]  }
0x28e: {  	v36 =	vld [tilespmem:s31+$0x10]  }
0x28f: {  	v45 =	vld [tilespmem:s31+$0x20]  }
0x290: {  	v43 =	vld [tilespmem:s31+$0xFFFFFF00]  }
0x291: {  	v51 =	vld [tilespmem:s31+$0xFFFFFF20]  }
0x292: {  	v46 =	vld [tilespmem:s31+$0x30]  }
0x293: {  	v0 =	vmul.f32 v36, v36;
	v1 =	vmul.f32 v37, v37  }
0x294: {  	v60 =	vld [tilespmem:s31+$0xFFFFFF30];
	v2 =	vmul.f32 v47, v47  }
0x295: {  	v22 =	vld [tilespmem:s31+$0xFFFFFF90];
	v3 =	vmul.f32 v43, v43;
	v0 =	vadd.f32 v0, v1;
	v1 =	vmul.f32 v45, v45  }
0x296: {  	v23 =	vld [tilespmem:s31+$0x90];
	v4 =	vmul.f32 v51, v51  }
0x297: {  	v8 =	vld [tilespmem:s31+$0xFFFFFFB0];
	v5 =	vmul.f32 v46, v46;
	v2 =	vadd.f32 v2, v3;
	v0 =	vadd.f32 v1, v0  }
0x298: {  	v49 =	vld [tilespmem:s31+$0x80]  }
0x299: {  	v20 =	vld [tilespmem:s31+$0xFFFFFF80];
	v1 =	vmul.f32 v60, v60;
	v2 =	vadd.f32 v4, v2;
	v0 =	vadd.f32 v5, v0  }
0x29a: {  	v21 =	vld [tilespmem:s31+$0xFFFFFFA0]  }
0x29b: {  	v58 =	vld [tilespmem:s31+$0xA0];
	v1 =	vadd.f32 v1, v2;
	v2 =	vperm.xlane v0, v27  }
0x29c: {  	s30 =	simm.s32 $0x15300;
	v52 =	vld [tilespmem:s31+$0xB0];
	[tilespmem:$0x1F9A0] =	vst v8  }
0x29d: {  	v10 =	vld [tilespmem:s30+$0x10];
	v3 =	vperm.xlane v1, v27;
	v0 =	vadd.f32 v0, v2  }
0x29e: {  	v7 =	vmul.f32 v49, v49;
	v2 =	vmul.f32 v23, v23  }
0x29f: {  	v9 =	vld [tilespmem:s30+$0xFFFFFF20];
	v1 =	vadd.f32 v1, v3;
	v3 =	vperm.xlane v0, v28  }
0x2a0: {  	v30 =	vld [tilespmem:s30+$0x0];
	v2 =	vadd.f32 v2, v7;
	v7 =	vmul.f32 v58, v58  }
0x2a1: {  	v0 =	vadd.f32 v0, v3;
	v3 =	vmul.f32 v8, v8;
	v8 =	vld [tilespmem:s30+$0xFFFFFF10]  }
0x2a2: {  	v4 =	vmul.f32 v22, v22;
	v5 =	vmul.f32 v20, v20;
	v2 =	vadd.f32 v7, v2;
	v7 =	vld [tilespmem:s30+$0xFFFFFF00];
	[tilespmem:$0x1FB60] =	vst v10  }
0x2a3: {  	v12 =	vld [tilespmem:s30+$0x20]  }
0x2a4: {  	v6 =	vmul.f32 v21, v21;
	v4 =	vadd.f32 v4, v5;
	v5 =	vperm.xlane v1, v28;
	_ =	sdelay $0x1  }
0x2a5: {  	v4 =	vadd.f32 v6, v4;
	v1 =	vadd.f32 v1, v5;
	v5 =	vperm.xlane v0, v29  }
0x2a6: {  	v6 =	vmul.f32 v52, v52  }
0x2a7: {  	v11 =	vld [tilespmem:s30+$0xFFFFFF30];
	v3 =	vadd.f32 v3, v4;
	v4 =	vperm.xlane v1, v29;
	v0 =	vadd.f32 v0, v5;
	[tilespmem:$0x1FB50] =	vst v12  }
0x2a8: {  	v2 =	vadd.f32 v6, v2;
	v18 =	vld [tilespmem:s30+$0x30]  }
0x2a9: {  	v1 =	vadd.f32 v1, v4;
	v4 =	vperm.xlane v0, v26  }
0x2aa: {  	v6 =	vperm.xlane v2, v27  }
0x2ab: {  	v5 =	vperm.xlane v3, v27;
	[tilespmem:$0x1F9B0] =	vst v8;
	v0 =	vadd.f32 v0, v4  }
0x2ac: {  	v2 =	vadd.f32 v2, v6;
	v6 =	vmul.f32 v7, v7;
	[tilespmem:$0x1F9C0] =	vst v7;
	v4 =	vmul.f32 v8, v8  }
0x2ad: {  	v3 =	vadd.f32 v3, v5;
	v5 =	vperm.xlane v1, v26;
	v7 =	vshrl.u32 v0, $0x1;
	[tilespmem:$0x1FB40] =	vst v18  }
0x2ae: {  	v8 =	vmul.f32 $5.000000000e-01, v0;
	v0 =	vmul.f32 v9, v9;
	v4 =	vadd.f32 v4, v6;
	v13 =	vld [tilespmem:s30+$0xFFFFFF90];
	[tilespmem:$0x1F9D0] =	vst v9  }
0x2af: {  	v6 =	vmul.f32 v10, v10;
	v9 =	vmul.f32 v30, v30;
	v15 =	vld [tilespmem:s30+$0x90]  }
0x2b0: {  	v1 =	vadd.f32 v1, v5;
	v10 =	vperm.xlane v2, v28;
	v0 =	vadd.f32 v0, v4;
	v35 =	vld [tilespmem:s30+$0xFFFFFF80];
	[tilespmem:$0x1F9E0] =	vst v11  }
0x2b1: {  	v11 =	vmul.f32 v11, v11;
	v16 =	vld [tilespmem:s30+$0xFFFFFFA0];
	v4 =	vadd.f32 v6, v9;
	v6 =	vmul.f32 v12, v12  }
0x2b2: {  	v7 =	vsub.s32 $0x5F3759DF, v7;
	v2 =	vadd.f32 v2, v10;
	v9 =	vperm.xlane v3, v28;
	v17 =	vld [tilespmem:s30+$0x80]  }
0x2b3: {  	v10 =	vmul.f32 v18, v18;
	v14 =	vld [tilespmem:s30+$0xFFFFFFB0];
	v0 =	vadd.f32 v11, v0;
	v4 =	vadd.f32 v6, v4;
	[tilespmem:$0x1FA00] =	vst v13  }
0x2b4: {  	v12 =	vmul.f32 v7, v8;
	v11 =	vperm.xlane v2, v29;
	v3 =	vadd.f32 v3, v9;
	[tilespmem:$0x1F9F0] =	vst v15  }
0x2b5: {  	v6 =	vmul.f32 v13, v13;
	v13 =	vperm.xlane v0, v27;
	v4 =	vadd.f32 v10, v4;
	v18 =	vld [tilespmem:s30+$0xA0]  }
0x2b6: {  	v2 =	vadd.f32 v2, v11;
	v5 =	vmul.f32 v15, v15;
	v10 =	vmul.f32 v35, v35;
	[tilespmem:$0x1FA10] =	vst v16  }
0x2b7: {  	v9 =	vmul.f32 v16, v16;
	v0 =	vadd.f32 v0, v13;
	v16 =	vld [tilespmem:s30+$0xB0];
	v11 =	vperm.xlane v4, v27  }
0x2b8: {  	v13 =	vmul.f32 v14, v14;
	v6 =	vadd.f32 v6, v10;
	v10 =	vmul.f32 v17, v17  }
0x2b9: {  	[tilespmem:$0x1FA20] =	vst v14;
	v14 =	vperm.xlane v2, v26;
	v15 =	vperm.xlane v0, v28;
	v4 =	vadd.f32 v4, v11  }
0x2ba: {  	[tilespmem:$0x1FA30] =	vst v17;
	v6 =	vadd.f32 v9, v6;
	v5 =	vadd.f32 v5, v10;
	v9 =	vmul.f32 v18, v18  }
0x2bb: {  	v2 =	vadd.f32 v2, v14;
	v0 =	vadd.f32 v0, v15;
	[tilespmem:$0x1FA40] =	vst v18;
	v10 =	vperm.xlane v4, v28  }
0x2bc: {  	s0 =	simm.s32 $0x15500;
	v6 =	vadd.f32 v13, v6;
	[tilespmem:$0x1FA50] =	vst v16;
	v11 =	vmul.f32 v16, v16;
	v5 =	vadd.f32 v9, v5  }
0x2bd: {  	v9 =	vmul.f32 v7, v12;
	v12 =	vperm.xlane v0, v29;
	v4 =	vadd.f32 v4, v10;
	v19 =	vld [tilespmem:s0+$0xFFFFFF30]  }
0x2be: {  	v10 =	vshrl.u32 v2, $0x1;
	v13 =	vperm.xlane v6, v27;
	v15 =	vld [tilespmem:s0+$0xFFFFFF10];
	v5 =	vadd.f32 v11, v5  }
0x2bf: {  	v39 =	vld [tilespmem:s0+$0x30];
	v2 =	vmul.f32 $5.000000000e-01, v2;
	v0 =	vadd.f32 v0, v12;
	v11 =	vperm.xlane v4, v29  }
0x2c0: {  	v17 =	vld [tilespmem:s0+$0xFFFFFF00];
	v10 =	vsub.s32 $0x5F3759DF, v10;
	v9 =	vsub.f32 $1.500000000e+00, v9;
	v12 =	vperm.xlane v5, v27  }
0x2c1: {  	v16 =	vld [tilespmem:s0+$0xFFFFFF20];
	v6 =	vadd.f32 v6, v13;
	v13 =	vperm.xlane v0, v26;
	v4 =	vadd.f32 v4, v11  }
0x2c2: {  	v33 =	vld [tilespmem:s0+$0x90];
	v7 =	vmul.f32 v7, v9;
	v9 =	vperm.xlane v3, v29;
	[tilespmem:$0x1FA60] =	vst v19;
	v5 =	vadd.f32 v5, v12  }
0x2c3: {  	v59 =	vadd.f32 v0, v13;
	v11 =	vperm.xlane v4, v26;
	v12 =	vmul.f32 v10, v2;
	v24 =	vld [tilespmem:s0+$0x0];
	[tilespmem:$0x1FA70] =	vst v15  }
0x2c4: {  	v13 =	vperm.xlane v6, v28;
	v3 =	vadd.f32 v3, v9;
	v9 =	vmul.f32 v15, v15;
	v25 =	vld [tilespmem:s0+$0x10]  }
0x2c5: {  	v8 =	vmul.f32 v7, v8;
	v15 =	vmul.f32 v17, v17;
	v0 =	vld [tilespmem:s0+$0xFFFFFF90]  }
0x2c6: {  	v31 =	vld [tilespmem:s0+$0x20];
	[tilespmem:$0x1FA80] =	vst v17;
	v17 =	vmul.f32 v19, v19;
	v14 =	vperm.xlane v5, v28  }
0x2c7: {  	v4 =	vadd.f32 v4, v11;
	v11 =	vmul.f32 v10, v12;
	v12 =	vperm.xlane v3, v26  }
0x2c8: {  	v18 =	vld [tilespmem:s0+$0xFFFFFF80];
	[tilespmem:$0x1FA90] =	vst v16;
	v16 =	vmul.f32 v16, v16;
	v9 =	vadd.f32 v9, v15;
	v6 =	vadd.f32 v6, v13  }
0x2c9: {  	v8 =	vmul.f32 v8, v7;
	v5 =	vadd.f32 v5, v14;
	v11 =	vsub.f32 $1.500000000e+00, v11  }
0x2ca: {  	v19 =	vld [tilespmem:s0+$0xFFFFFFA0];
	v14 =	vmul.f32 v33, v33;
	v3 =	vadd.f32 v3, v12;
	v12 =	vmul.f32 v39, v39;
	[tilespmem:$0x1FAB0] =	vst v24  }
0x2cb: {  	v9 =	vadd.f32 v16, v9;
	v13 =	vmul.f32 v24, v24;
	v10 =	vmul.f32 v10, v11;
	[tilespmem:$0x1FAA0] =	vst v25  }
0x2cc: {  	v11 =	vmul.f32 v25, v25;
	[tilespmem:$0x1FAC0] =	vst v0;
	v15 =	vmul.f32 v0, v0  }
0x2cd: {  	v24 =	vshrl.u32 v3, $0x1;
	[tilespmem:$0x1FAD0] =	vst v31;
	v9 =	vadd.f32 v17, v9;
	v3 =	vmul.f32 $5.000000000e-01, v3  }
0x2ce: {  	v40 =	vld [tilespmem:s0+$0x80];
	v17 =	vmul.f32 v18, v18;
	v11 =	vadd.f32 v11, v13;
	v13 =	vmul.f32 v31, v31  }
0x2cf: {  	v8 =	vsub.f32 $1.500000000e+00, v8;
	v25 =	vperm.xlane v5, v29;
	v16 =	vsub.s32 $0x5F3759DF, v24;
	[tilespmem:$0x1FAE0] =	vst v18  }
0x2d0: {  	[tilespmem:$0x1FAF0] =	vst v19;
	v15 =	vadd.f32 v15, v17;
	v17 =	vmul.f32 v16, v3;
	v11 =	vadd.f32 v13, v11  }
0x2d1: {  	v7 =	vmul.f32 v8, v7;
	v5 =	vadd.f32 v5, v25;
	v0 =	vld [tilespmem:s0+$0xFFFFFFB0];
	v13 =	vmul.f32 v19, v19  }
0x2d2: {  	v31 =	vperm.xlane v9, v27;
	v48 =	vld [tilespmem:s0+$0xA0];
	v8 =	vmul.f32 v16, v17;
	v11 =	vadd.f32 v12, v11  }
0x2d3: {  	v12 =	vperm.xlane v5, v26;
	v13 =	vadd.f32 v13, v15;
	v15 =	vmul.f32 v40, v40  }
0x2d4: {  	v9 =	vadd.f32 v9, v31;
	v8 =	vsub.f32 $1.500000000e+00, v8  }
0x2d5: {  	v53 =	vperm.xlane v11, v27;
	v5 =	vadd.f32 v5, v12;
	v12 =	vadd.f32 v14, v15  }
0x2d6: {  	v14 =	vperm.xlane v9, v28;
	v15 =	vshrl.u32 v1, $0x1;
	v1 =	vmul.f32 $5.000000000e-01, v1  }
0x2d7: {  	v31 =	vmov v0;
	v54 =	vmul.f32 v48, v48;
	v8 =	vmul.f32 v16, v8  }
0x2d8: {  	v16 =	vmul.f32 v31, v31;
	v15 =	vsub.s32 $0x5F3759DF, v15;
	v11 =	vadd.f32 v11, v53  }
0x2d9: {  	v0 =	vld [tilespmem:s0+$0xB0];
	v9 =	vadd.f32 v9, v14;
	v14 =	vshrl.u32 v4, $0x1;
	v4 =	vmul.f32 $5.000000000e-01, v4  }
0x2da: {  	v14 =	vsub.s32 $0x5F3759DF, v14;
	v13 =	vadd.f32 v16, v13;
	v16 =	vmul.f32 v15, v1  }
0x2db: {  	v3 =	vmul.f32 v8, v3;
	v17 =	vmul.f32 v14, v4  }
0x2dc: {  	v42 =	vperm.xlane v11, v28;
	v55 =	vperm.xlane v9, v29  }
0x2dd: {  	v16 =	vmul.f32 v15, v16;
	v56 =	vperm.xlane v13, v27  }
0x2de: {  	v12 =	vadd.f32 v54, v12;
	v57 =	vmul.f32 v0, v0;
	v3 =	vmul.f32 v3, v8  }
0x2df: {  	v17 =	vmul.f32 v14, v17;
	v11 =	vadd.f32 v11, v42;
	v16 =	vsub.f32 $1.500000000e+00, v16  }
0x2e0: {  	v9 =	vadd.f32 v9, v55;
	v55 =	vmul.f32 v7, v46;
	v12 =	vadd.f32 v57, v12  }
0x2e1: {  	v3 =	vsub.f32 $1.500000000e+00, v3;
	v61 =	vperm.xlane v11, v29;
	v15 =	vmul.f32 v15, v16  }
0x2e2: {  	v17 =	vsub.f32 $1.500000000e+00, v17;
	v16 =	vmul.f32 v10, v2;
	v62 =	vperm.xlane v12, v27  }
0x2e3: {  	v13 =	vadd.f32 v13, v56;
	v2 =	vmul.f32 v7, v37;
	v56 =	vmul.f32 v3, v8  }
0x2e4: {  	v14 =	vmul.f32 v14, v17;
	v17 =	vperm.xlane v9, v26  }
0x2e5: {  	v11 =	vadd.f32 v11, v61;
	v61 =	vmul.f32 v7, v36;
	v1 =	vmul.f32 v15, v1  }
0x2e6: {  	s1 =	simm.s32 $0x15700;
	[tilespmem:$0x1FB00] =	vst v0;
	v57 =	vadd.f32 v9, v17;
	v17 =	vmul.f32 $5.000000000e-01, v5;
	v5 =	vshrl.u32 v5, $0x1  }
0x2e7: {  	v0 =	vld [tilespmem:s1+$0xFFFFFF10];
	v3 =	vmul.f32 v16, v10;
	v63 =	vperm.xlane v11, v26;
	v5 =	vsub.s32 $0x5F3759DF, v5  }
0x2e8: {  	v42 =	vld [tilespmem:s1+$0x0];
	v12 =	vadd.f32 v12, v62;
	v1 =	vmul.f32 v1, v15;
	v34 =	vmul.f32 v5, v17  }
0x2e9: {  	v9 =	vld [tilespmem:s1+$0xFFFFFF00];
	v4 =	vmul.f32 v14, v4;
	v3 =	vsub.f32 $1.500000000e+00, v3;
	v62 =	vadd.f32 v11, v63  }
0x2ea: {  	v63 =	vmul.f32 v7, v45;
	v7 =	vld [tilespmem:s1+$0xFFFFFF20];
	v1 =	vsub.f32 $1.500000000e+00, v1;
	v38 =	vmul.f32 v5, v34  }
0x2eb: {  	v44 =	vperm.xlane v6, v29;
	v37 =	vld [tilespmem:s1+$0xFFFFFF30];
	v3 =	vmul.f32 v3, v10  }
0x2ec: {  	v45 =	vld [tilespmem:s1+$0xFFFFFF90];
	v4 =	vmul.f32 v4, v14;
	v1 =	vmul.f32 v1, v15;
	v8 =	vsub.f32 $1.500000000e+00, v38  }
0x2ed: {  	v6 =	vadd.f32 v6, v44;
	v11 =	vld [tilespmem:s1+$0x10];
	[tilespmem:$0x1FB10] =	vst v0;
	v15 =	vperm.xlane v12, v28;
	v52 =	vmul.f32 v3, v52  }
0x2ee: {  	v46 =	vld [tilespmem:s1+$0xFFFFFF80];
	v4 =	vsub.f32 $1.500000000e+00, v4;
	[tilespmem:$0x1FB20] =	vst v9;
	v53 =	vmul.f32 v5, v8;
	v5 =	vperm.xlane v13, v28  }
0x2ef: {  	v32 =	vld [tilespmem:s1+$0x20];
	[tilespmem:$0x1FB30] =	vst v7;
	v8 =	vadd.f32 v12, v15;
	v12 =	vmul.f32 v0, v0;
	v15 =	vmul.f32 v9, v9  }
0x2f0: {  	[tilespmem:s31+$0x0] =	vst v2;
	v2 =	vmul.f32 v3, v23;
	v54 =	vadd.f32 v13, v5;
	v5 =	vperm.xlane v6, v26  }
0x2f1: {  	v44 =	vld [tilespmem:s1+$0xFFFFFFA0];
	v10 =	vadd.f32 v12, v15;
	v12 =	vmul.f32 v7, v7;
	v13 =	vperm.xlane v8, v29  }
0x2f2: {  	v34 =	vld [tilespmem:s1+$0x30];
	v15 =	vmul.f32 v42, v42;
	v5 =	vadd.f32 v6, v5;
	v6 =	vmul.f32 v11, v11  }
0x2f3: {  	v8 =	vadd.f32 v8, v13;
	v10 =	vadd.f32 v12, v10;
	v12 =	vmul.f32 v37, v37  }
0x2f4: {  	v13 =	vmul.f32 v45, v45;
	v6 =	vadd.f32 v6, v15;
	v15 =	vmul.f32 v46, v46  }
0x2f5: {  	v7 =	vmul.f32 v1, v51;
	v51 =	vld [tilespmem:s1+$0x80];
	v10 =	vadd.f32 v12, v10;
	v12 =	vmul.f32 v32, v32  }
0x2f6: {  	v38 =	vmovc v11;
	v16 =	vmul.f32 v44, v44;
	v13 =	vadd.f32 v13, v15;
	v15 =	vmul.f32 v1, v43;
	v43 =	vld [tilespmem:s1+$0xFFFFFFB0]  }
0x2f7: {  	v50 =	vld [tilespmem:s1+$0x90];
	[tilespmem:s31+$0x30] =	vst v55;
	v11 =	vmul.f32 v1, v47;
	v6 =	vadd.f32 v12, v6;
	v12 =	vmul.f32 v34, v34  }
0x2f8: {  	[tilespmem:s31+$0x20] =	vst v63;
	v9 =	vmul.f32 $5.000000000e-01, v5;
	v0 =	vperm.xlane v8, v26;
	v13 =	vadd.f32 v16, v13  }
0x2f9: {  	[tilespmem:s31+$0x10] =	vst v61;
	v16 =	vmul.f32 v1, v60;
	v6 =	vadd.f32 v12, v6;
	v12 =	vshrl.u32 v5, $0x1  }
0x2fa: {  	[tilespmem:s31+$0xB0] =	vst v52;
	v60 =	vmul.f32 v4, v14;
	v4 =	vsub.s32 $0x5F3759DF, v12;
	v12 =	vperm.xlane v10, v27  }
0x2fb: {  	[tilespmem:s31+$0x90] =	vst v2;
	v26 =	vld [tilespmem:s1+$0xA0];
	v8 =	vadd.f32 v8, v0;
	v1 =	vmul.f32 v51, v51;
	v0 =	vmul.f32 v43, v43  }
0x2fc: {  	[tilespmem:s31+$0xFFFFFF20] =	vst v7;
	v14 =	vmul.f32 v4, v9;
	v10 =	vadd.f32 v10, v12;
	v12 =	vmul.f32 v50, v50  }
0x2fd: {  	[tilespmem:s31+$0xFFFFFF10] =	vst v11;
	v13 =	vadd.f32 v0, v13  }
0x2fe: {  	[tilespmem:s31+$0xFFFFFF00] =	vst v15;
	v0 =	vmul.f32 v4, v14;
	v1 =	vadd.f32 v12, v1;
	v12 =	vmul.f32 v3, v58  }
0x2ff: {  	[tilespmem:s31+$0xFFFFFF30] =	vst v16;
	v14 =	vperm.xlane v6, v27;
	v47 =	vperm.xlane v10, v28  }
0x300: {  	v5 =	vmul.f32 v3, v49;
	v63 =	vmul.f32 v26, v26;
	v0 =	vsub.f32 $1.500000000e+00, v0;
	[tilespmem:s31+$0xA0] =	vst v12  }
0x301: {  	v58 =	vmul.f32 $5.000000000e-01, v62;
	v6 =	vadd.f32 v6, v14;
	v14 =	vadd.f32 v10, v47;
	v2 =	vld [tilespmem:$0x1FB40]  }
0x302: {  	v3 =	vadd.f32 v63, v1;
	v1 =	vshrl.u32 v59, $0x1;
	v10 =	vmul.f32 v4, v0  }
0x303: {  	v0 =	vshrl.u32 v62, $0x1;
	v62 =	vmul.f32 $5.000000000e-01, v59;
	v4 =	vperm.xlane v6, v28  }
0x304: {  	v63 =	vsub.s32 $0x5F3759DF, v0;
	v0 =	vsub.s32 $0x5F3759DF, v1  }
0x305: {  	v11 =	vadd.f32 v6, v4;
	v4 =	vmul.f32 v0, v62  }
0x306: {  	v41 =	vld [tilespmem:s1+$0xB0];
	[tilespmem:s31+$0x80] =	vst v5;
	v2 =	vmul.f32 v60, v2  }
0x307: {  	v16 =	vmul.f32 v0, v4;
	v4 =	vld [tilespmem:$0x1FB50]  }
0x308: {  	v55 =	vmul.f32 $5.000000000e-01, v57;
	[tilespmem:s30+$0x30] =	vst v2  }
0x309: {  	v61 =	vshrl.u32 v57, $0x1;
	v1 =	vperm.xlane v13, v27;
	v7 =	vmul.f32 v63, v58;
	v2 =	vld [tilespmem:$0x1FB60]  }
0x30a: {  	v5 =	vshrl.u32 v8, $0x1;
	v59 =	vmul.f32 $5.000000000e-01, v8;
	v6 =	vperm.xlane v14, v29  }
0x30b: {  	v1 =	vadd.f32 v13, v1;
	v13 =	vmul.f32 v63, v7;
	v7 =	vmul.f32 v53, v17  }
0x30c: {  	v6 =	vadd.f32 v14, v6;
	v14 =	vmul.f32 v41, v41;
	v4 =	vmul.f32 v60, v4  }
0x30d: {  	v12 =	vsub.s32 $0x5F3759DF, v5;
	v15 =	vperm.xlane v11, v29;
	v7 =	vmul.f32 v7, v53  }
0x30e: {  	s13 =	simm.s32 $0xC;
	s14 =	simm.s32 $0x15900;
	[tilespmem:s30+$0x20] =	vst v4;
	v4 =	vsub.f32 $1.500000000e+00, v13;
	v57 =	vmul.f32 v60, v2;
	v2 =	vmul.f32 v10, v9  }
.LBB2_7:
0x30f: {  	v5 =	vadd.f32 v14, v3;
	v3 =	vld [tilespmem:$0x1F9F0];
	_ =	sdelay $0x2  }
0x310: {  	v23 =	vld [tilespmem:$0x1FAC0]  }
0x311: {  	v18 =	vld [tilespmem:$0x1FAE0];
	v14 =	vmul.f32 v56, v20  }
0x312: {  	v8 =	vmov v3;
	v3 =	vmov v33;
	v33 =	vld [tilespmem:$0x1FFF0]  }
0x313: {  	v15 =	vadd.f32 v11, v15;
	v11 =	vperm.xlane v5, v27;
	[tilespmem:s31+$0xFFFFFF80] =	vst v14;
	v14 =	vld [tilespmem:$0x1F9A0]  }
0x314: {  	v9 =	vld [tilespmem:$0x1FA30]  }
0x315: {  	v20 =	vadd.f32 v5, v11;
	v5 =	vmov v23;
	v23 =	vld [tilespmem:$0x1FAF0]  }
0x316: {  	v16 =	vsub.f32 $1.500000000e+00, v16;
	v25 =	vmul.f32 v56, v21  }
0x317: {  	v4 =	vmul.f32 v63, v4;
	v17 =	vperm.xlane v6, v33  }
0x318: {  	v0 =	vmul.f32 v0, v16;
	v36 =	vmov v18;
	v14 =	vmul.f32 v56, v14  }
0x319: {  	[tilespmem:$0x1F9F0] =	vst v3;
	v3 =	vmovc v9;
	v9 =	vmovc v40;
	v40 =	vmov v32;
	v32 =	vmov v48;
	v17 =	vadd.f32 v6, v17  }
0x31a: {  	v18 =	vld [tilespmem:s14+$0xFFFFFF90];
	v48 =	vmovc v39;
	v39 =	vmul.f32 v12, v59;
	v16 =	vmov v23;
	[tilespmem:s31+$0xFFFFFFB0] =	vst v14;
	v14 =	vperm.xlane v54, v29  }
0x31b: {  	v11 =	vld [tilespmem:$0x1FA10];
	v23 =	vmovc v44;
	[tilespmem:$0x1FA10] =	vst v16;
	v21 =	vshrl.u32 v17, $0x1;
	v16 =	vmul.f32 $5.000000000e-01, v17;
	v17 =	vperm.xlane v20, v28  }
0x31c: {  	v13 =	vld [tilespmem:s14+$0xFFFFFF10];
	v24 =	vmovc v45;
	[tilespmem:$0x1FAF0] =	vst v23;
	v23 =	vadd.f32 v54, v14;
	v14 =	vmul.f32 v0, v62;
	v62 =	vmov v55  }
0x31d: {  	v20 =	vadd.f32 v20, v17;
	v17 =	vmul.f32 v60, v30;
	v55 =	vmovc v16;
	v16 =	vmul.f32 v12, v39;
	v30 =	vld [tilespmem:$0x1FA80]  }
0x31e: {  	v63 =	vmul.f32 v2, v10;
	v2 =	vmov v35;
	[tilespmem:$0x1FAC0] =	vst v24;
	v24 =	vld [tilespmem:s14+$0xFFFFFF00];
	v6 =	vperm.xlane v15, v33  }
0x31f: {  	v19 =	vmov v46;
	v46 =	vperm.xlane v1, v28;
	[tilespmem:$0x1F980] =	vst v2;
	v2 =	vld [tilespmem:s14+$0x30];
	v16 =	vsub.f32 $1.500000000e+00, v16  }
0x320: {  	[tilespmem:$0x1F960] =	vst v3;
	v3 =	vmovc v51;
	v51 =	vmul.f32 v56, v22;
	v56 =	vsub.f32 $1.500000000e+00, v63;
	v15 =	vadd.f32 v15, v6;
	v6 =	vld [tilespmem:$0x1FA00]  }
0x321: {  	v54 =	vadd.f32 v1, v46;
	v1 =	vmul.f32 v14, v0;
	v12 =	vmul.f32 v12, v16;
	v16 =	vld [tilespmem:$0x1F9C0]  }
0x322: {  	[tilespmem:s31+$0xFFFFFFA0] =	vst v25;
	v56 =	vmul.f32 v56, v10;
	v10 =	vmov v31;
	v31 =	vmov v30;
	v30 =	vld [tilespmem:$0x1FB20]  }
0x323: {  	[tilespmem:$0x1FA00] =	vst v5;
	v5 =	vld [tilespmem:s14+$0x20];
	v1 =	vsub.f32 $1.500000000e+00, v1  }
0x324: {  	[tilespmem:s31+$0xFFFFFF90] =	vst v51;
	s31 =	smov.u32 s30;
	v60 =	vld [tilespmem:s14+$0x0]  }
0x325: {  	v29 =	vperm.xlane v23, v33;
	[tilespmem:s31+$0x0] =	vst v17;
	v17 =	vld [tilespmem:$0x1FAB0];
	v1 =	vmul.f32 v1, v0  }
0x326: {  	v0 =	vld [tilespmem:$0x1FAA0]  }
0x327: {  	v7 =	vsub.f32 $1.500000000e+00, v7;
	v23 =	vadd.f32 v23, v29;
	v29 =	vmul.f32 v1, v16;
	v16 =	vmovc v30  }
0x328: {  	v22 =	vmul.f32 v13, v13;
	v47 =	vshrl.u32 v15, $0x1;
	[tilespmem:$0x1FA80] =	vst v16;
	v16 =	vmul.f32 v24, v24;
	_ =	sdelay $0x1  }
0x329: {  	[tilespmem:$0x1F9C0] =	vst v31;
	v31 =	vmul.f32 v7, v53;
	v7 =	vadd.f32 v22, v16;
	v22 =	vld [tilespmem:$0x1FA60]  }
0x32a: {  	v63 =	vsub.s32 $0x5F3759DF, v47;
	v47 =	vmovc v17;
	v17 =	vmov v0;
	v0 =	vmov v38  }
0x32b: {  	v15 =	vmul.f32 $5.000000000e-01, v15;
	_ =	sdelay $0x1  }
0x32c: {  	v49 =	vmul.f32 v63, v15;
	[tilespmem:$0x1FAA0] =	vst v0;
	v0 =	vmov v24  }
0x32d: {  	[tilespmem:$0x1FB20] =	vst v0;
	v0 =	vsub.s32 $0x5F3759DF, v61;
	v61 =	vmov v21;
	v21 =	vmov v22;
	v22 =	vld [tilespmem:$0x1F9D0]  }
0x32e: {  	v25 =	vmul.f32 v4, v58;
	v58 =	vmov v15;
	v15 =	vmul.f32 v63, v49;
	v49 =	vld [tilespmem:s14+$0x10]  }
0x32f: {  	v16 =	vld [tilespmem:$0x1F9E0]  }
0x330: {  	[tilespmem:s31+$0x10] =	vst v57;
	v57 =	vld [tilespmem:$0x1FA90];
	_ =	sdelay $0x1  }
0x331: {  	[tilespmem:$0x1FAE0] =	vst v19;
	v19 =	vld [tilespmem:s14+$0xFFFFFF20];
	v38 =	vshrl.u32 v23, $0x1;
	v22 =	vmul.f32 v1, v22  }
0x332: {  	[tilespmem:$0x1F990] =	vst v3;
	v3 =	vmov v11;
	v11 =	vld [tilespmem:s14+$0xFFFFFF30]  }
0x333: {  	v16 =	vmul.f32 v1, v16;
	[tilespmem:s31+$0xFFFFFF20] =	vst v22;
	v22 =	vld [tilespmem:$0x1F9B0]  }
0x334: {  	v53 =	vmov v12;
	v12 =	vld [tilespmem:$0x1FFE0];
	v30 =	vsub.s32 $0x5F3759DF, v38;
	v38 =	vmov v57  }
0x335: {  	v27 =	vmov v42;
	[tilespmem:$0x1F9D0] =	vst v38;
	v38 =	vld [tilespmem:$0x1FB30]  }
0x336: {  	v46 =	vld [tilespmem:s14+$0xFFFFFF80];
	[tilespmem:$0x1FAB0] =	vst v27  }
0x337: {  	v27 =	vld [tilespmem:$0x1FA20];
	v42 =	vmov v60;
	[tilespmem:s31+$0xFFFFFF30] =	vst v16;
	v16 =	vmov v37  }
0x338: {  	[tilespmem:$0x1FA60] =	vst v16;
	v16 =	vmul.f32 v60, v42;
	v60 =	vmul.f32 v1, v22;
	v22 =	vld [tilespmem:$0x1FA70]  }
0x339: {  	[tilespmem:$0x1F970] =	vst v34;
	v34 =	vmov v50;
	v50 =	vld [tilespmem:s14+$0x90]  }
0x33a: {  	[tilespmem:$0x1FA30] =	vst v9;
	v44 =	vld [tilespmem:s14+$0xFFFFFFA0];
	v12 =	vperm.xlane v20, v12;
	v57 =	vmov v38  }
0x33b: {  	v45 =	vmov v18;
	v39 =	vmov v43;
	v43 =	vld [tilespmem:s14+$0xFFFFFFB0];
	[tilespmem:$0x1FA90] =	vst v57;
	v57 =	vmul.f32 v49, v49  }
0x33c: {  	v18 =	vmul.f32 v18, v45;
	v28 =	vmovc v27;
	v27 =	vmul.f32 v19, v19;
	v12 =	vadd.f32 v20, v12  }
0x33d: {  	[tilespmem:$0x1FA20] =	vst v10;
	v20 =	vmul.f32 v46, v46;
	v38 =	vmovc v49;
	v49 =	vmov v22;
	v22 =	vadd.f32 v57, v16;
	v57 =	vld [tilespmem:$0x1FB00]  }
0x33e: {  	v52 =	vmov v26;
	v26 =	vmul.f32 v50, v50;
	v1 =	vmov v13;
	[tilespmem:$0x1F9B0] =	vst v49;
	v49 =	vld [tilespmem:$0x1FB10]  }
0x33f: {  	v10 =	vmul.f32 v11, v11;
	v7 =	vadd.f32 v27, v7;
	[tilespmem:$0x1FB10] =	vst v1;
	v1 =	vadd.f32 v18, v20;
	v18 =	vld [tilespmem:$0x1FA50]  }
0x340: {  	v9 =	vld [tilespmem:s14+$0xB0];
	v24 =	vmul.f32 v44, v44;
	[tilespmem:$0x1F9E0] =	vst v21;
	v21 =	vmul.f32 v43, v43  }
0x341: {  	v8 =	vmul.f32 v31, v8;
	v27 =	vld [tilespmem:$0x1FFC0];
	v10 =	vadd.f32 v10, v7;
	v7 =	vmul.f32 v5, v5  }
0x342: {  	v25 =	vmul.f32 v25, v4;
	v51 =	vld [tilespmem:s14+$0x80];
	v35 =	vmovc v6;
	v19 =	vmov v19;
	[tilespmem:$0x1F9A0] =	vst v28;
	v1 =	vadd.f32 v24, v1  }
0x343: {  	v6 =	vld [tilespmem:s14+$0xA0];
	v28 =	vmul.f32 v2, v2;
	[tilespmem:s31+$0x90] =	vst v8;
	v13 =	vperm.xlane v12, v33;
	v7 =	vadd.f32 v7, v22  }
0x344: {  	[tilespmem:$0x1FB30] =	vst v19;
	v20 =	vmovc v57;
	v1 =	vadd.f32 v21, v1;
	v21 =	vmov v3;
	v3 =	vld [tilespmem:$0x1F960];
	v18 =	vmul.f32 v31, v18  }
0x345: {  	v14 =	vmul.f32 v9, v9;
	v19 =	vmul.f32 v0, v62;
	v13 =	vadd.f32 v12, v13;
	[tilespmem:$0x1FA50] =	vst v20  }
0x346: {  	v23 =	vmul.f32 $5.000000000e-01, v23;
	v12 =	vmovc v41;
	v24 =	vld [tilespmem:$0x1FA40];
	v20 =	vperm.xlane v10, v27;
	[tilespmem:s31+$0xB0] =	vst v18;
	v18 =	vadd.f32 v28, v7  }
0x347: {  	v16 =	vmul.f32 v0, v19;
	[tilespmem:$0x1FB00] =	vst v12;
	v12 =	vmul.f32 v51, v51  }
0x348: {  	[tilespmem:s31+$0xFFFFFF00] =	vst v29;
	v19 =	vmul.f32 v30, v23;
	v28 =	vld [tilespmem:$0x1FFD0];
	v10 =	vadd.f32 v10, v20;
	v20 =	vperm.xlane v18, v27  }
0x349: {  	v41 =	vmovc v9;
	v9 =	vadd.f32 v26, v12;
	v12 =	vmul.f32 v6, v6;
	v3 =	vmul.f32 v31, v3  }
0x34a: {  	v25 =	vsub.f32 $1.500000000e+00, v25;
	v33 =	vmovc v34;
	[tilespmem:s31+$0xFFFFFF10] =	vst v60;
	v60 =	vmul.f32 v53, v59;
	v8 =	vadd.f32 v18, v20;
	v20 =	vld [tilespmem:$0x1F970]  }
0x34b: {  	v19 =	vmul.f32 v30, v19;
	v24 =	vmul.f32 v31, v24;
	[tilespmem:s31+$0x80] =	vst v3;
	v3 =	vadd.f32 v12, v9;
	v9 =	vld [tilespmem:$0x1FAD0]  }
0x34c: {  	v29 =	vld [tilespmem:$0x1FFE0];
	v34 =	vmovc v2;
	v2 =	vmovc v40;
	v37 =	vmov v49;
	v7 =	vmul.f32 v60, v53;
	v60 =	vmul.f32 v25, v4  }
0x34d: {  	s13 =	sadd.s32 $0x4, s13;
	v59 =	vmul.f32 $5.000000000e-01, v13;
	v26 =	vmovc v6;
	v22 =	vmovc v35;
	v35 =	vmov v36;
	[tilespmem:$0x1FA70] =	vst v37;
	v4 =	vperm.xlane v10, v28  }
0x34e: {  	p2 =	slt.u32 s13, $0x14C;
	[tilespmem:s31+$0xA0] =	vst v24;
	v31 =	vmovc v39;
	v24 =	vshrl.u32 v13, $0x1;
	v57 =	vmul.f32 v60, v17;
	v18 =	vmul.f32 v60, v48  }
.Ltmp4:
0x34f: {  	s30 =	smov.u32 s0;
	[tilespmem:$0x1FAD0] =	vst v2;
	v39 =	vmovc v20;
	v20 =	vadd.f32 v10, v4;
	v10 =	vsub.f32 $1.500000000e+00, v19;
	v19 =	vperm.xlane v8, v28;
	(pc) =	sbr.rel @p2 .LBB2_7-.Ltmp4, $4  }
0x350: {  	v37 =	vmovc v11;
	v12 =	vsub.s32 $0x5F3759DF, v24;
	[tilespmem:s30+$0x30] =	vst v18;
	v18 =	vperm.xlane v1, v27;
	v9 =	vmul.f32 v60, v9  }
0x351: {  	v4 =	vmovc v32;
	v13 =	vperm.xlane v20, v29;
	v11 =	vadd.f32 v8, v19;
	v10 =	vmul.f32 v30, v10  }
0x352: {  	v40 =	vld [tilespmem:$0x1F990];
	v48 =	vmovc v52;
	v1 =	vadd.f32 v1, v18;
	v32 =	vmovc v5;
	[tilespmem:$0x1FA40] =	vst v4;
	v4 =	vsub.f32 $1.500000000e+00, v15;
	v30 =	vmov v47  }
0x353: {  	s0 =	smov.u32 s1;
	s1 =	smov.u32 s14;
	s14 =	sadd.s32 $0x200, s14;
	[tilespmem:s30+$0x20] =	vst v9;
	v6 =	vadd.f32 v20, v13;
	v20 =	vld [tilespmem:$0x1F980];
	v15 =	vperm.xlane v11, v29;
	v2 =	vmul.f32 v10, v23  }
0x354: {  	v4 =	vmul.f32 v63, v4  }
0x355: {  	v5 =	vsub.f32 $1.500000000e+00, v16;
	v49 =	vmul.f32 v12, v59;
	v52 =	vperm.xlane v54, v29  }
0x356: {  	v3 =	vadd.f32 v14, v3;
	v13 =	vld [tilespmem:$0x1F9A0];
	v16 =	vmul.f32 v56, v22;
	v17 =	vmul.f32 v60, v30  }
0x357: {  	v7 =	vsub.f32 $1.500000000e+00, v7;
	v30 =	vld [tilespmem:$0x1FFF0];
	v2 =	vmul.f32 v2, v10;
	v0 =	vmul.f32 v0, v5  }
0x358: {  	v36 =	vld [tilespmem:$0x1F9C0];
	v11 =	vadd.f32 v11, v15;
	v15 =	vmul.f32 v56, v21;
	v9 =	vperm.xlane v3, v27  }
0x359: {  	v47 =	vld [tilespmem:$0x1F9E0];
	v14 =	vmul.f32 v12, v49;
	v8 =	vmul.f32 v0, v62  }
0x35a: {  	v18 =	vld [tilespmem:$0x1F9D0];
	v7 =	vmul.f32 v7, v53;
	v5 =	vmul.f32 v56, v20  }
0x35b: {  	v19 =	vld [tilespmem:$0x1F9B0];
	v2 =	vsub.f32 $1.500000000e+00, v2;
	[tilespmem:s31+$0xFFFFFFA0] =	vst v15;
	v13 =	vmul.f32 v56, v13;
	v8 =	vmul.f32 v8, v0  }
0x35c: {  	v53 =	vsub.s32 $0x5F3759DF, v61;
	v3 =	vadd.f32 v3, v9;
	v9 =	vadd.f32 v54, v52;
	[tilespmem:s31+$0xFFFFFF80] =	vst v5  }
0x35d: {  	v63 =	vmul.f32 v4, v58;
	v25 =	vmul.f32 v53, v55;
	[tilespmem:s31+$0xFFFFFFB0] =	vst v13;
	v8 =	vsub.f32 $1.500000000e+00, v8  }
0x35e: {  	v54 =	vsub.f32 $1.500000000e+00, v14;
	v2 =	vmul.f32 v2, v10;
	v62 =	vperm.xlane v9, v30;
	v15 =	vld [tilespmem:$0x1FA50]  }
0x35f: {  	v56 =	vperm.xlane v11, v30;
	v61 =	vld [tilespmem:$0x1FA40];
	[tilespmem:s31+$0xFFFFFF90] =	vst v16;
	v0 =	vmul.f32 v8, v0  }
0x360: {  	v10 =	vmul.f32 v12, v54;
	v60 =	vperm.xlane v3, v28;
	v9 =	vadd.f32 v9, v62;
	v16 =	vld [tilespmem:$0x1F9F0]  }
0x361: {  	v12 =	vmul.f32 v63, v4;
	v62 =	vld [tilespmem:$0x1FA30];
	[tilespmem:s30+$0x0] =	vst v17;
	v8 =	vadd.f32 v11, v56;
	v11 =	vmul.f32 v0, v47  }
0x362: {  	[tilespmem:s30+$0x10] =	vst v57;
	v52 =	vshrl.u32 v9, $0x1;
	v9 =	vmul.f32 $5.000000000e-01, v9;
	v18 =	vmul.f32 v0, v18  }
0x363: {  	v14 =	vmul.f32 v0, v36;
	v0 =	vmul.f32 v0, v19;
	[tilespmem:s30+$0xFFFFFF30] =	vst v11  }
0x364: {  	v3 =	vadd.f32 v3, v60;
	v60 =	vmul.f32 v53, v25;
	v20 =	vsub.s32 $0x5F3759DF, v52;
	[tilespmem:s30+$0xFFFFFF20] =	vst v18  }
0x365: {  	v12 =	vsub.f32 $1.500000000e+00, v12;
	v23 =	vmul.f32 v20, v9;
	v15 =	vmul.f32 v7, v15;
	[tilespmem:s30+$0xFFFFFF10] =	vst v0  }
0x366: {  	v49 =	vshrl.u32 v8, $0x1;
	v8 =	vmul.f32 $5.000000000e-01, v8;
	v22 =	vmul.f32 v7, v61;
	v0 =	vld [tilespmem:$0x1FAD0];
	[tilespmem:s30+$0xFFFFFF00] =	vst v14  }
0x367: {  	v19 =	vsub.s32 $0x5F3759DF, v49;
	v56 =	vmul.f32 v20, v23;
	v16 =	vmul.f32 v7, v16;
	[tilespmem:s30+$0xB0] =	vst v15  }
0x368: {  	v54 =	vmul.f32 v19, v8;
	v7 =	vmul.f32 v7, v62;
	v15 =	vld [tilespmem:$0x1FA20];
	[tilespmem:s30+$0xA0] =	vst v22  }
0x369: {  	v4 =	vmul.f32 v12, v4;
	v13 =	vsub.f32 $1.500000000e+00, v60;
	v5 =	vsub.f32 $1.500000000e+00, v56;
	v56 =	vld [tilespmem:$0x1FA10];
	[tilespmem:s30+$0x90] =	vst v16  }
0x36a: {  	v58 =	vmul.f32 v19, v54;
	v16 =	vld [tilespmem:$0x1FA00];
	[tilespmem:s30+$0x80] =	vst v7  }
0x36b: {  	v47 =	vmul.f32 v53, v13;
	v53 =	vmul.f32 v4, v39;
	v7 =	vld [tilespmem:$0x1FAA0]  }
0x36c: {  	v54 =	vmul.f32 v2, v35;
	v12 =	vsub.f32 $1.500000000e+00, v58;
	v58 =	vld [tilespmem:$0x1FAB0]  }
0x36d: {  	[tilespmem:s0+$0x30] =	vst v53;
	v0 =	vmul.f32 v4, v0  }
0x36e: {  	[tilespmem:s30+$0xFFFFFF80] =	vst v54;
	v15 =	vmul.f32 v2, v15  }
0x36f: {  	v13 =	vmul.f32 v2, v56;
	[tilespmem:s0+$0x20] =	vst v0  }
0x370: {  	v55 =	vmul.f32 v47, v55;
	v2 =	vmul.f32 v2, v16;
	[tilespmem:s30+$0xFFFFFFB0] =	vst v15  }
0x371: {  	v7 =	vmul.f32 v4, v7;
	v4 =	vmul.f32 v4, v58;
	[tilespmem:s30+$0xFFFFFFA0] =	vst v13  }
0x372: {  	[tilespmem:s30+$0xFFFFFF90] =	vst v2  }
0x373: {  	v17 =	vmul.f32 v55, v47;
	v2 =	vld [tilespmem:$0x1FA80];
	[tilespmem:s0+$0x0] =	vst v4  }
0x374: {  	v5 =	vmul.f32 v20, v5;
	v4 =	vld [tilespmem:$0x1FA60];
	[tilespmem:s0+$0x10] =	vst v7  }
0x375: {  	v17 =	vsub.f32 $1.500000000e+00, v17;
	v7 =	vld [tilespmem:$0x1FA90]  }
0x376: {  	v9 =	vmul.f32 v5, v9;
	v13 =	vld [tilespmem:$0x1FA70]  }
0x377: {  	v52 =	vmul.f32 v10, v59;
	v60 =	vmul.f32 v17, v47  }
0x378: {  	v12 =	vmul.f32 v19, v12;
	v9 =	vmul.f32 v9, v5  }
0x379: {  	v59 =	vmul.f32 v52, v10;
	v4 =	vmul.f32 v60, v4  }
0x37a: {  	v8 =	vmul.f32 v12, v8;
	v9 =	vsub.f32 $1.500000000e+00, v9;
	v7 =	vmul.f32 v60, v7  }
0x37b: {  	v24 =	vperm.xlane v3, v29;
	v0 =	vmul.f32 v60, v13;
	[tilespmem:s0+$0xFFFFFF30] =	vst v4  }
0x37c: {  	v8 =	vmul.f32 v8, v12;
	v5 =	vmul.f32 v9, v5;
	v9 =	vsub.f32 $1.500000000e+00, v59;
	[tilespmem:s0+$0xFFFFFF20] =	vst v7  }
0x37d: {  	v63 =	vperm.xlane v6, v30;
	v3 =	vadd.f32 v3, v24;
	[tilespmem:s0+$0xFFFFFF10] =	vst v0  }
0x37e: {  	v36 =	vperm.xlane v1, v28;
	v8 =	vsub.f32 $1.500000000e+00, v8;
	v9 =	vmul.f32 v9, v10;
	v22 =	vld [tilespmem:$0x1FB00]  }
0x37f: {  	v6 =	vadd.f32 v6, v63;
	v49 =	vperm.xlane v3, v30;
	v2 =	vmul.f32 v60, v2  }
0x380: {  	v1 =	vadd.f32 v1, v36;
	v19 =	vmul.f32 v8, v12;
	v35 =	vmul.f32 v9, v48  }
0x381: {  	v62 =	vmul.f32 $5.000000000e-01, v6;
	v36 =	vmul.f32 v9, v33;
	[tilespmem:s0+$0xFFFFFF00] =	vst v2  }
0x382: {  	v6 =	vshrl.u32 v6, $0x1;
	v57 =	vperm.xlane v1, v29;
	v39 =	vmul.f32 v19, v34;
	[tilespmem:s0+$0xA0] =	vst v35  }
0x383: {  	v6 =	vsub.s32 $0x5F3759DF, v6;
	[tilespmem:s0+$0x90] =	vst v36;
	v8 =	vmul.f32 v9, v22  }
0x384: {  	v3 =	vadd.f32 v3, v49;
	v1 =	vadd.f32 v1, v57;
	[tilespmem:s1+$0x30] =	vst v39;
	v9 =	vmul.f32 v9, v40  }
0x385: {  	v17 =	vmul.f32 v6, v62;
	[tilespmem:s0+$0xB0] =	vst v8  }
0x386: {  	v61 =	vshrl.u32 v3, $0x1;
	v3 =	vmul.f32 $5.000000000e-01, v3;
	v16 =	vperm.xlane v1, v30;
	[tilespmem:s0+$0x80] =	vst v9  }
0x387: {  	v11 =	vsub.s32 $0x5F3759DF, v61;
	v10 =	vmul.f32 v6, v17;
	v8 =	vld [tilespmem:$0x1FAE0]  }
0x388: {  	v63 =	vmul.f32 v11, v3;
	v1 =	vadd.f32 v1, v16  }
0x389: {  	v10 =	vsub.f32 $1.500000000e+00, v10  }
0x38a: {  	v18 =	vmul.f32 v11, v63;
	v20 =	vshrl.u32 v1, $0x1;
	v1 =	vmul.f32 $5.000000000e-01, v1  }
0x38b: {  	v21 =	vsub.s32 $0x5F3759DF, v20;
	v6 =	vmul.f32 v6, v10;
	v40 =	vmul.f32 v19, v32  }
0x38c: {  	v23 =	vmul.f32 v21, v1;
	v4 =	vsub.f32 $1.500000000e+00, v18;
	v8 =	vmul.f32 v5, v8  }
0x38d: {  	v10 =	vmul.f32 v6, v62;
	[tilespmem:s1+$0x20] =	vst v40  }
0x38e: {  	v2 =	vmul.f32 v21, v23;
	v4 =	vmul.f32 v11, v4;
	[tilespmem:s0+$0xFFFFFF80] =	vst v8  }
0x38f: {  	v10 =	vmul.f32 v10, v6;
	v48 =	vld [tilespmem:$0x1FAF0]  }
0x390: {  	v2 =	vsub.f32 $1.500000000e+00, v2;
	v3 =	vmul.f32 v4, v3;
	v52 =	vld [tilespmem:$0x1FAC0]  }
0x391: {  	v47 =	vmul.f32 v5, v31;
	v54 =	vmul.f32 v19, v42;
	v49 =	vsub.f32 $1.500000000e+00, v10  }
0x392: {  	v0 =	vmul.f32 v21, v2;
	v3 =	vmul.f32 v3, v4  }
0x393: {  	v7 =	vmul.f32 v19, v38;
	v53 =	vmul.f32 v49, v6;
	[tilespmem:s0+$0xFFFFFFB0] =	vst v47  }
0x394: {  	v3 =	vsub.f32 $1.500000000e+00, v3;
	v1 =	vmul.f32 v0, v1;
	[tilespmem:s1+$0x0] =	vst v54;
	v2 =	vmul.f32 v5, v48  }
0x395: {  	v55 =	vmul.f32 v53, v37;
	[tilespmem:s1+$0x10] =	vst v7;
	v5 =	vmul.f32 v5, v52  }
0x396: {  	v3 =	vmul.f32 v3, v4;
	v1 =	vmul.f32 v1, v0;
	[tilespmem:s0+$0xFFFFFFA0] =	vst v2  }
0x397: {  	[tilespmem:s0+$0xFFFFFF90] =	vst v5  }
0x398: {  	v1 =	vsub.f32 $1.500000000e+00, v1;
	v57 =	vmul.f32 v3, v41;
	v56 =	vld [tilespmem:$0x1FB30];
	[tilespmem:s1+$0xFFFFFF30] =	vst v55  }
0x399: {  	v58 =	vmul.f32 v3, v26;
	v5 =	vld [tilespmem:$0x1FB10]  }
0x39a: {  	v59 =	vmul.f32 v3, v50;
	v0 =	vmul.f32 v1, v0;
	v6 =	vld [tilespmem:$0x1FB20];
	[tilespmem:s1+$0xB0] =	vst v57  }
0x39b: {  	v60 =	vmul.f32 v3, v51;
	[tilespmem:s1+$0xA0] =	vst v58  }
0x39c: {  	v61 =	vmul.f32 v0, v46;
	[tilespmem:s1+$0x90] =	vst v59  }
0x39d: {  	v62 =	vmul.f32 v0, v43;
	[tilespmem:s1+$0x80] =	vst v60  }
0x39e: {  	v63 =	vmul.f32 v0, v44;
	[tilespmem:s1+$0xFFFFFF80] =	vst v61  }
0x39f: {  	v0 =	vmul.f32 v0, v45;
	[tilespmem:s1+$0xFFFFFFB0] =	vst v62  }
0x3a0: {  	[tilespmem:s1+$0xFFFFFFA0] =	vst v63;
	v4 =	vmul.f32 v53, v56  }
.Ltmp5:
0x3a1: {  	s31 =	sor.u32 s3, s29;
	[tilespmem:s1+$0xFFFFFF90] =	vst v0;
	v5 =	vmul.f32 v53, v5;
	(pc) =	sbr.rel @p1 .LBB2_10-.Ltmp5, $4  }
0x3a2: {  	s0 =	smul.u32 $0x1500, s31;
	v2 =	vmul.f32 v53, v6;
	[tilespmem:s1+$0xFFFFFF20] =	vst v4  }
0x3a3: {  	[tilespmem:s1+$0xFFFFFF10] =	vst v5  }
0x3a4: {  	s0 =	sadd.s32 s5, s0;
	[tilespmem:s1+$0xFFFFFF00] =	vst v2  }
0x3a5: {  	[hbm4b:s0+s2] =	stream.linear.scatter [tilespmem:s18], [sflag:$0x6], $0xA800, $0x38;
	[tilespmem:$0x1F800] =	vst v63  }
.Ltmp6:
0x3a6: {  	s0 =	sadd.s32 s11, s28;
	(pc) =	sbr.rel .LBB2_2-.Ltmp6, $4  }
0x3a7: {  	_ =	swait.ge [sflag:s22], $0xA800;
	s0 =	smul.u32 $0x1500, s0  }
0x3a8: {  	[sflag:s22] =	ssyncset.done $0x0  }
0x3a9: {  	s26 =	sadd.s32 $0x1, s26;
	[sflag:s22] =	ssyncadd.s32 $0xFFFF5800;
	s0 =	sadd.s32 s4, s0  }
0x3aa: {  	[tilespmem:s16], [sflag:$0x2] =	stream.linear.gather [hbm4b:s0+s2], $0xA800, $0x38;
	[tilespmem:$0x1F800] =	vst v63  }
.LBB2_10:
0x3ab: {  	_ =	swait.ge [sflag:s21], $0xA800  }
0x3ac: {  	[sflag:s21] =	ssyncset.done $0x0  }
0x3ad: {  	[sflag:s21] =	ssyncadd.s32 $0xFFFF5800  }
0x3ae: {  	_ =	swait.ge [sflag:s22], $0xA800  }
.Ltmp7:
0x3af: {  	[sflag:s22] =	ssyncset.done $0x0;
	(pc) =	sbr.rel @p0 .LBB2_14-.Ltmp7, $4  }
0x3b0: {  	[sflag:s22] =	ssyncadd.s32 $0xFFFF5800  }
0x3b1: {  	_ =	swait.ge [sflag:s23], $0xA800  }
0x3b2: {  	[sflag:s23] =	ssyncset.done $0x0  }
0x3b3: {  	[sflag:s23] =	ssyncadd.s32 $0xFFFF5800  }
0x3b4: {  	s1 =	simm.s32 $0x0;
	s0 =	rddreg [dreg:$0x2]  }
0x3b5: {  	[tilespmem:s1], [sflag:$0x7] =	stream.linear.gather [hbm4b:s0+s1], $0x400, $0x38;
	[tilespmem:$0x1F800] =	vst v63  }
0x3b6: {  	_ =	swait.ge [sflag:s24], $0x400  }
0x3b7: {  	[sflag:s24] =	ssyncset.done $0x0  }
0x3b8: {  	p1 =	por $0x1, $0x1;
	[sflag:s24] =	ssyncadd.s32 $0xFFFFFC00  }
.LBB2_12:
0x3b9: {  	s0 =	sshll.u32 s1, $0x7  }
0x3ba: {  	s0 =	sand.u32 $0x3FFFFF80, s0  }
0x3bb: {  	v0 =	vld [tilespmem:s0+$0x0]  }
0x3bc: {  	v1 =	vld [tilespmem:s0+$0x10]  }
0x3bd: {  	v3 =	vld [tilespmem:s0+$0x80]  }
0x3be: {  	v4 =	vld [tilespmem:s0+$0x90]  }
0x3bf: {  	v2 =	vld [tilespmem:s0+$0x20]  }
0x3c0: {  	v8 =	vld [tilespmem:s0+$0xA0]  }
0x3c1: {  	v5 =	vld [tilespmem:s0+$0x30]  }
0x3c2: {  	s13 =	sor.u32 $0x3, s1;
	v9 =	vld [tilespmem:s0+$0xB0];
	v6 =	vmul.f32 v0, v0;
	v7 =	vmul.f32 v1, v1  }
0x3c3: {  	s1 =	sshll.u32 s13, $0x7;
	v12 =	vld [tilespmem:s0+$0x100];
	v10 =	vmul.f32 v3, v3;
	v11 =	vmul.f32 v4, v4  }
0x3c4: {  	v13 =	vld [tilespmem:s0+$0x110];
	s1 =	sand.u32 $0x3FFFFF80, s1;
	v51 =	vmul.f32 v2, v2;
	v6 =	vadd.f32 v7, v6  }
0x3c5: {  	v14 =	vld [tilespmem:s1+$0x0];
	v53 =	vmul.f32 v8, v8;
	v10 =	vadd.f32 v11, v10  }
0x3c6: {  	v16 =	vld [tilespmem:s1+$0x10];
	v52 =	vmul.f32 v5, v5;
	v6 =	vadd.f32 v51, v6  }
0x3c7: {  	v54 =	vmul.f32 v9, v9;
	v7 =	vld [tilespmem:s0+$0x120];
	v10 =	vadd.f32 v53, v10  }
0x3c8: {  	v18 =	vld [tilespmem:s1+$0x20];
	v6 =	vadd.f32 v52, v6  }
0x3c9: {  	v55 =	vmul.f32 v12, v12;
	v17 =	vmul.f32 v13, v13;
	v11 =	vld [tilespmem:s0+$0x130];
	v10 =	vadd.f32 v54, v10  }
0x3ca: {  	v21 =	vld [tilespmem:s1+$0x30];
	v57 =	vmul.f32 v14, v14;
	v15 =	vperm.xlane v6, v27  }
0x3cb: {  	v22 =	vmul.f32 v16, v16;
	v19 =	vperm.xlane v10, v27  }
0x3cc: {  	v56 =	vmul.f32 v7, v7;
	v6 =	vadd.f32 v6, v15;
	v15 =	vadd.f32 v17, v55  }
0x3cd: {  	v60 =	vmul.f32 v18, v18;
	v10 =	vadd.f32 v10, v19;
	v19 =	vadd.f32 v22, v57  }
0x3ce: {  	v58 =	vmul.f32 v11, v11;
	v20 =	vperm.xlane v6, v28;
	v15 =	vadd.f32 v56, v15  }
0x3cf: {  	v62 =	vmul.f32 v21, v21;
	v59 =	vperm.xlane v10, v28;
	v61 =	vadd.f32 v60, v19  }
0x3d0: {  	v6 =	vadd.f32 v6, v20;
	v15 =	vadd.f32 v58, v15  }
0x3d1: {  	v10 =	vadd.f32 v10, v59;
	v17 =	vadd.f32 v62, v61  }
0x3d2: {  	v23 =	vperm.xlane v6, v29;
	v63 =	vperm.xlane v15, v27  }
0x3d3: {  	v32 =	vperm.xlane v10, v29;
	v34 =	vperm.xlane v17, v27  }
0x3d4: {  	v6 =	vadd.f32 v6, v23;
	v15 =	vadd.f32 v15, v63  }
0x3d5: {  	v10 =	vadd.f32 v10, v32;
	v17 =	vadd.f32 v17, v34  }
0x3d6: {  	v33 =	vperm.xlane v6, v30;
	v35 =	vperm.xlane v15, v28  }
0x3d7: {  	v36 =	vperm.xlane v10, v30;
	v38 =	vperm.xlane v17, v28  }
0x3d8: {  	v6 =	vadd.f32 v6, v33;
	v15 =	vadd.f32 v15, v35  }
0x3d9: {  	v10 =	vadd.f32 v10, v36;
	v17 =	vadd.f32 v17, v38  }
0x3da: {  	v37 =	vshrl.u32 v6, $0x1;
	v6 =	vmul.f32 $5.000000000e-01, v6;
	v22 =	vperm.xlane v15, v29  }
0x3db: {  	v39 =	vshrl.u32 v10, $0x1;
	v10 =	vmul.f32 $5.000000000e-01, v10;
	v20 =	vsub.s32 $0x5F3759DF, v37  }
0x3dc: {  	v23 =	vsub.s32 $0x5F3759DF, v39;
	v40 =	vmul.f32 v20, v6;
	v15 =	vadd.f32 v15, v22  }
0x3dd: {  	v24 =	vperm.xlane v17, v29;
	v41 =	vmul.f32 v23, v10  }
0x3de: {  	v19 =	vmul.f32 v20, v40;
	v25 =	vperm.xlane v15, v30  }
0x3df: {  	v17 =	vadd.f32 v17, v24;
	v22 =	vmul.f32 v23, v41  }
0x3e0: {  	v19 =	vsub.f32 $1.500000000e+00, v19;
	v15 =	vadd.f32 v15, v25  }
0x3e1: {  	v24 =	vperm.xlane v17, v30;
	v22 =	vsub.f32 $1.500000000e+00, v22  }
0x3e2: {  	v19 =	vmul.f32 v20, v19;
	v42 =	vshrl.u32 v15, $0x1;
	v15 =	vmul.f32 $5.000000000e-01, v15  }
0x3e3: {  	v17 =	vadd.f32 v17, v24;
	v22 =	vmul.f32 v23, v22;
	v20 =	vsub.s32 $0x5F3759DF, v42  }
0x3e4: {  	v6 =	vmul.f32 v19, v6;
	v43 =	vmul.f32 v20, v15  }
0x3e5: {  	v24 =	vshrl.u32 v17, $0x1;
	v17 =	vmul.f32 $5.000000000e-01, v17;
	v10 =	vmul.f32 v22, v10  }
0x3e6: {  	v24 =	vsub.s32 $0x5F3759DF, v24;
	v6 =	vmul.f32 v6, v19;
	v23 =	vmul.f32 v20, v43  }
0x3e7: {  	v25 =	vmul.f32 v24, v17;
	v10 =	vmul.f32 v10, v22  }
0x3e8: {  	v6 =	vsub.f32 $1.500000000e+00, v6;
	v23 =	vsub.f32 $1.500000000e+00, v23  }
0x3e9: {  	v25 =	vmul.f32 v24, v25;
	v10 =	vsub.f32 $1.500000000e+00, v10  }
0x3ea: {  	v6 =	vmul.f32 v6, v19;
	v44 =	vmul.f32 v20, v23  }
0x3eb: {  	v45 =	vsub.f32 $1.500000000e+00, v25;
	v10 =	vmul.f32 v10, v22  }
0x3ec: {  	v0 =	vmul.f32 v6, v0;
	v15 =	vmul.f32 v44, v15  }
0x3ed: {  	v20 =	vmul.f32 v24, v45;
	v1 =	vmul.f32 v6, v1  }
0x3ee: {  	v46 =	vmul.f32 v6, v2;
	[tilespmem:s0+$0x0] =	vst v0;
	v47 =	vmul.f32 v15, v44  }
0x3ef: {  	v48 =	vmul.f32 v6, v5;
	v49 =	vmul.f32 v20, v17;
	[tilespmem:s0+$0x10] =	vst v1  }
0x3f0: {  	v50 =	vmul.f32 v10, v3;
	[tilespmem:s0+$0x20] =	vst v46;
	v2 =	vsub.f32 $1.500000000e+00, v47  }
0x3f1: {  	v51 =	vmul.f32 v10, v4;
	[tilespmem:s0+$0x30] =	vst v48;
	v52 =	vmul.f32 v49, v20  }
0x3f2: {  	v54 =	vmul.f32 v10, v8;
	[tilespmem:s0+$0x80] =	vst v50;
	v53 =	vmul.f32 v2, v44  }
0x3f3: {  	v55 =	vmul.f32 v10, v9;
	[tilespmem:s0+$0x90] =	vst v51;
	v3 =	vsub.f32 $1.500000000e+00, v52  }
0x3f4: {  	[tilespmem:s0+$0xA0] =	vst v54;
	v56 =	vmul.f32 v53, v12  }
0x3f5: {  	s13 =	sor.u32 s9, s13;
	[tilespmem:s0+$0xB0] =	vst v55;
	v57 =	vmul.f32 v3, v20;
	v58 =	vmul.f32 v53, v13  }
0x3f6: {  	p2 =	seq.s32 s13, $0xF423F;
	v59 =	vmul.f32 v53, v7;
	[tilespmem:s0+$0x100] =	vst v56  }
0x3f7: {  	v0 =	vmul.f32 v53, v11;
	v1 =	vpsel p2, $0x3F800000, v57;
	[tilespmem:s0+$0x110] =	vst v58  }
0x3f8: {  	p2 =	por p1, p1;
	v60 =	vmul.f32 v1, v14;
	[tilespmem:s0+$0x120] =	vst v59  }
.Ltmp8:
0x3f9: {  	v61 =	vmul.f32 v1, v16;
	[tilespmem:s0+$0x130] =	vst v0;
	(pc) =	sbr.rel @p2 .LBB2_12-.Ltmp8, $4  }
0x3fa: {  	v62 =	vmul.f32 v1, v18;
	[tilespmem:s1+$0x0] =	vst v60  }
0x3fb: {  	v63 =	vmul.f32 v1, v21;
	[tilespmem:s1+$0x10] =	vst v61  }
0x3fc: {  	[tilespmem:s1+$0x20] =	vst v62  }
0x3fd: {  	p1 =	por $0x0, $0x0;
	[tilespmem:s1+$0x30] =	vst v63;
	s1 =	simm.s32 $0x4  }
.Ltmp9:
0x3fe: {  	s0 =	rddreg [dreg:$0x3];
	(pc) =	sbr.rel .LBB2_14-.Ltmp9, $4  }
0x3ff: {  	[hbm4b:s0+s2] =	stream.linear.scatter [tilespmem:s2], [sflag:$0x7], $0x400, $0x38;
	[tilespmem:$0x1F800] =	vst v63  }
0x400: {  	_ =	swait.ge [sflag:s24], $0x400  }
0x401: {  	[sflag:s24] =	ssyncset.done $0x0  }
0x402: {  	[sflag:s24] =	ssyncadd.s32 $0xFFFFFC00  }
.LBB2_15:
0x403: {  	_ =	sfence.sel $0x180000  }
0x404: {  	[bflag:$0x0] =	sbarrier.arrive $0xFFFF  }
0x405: {  	_ =	strace $0x90000047  }
0x406: {  	s0 =	stileid.u32;
	[bflag:$0x2] =	sbarrier.arrive $0xFFFF  }
0x407: {  	p0 =	sne.s32 s0, $0x0;
	s0 =	rddreg [dreg:$0x1]  }
0x408: {  	s0 =	sadd.s32 @!p0 $0x100000, s0  }
0x409: {  	[sflag:s0] =	ssyncadd.tile.s32 @!p0 $0x1;
	_ =	shalt  }
.Lfunc_end2:
_tile_overlayer_lowered:
.L_overlay_start_2:
0x40a: {  	(tag) =	ssettag $0x2  }
0x40b: {  	s0 =	rddreg [dreg:$0x0];
	s2 =	stileid.u32  }
0x40c: {  	s1 =	rddreg [dreg:$0x1];
	p0 =	sne.s32 s2, $0x0  }
0x40d: {  	s3 =	rddreg [dreg:$0x2];
	[bflag:$0x3] =	sbarrier.arrive $0xFFFF;
	s2 =	simm.s32 @!p0 $0x1C07  }
0x40e: {  	[timem:s3], [sflag:s2] =	dma.local @!p0 [hbm:s0], s1  }
0x40f: {  	s0 =	simm.s32 @!p0 $0x7  }
0x410: {  	_ =	swait.ge @!p0 [sflag:s0], s1  }
0x411: {  	s1 =	ssub.s32 @!p0 $0x0, s1;
	[sflag:s0] =	ssyncset.done @!p0 $0x0  }
0x412: {  	[sflag:s0] =	ssyncadd.s32 @!p0 s1  }
0x413: {  	[bflag:$0x3] =	sbarrier.arrive $0xFFFF  }
0x414: {  	_ =	shalt  }

</sc_bundles>
